<compile_context>
chip_gen: v7x
topology: tpu7x:2x2x1
jax: 0.10.2.dev20260603
libtpu: 0.0.44.dev20260713+nightly
codegen_flags: <defaults>
</compile_context>

<pallas_src>
import jax
import jax.numpy as jnp
from jax import lax
from jax.experimental import pallas as pl
from jax.experimental.pallas import tpu as pltpu
from jax.experimental.pallas import tpu_sc as plsc

D = 1024
S = 2048
B = 4
NC, NS, L = 2, 16, 16
NW = NC * NS
POSW = S // NW
CR = 16
CPB = POSW // CR
NCHUNK = CPB * B
NBUF = 5
KAHEAD = 3
JPR = D // L


def _emb_body(ids_hbm, table_hbm, pos_hbm, out_hbm, idx_v, pos_v, rows_v,
              *sems):
    gsem = sems[:NBUF]
    osem = sems[NBUF:2 * NBUF]
    psem = sems[2 * NBUF]

    wid = lax.axis_index("s") * NC + lax.axis_index("c")

    pd = [None] * CPB
    pd[0] = pltpu.async_copy(pos_hbm.at[pl.ds(wid * POSW, CR)],
                             pos_v.at[0], psem)

    pltpu.sync_copy(ids_hbm.at[wid], idx_v)

    gd = [None] * NCHUNK
    sd = [None] * NCHUNK

    def idx_of(cc):
        return idx_v.at[cc]

    for cc in range(min(KAHEAD, NCHUNK)):
        gd[cc] = pltpu.async_copy(table_hbm.at[idx_of(cc)],
                                  rows_v.at[cc % NBUF], gsem[cc % NBUF])

    for cc in range(NCHUNK):
        c, b = divmod(cc, B)
        buf = cc % NBUF
        nxt = cc + KAHEAD
        if nxt < NCHUNK:
            if nxt >= NBUF:
                sd[nxt - NBUF].wait()
            gd[nxt] = pltpu.async_copy(table_hbm.at[idx_of(nxt)],
                                       rows_v.at[nxt % NBUF], gsem[nxt % NBUF])
        if b == 0:
            pd[c].wait()
            if c + 1 < CPB:
                pd[c + 1] = pltpu.async_copy(
                    pos_hbm.at[pl.ds(wid * POSW + (c + 1) * CR, CR)],
                    pos_v.at[(c + 1) % 2], psem)
        gd[cc].wait()

        def add_grp(i):
            r = lax.shift_right_logical(i, 6)
            off = (i & (JPR - 1)) * L
            plsc.addupdate(rows_v.at[buf, r, pl.ds(off, L)],
                           pos_v[c % 2, r, pl.ds(off, L)])

        plsc.parallel_loop(0, CR * JPR, unroll=8)(add_grp)

        base = wid * POSW + c * CR
        sd[cc] = pltpu.async_copy(rows_v.at[buf],
                                  out_hbm.at[b, pl.ds(base, CR)], osem[buf])

    for cc in range(max(0, NCHUNK - NBUF), NCHUNK):
        sd[cc].wait()


def kernel(input_ids, word_embeddings, position_embeddings):
    ids = (input_ids.astype(jnp.int32)
           .reshape(B, NW, CPB, CR)
           .transpose(1, 2, 0, 3)
           .reshape(NW, NCHUNK, CR))
    mesh = plsc.VectorSubcoreMesh(core_axis_name="c", subcore_axis_name="s",
                                  num_cores=NC, num_subcores=NS)
    out = pl.kernel(
        _emb_body,
        out_type=jax.ShapeDtypeStruct((B, S, D), jnp.float32),
        mesh=mesh,
        compiler_params=pltpu.CompilerParams(
            disable_bounds_checks=True, disable_semaphore_checks=True),
        scratch_types=[
            pltpu.VMEM((NCHUNK, CR), jnp.int32),
            pltpu.VMEM((2, CR, D), jnp.float32),
            pltpu.VMEM((NBUF, CR, D), jnp.float32),
        ] + [pltpu.SemaphoreType.DMA] * (2 * NBUF + 1),
    )(ids, word_embeddings, position_embeddings)
    return out

# --- scband reference (transcript-rebuilt; emitter-appended) ---
"""Pipeline reference for scband-gpt2-embeddings-37263136260891 (READ-ONLY COPY).

The authoritative reference and input builder live on the scoring server;
editing this copy changes nothing except your own understanding.
"""

import jax, jax.numpy as jnp
import numpy as np

VOCAB = 100000
EMBED_DIM = 1024
MAX_POS = 2048
BATCH = 4
SEQLEN = 2048


def setup_inputs(seed: int = 0) -> dict:
    key = jax.random.key(seed)
    k_ids, k_word, k_pos = jax.random.split(key, 3)
    input_ids = jax.random.randint(k_ids, (BATCH, SEQLEN), 0, VOCAB, dtype=jnp.int64 if jax.config.jax_enable_x64 else jnp.int32)
    word_embeddings = jax.random.normal(k_word, (VOCAB, EMBED_DIM), dtype=jnp.float32) * 0.02
    position_embeddings = jax.random.normal(k_pos, (MAX_POS, EMBED_DIM), dtype=jnp.float32) * 0.02
    return {
        "input_ids": input_ids,
        "word_embeddings": word_embeddings,
        "position_embeddings": position_embeddings,
    }


def reference(input_ids, word_embeddings, position_embeddings):
    batch_size, seqlen = input_ids.shape
    # word embedding lookup (gather)
    embeddings = jnp.take(word_embeddings, input_ids, axis=0)
    # default position_ids = arange(seqlen), shared across batch (broadcast add)
    position_ids = jnp.arange(seqlen, dtype=jnp.int32)
    pos_emb = jnp.take(position_embeddings, position_ids, axis=0)
    embeddings = embeddings + pos_emb[None, :, :]
    return embeddings

if __name__ == "__main__":
    import jax
    _d = setup_inputs()
    print(jax.jit(kernel)(*tuple(_d.values())))

</pallas_src>

<mosaic_0001>
#map = affine_map<(d0, d1) -> (0, 0, 0)>
#map1 = affine_map<(d0, d1) -> (0, 0)>
module attributes {stable_mosaic.version = 14 : i64} {
  func.func @_emb_body(%arg0: i32, %arg1: i32, %arg2: memref<32x16x16xi32, #tpu.memory_space<hbm>>, %arg3: memref<100000x1024xf32, #tpu.memory_space<hbm>>, %arg4: memref<2048x1024xf32, #tpu.memory_space<hbm>>, %arg5: memref<4x2048x1024xf32, #tpu.memory_space<hbm>>, %arg6: memref<16x16xi32, #tpu.memory_space<vmem>>, %arg7: memref<2x16x1024xf32, #tpu.memory_space<vmem>>, %arg8: memref<5x16x1024xf32, #tpu.memory_space<vmem>>, %arg9: memref<!tpu.dma_semaphore, #tpu.memory_space<semaphore_mem>>, %arg10: memref<!tpu.dma_semaphore, #tpu.memory_space<semaphore_mem>>, %arg11: memref<!tpu.dma_semaphore, #tpu.memory_space<semaphore_mem>>, %arg12: memref<!tpu.dma_semaphore, #tpu.memory_space<semaphore_mem>>, %arg13: memref<!tpu.dma_semaphore, #tpu.memory_space<semaphore_mem>>, %arg14: memref<!tpu.dma_semaphore, #tpu.memory_space<semaphore_mem>>, %arg15: memref<!tpu.dma_semaphore, #tpu.memory_space<semaphore_mem>>, %arg16: memref<!tpu.dma_semaphore, #tpu.memory_space<semaphore_mem>>, %arg17: memref<!tpu.dma_semaphore, #tpu.memory_space<semaphore_mem>>, %arg18: memref<!tpu.dma_semaphore, #tpu.memory_space<semaphore_mem>>, %arg19: memref<!tpu.dma_semaphore, #tpu.memory_space<semaphore_mem>>) attributes {dimension_semantics = [#tpu.dimension_semantics<core_parallel>, #tpu.dimension_semantics<subcore_parallel>], iteration_bounds = array<i64: 2, 16>, scalar_prefetch = 0 : i64, scratch_operands = 14 : i64, tpu.core_type = #tpu.core_type<sc_vector_subcore>, window_params = [{transform_indices = #map}, {transform_indices = #map1}, {transform_indices = #map1}, {transform_indices = #map}]} {
    %mul3A = arith.constant 2 : i32
    %mul3A_0 = arith.muli %arg1, %mul3A : i32
    %add3A = arith.addi %mul3A_0, %arg0 : i32
    %mul3A_1 = arith.constant 64 : i32
    %mul3A_2 = arith.muli %add3A, %mul3A_1 : i32
    %dma_start3A = arith.constant 0 : i32
    %dma_start3A_3 = arith.constant 0 : i32
    %dma_start3A_4 = arith.constant 0 : i32
    %dma_start3A_5 = tpu.memref_slice %arg7[%dma_start3A, %dma_start3A_3, %dma_start3A_4] : memref<2x16x1024xf32, #tpu.memory_space<vmem>> -> memref<1x16x1024xf32, #tpu.memory_space<vmem>>
    %dma_start3A_6 = tpu.memref_squeeze %dma_start3A_5 : memref<1x16x1024xf32, #tpu.memory_space<vmem>> -> memref<16x1024xf32, #tpu.memory_space<vmem>>
    %dma_start3A_7 = arith.constant 0 : i32
    %dma_start3A_8 = tpu.memref_slice %arg4[%mul3A_2, %dma_start3A_7] : memref<2048x1024xf32, #tpu.memory_space<hbm>> -> memref<16x1024xf32, #tpu.memory_space<hbm>>
    %dma_start3A_9 = arith.constant 0 : i32
    %dma_start3A_10 = arith.constant 0 : i32
    %dma_start3A_11 = tpu.memref_slice %arg7[%dma_start3A, %dma_start3A_9, %dma_start3A_10] : memref<2x16x1024xf32, #tpu.memory_space<vmem>> -> memref<1x16x1024xf32, #tpu.memory_space<vmem>>
    %dma_start3A_12 = tpu.memref_squeeze %dma_start3A_11 : memref<1x16x1024xf32, #tpu.memory_space<vmem>> -> memref<16x1024xf32, #tpu.memory_space<vmem>>
    %dma_start3A_13 = arith.constant 0 : i32
    %dma_start3A_14 = tpu.memref_slice %arg4[%mul3A_2, %dma_start3A_13] : memref<2048x1024xf32, #tpu.memory_space<hbm>> -> memref<16x1024xf32, #tpu.memory_space<hbm>>
    tpu.enqueue_dma source(%dma_start3A_14 : memref<16x1024xf32, #tpu.memory_space<hbm>>) target(%dma_start3A_12 : memref<16x1024xf32, #tpu.memory_space<vmem>>) target_semaphore(%arg19 : memref<!tpu.dma_semaphore, #tpu.memory_space<semaphore_mem>>)
    "tpu.region"() ({
      %run_scoped3A = tpu.sem_alloc : memref<!tpu.dma_semaphore, #tpu.memory_space<semaphore_mem>>
      %dma_start3A_1124 = arith.constant 0 : i32
      %dma_start3A_1125 = arith.constant 0 : i32
      %dma_start3A_1126 = tpu.memref_slice %arg2[%add3A, %dma_start3A_1124, %dma_start3A_1125] : memref<32x16x16xi32, #tpu.memory_space<hbm>> -> memref<1x16x16xi32, #tpu.memory_space<hbm>>
      %dma_start3A_1127 = tpu.memref_squeeze %dma_start3A_1126 : memref<1x16x16xi32, #tpu.memory_space<hbm>> -> memref<16x16xi32, #tpu.memory_space<hbm>>
      %dma_start3A_1128 = arith.constant 0 : i32
      %dma_start3A_1129 = arith.constant 0 : i32
      %dma_start3A_1130 = tpu.memref_slice %arg2[%add3A, %dma_start3A_1128, %dma_start3A_1129] : memref<32x16x16xi32, #tpu.memory_space<hbm>> -> memref<1x16x16xi32, #tpu.memory_space<hbm>>
      %dma_start3A_1131 = tpu.memref_squeeze %dma_start3A_1130 : memref<1x16x16xi32, #tpu.memory_space<hbm>> -> memref<16x16xi32, #tpu.memory_space<hbm>>
      tpu.enqueue_dma source(%dma_start3A_1131 : memref<16x16xi32, #tpu.memory_space<hbm>>) target(%arg6 : memref<16x16xi32, #tpu.memory_space<vmem>>) target_semaphore(%run_scoped3A : memref<!tpu.dma_semaphore, #tpu.memory_space<semaphore_mem>>)
      %dma_wait3A_1132 = arith.constant 0 : i32
      %dma_wait3A_1133 = arith.constant 0 : i32
      %dma_wait3A_1134 = tpu.memref_slice %arg2[%add3A, %dma_wait3A_1132, %dma_wait3A_1133] : memref<32x16x16xi32, #tpu.memory_space<hbm>> -> memref<1x16x16xi32, #tpu.memory_space<hbm>>
      %dma_wait3A_1135 = tpu.memref_squeeze %dma_wait3A_1134 : memref<1x16x16xi32, #tpu.memory_space<hbm>> -> memref<16x16xi32, #tpu.memory_space<hbm>>
      %dma_wait3A_1136 = arith.constant 0 : i32
      %dma_wait3A_1137 = arith.constant 0 : i32
      %dma_wait3A_1138 = tpu.memref_slice %arg2[%add3A, %dma_wait3A_1136, %dma_wait3A_1137] : memref<32x16x16xi32, #tpu.memory_space<hbm>> -> memref<1x16x16xi32, #tpu.memory_space<hbm>>
      %dma_wait3A_1139 = tpu.memref_squeeze %dma_wait3A_1138 : memref<1x16x16xi32, #tpu.memory_space<hbm>> -> memref<16x16xi32, #tpu.memory_space<hbm>>
      tpu.wait_dma2 semaphore(%run_scoped3A : memref<!tpu.dma_semaphore, #tpu.memory_space<semaphore_mem>>) src(%dma_wait3A_1139 : memref<16x16xi32, #tpu.memory_space<hbm>>) dst(%arg6 : memref<16x16xi32, #tpu.memory_space<vmem>>)
      tpu.yield
    }) : () -> ()
    %dma_start3A_15 = arith.constant 0 : i32
    %dma_start3A_16 = arith.constant 0 : i32
    %dma_start3A_17 = arith.constant 0 : i32
    %dma_start3A_18 = arith.constant 0 : i32
    %dma_start3A_19 = tpu.memref_slice %arg8[%dma_start3A_16, %dma_start3A_17, %dma_start3A_18] : memref<5x16x1024xf32, #tpu.memory_space<vmem>> -> memref<1x16x1024xf32, #tpu.memory_space<vmem>>
    %dma_start3A_20 = tpu.memref_squeeze %dma_start3A_19 : memref<1x16x1024xf32, #tpu.memory_space<vmem>> -> memref<16x1024xf32, #tpu.memory_space<vmem>>
    %dma_start3A_21 = arith.constant 0 : i32
    %dma_start3A_22 = tpu.memref_slice %arg6[%dma_start3A_15, %dma_start3A_21] : memref<16x16xi32, #tpu.memory_space<vmem>> -> memref<1x16xi32, #tpu.memory_space<vmem>>
    %dma_start3A_23 = tpu.memref_squeeze %dma_start3A_22 : memref<1x16xi32, #tpu.memory_space<vmem>> -> memref<16xi32, #tpu.memory_space<vmem>>
    %dma_start3A_24 = arith.constant 0 : i32
    %dma_start3A_25 = arith.constant 0 : i32
    %dma_start3A_26 = tpu.memref_slice %arg3[%dma_start3A_24, %dma_start3A_25] : memref<100000x1024xf32, #tpu.memory_space<hbm>> -> memref<100000x1024xf32, #tpu.memory_space<hbm>>
    tpu.enqueue_indirect_dma source(%dma_start3A_26 : memref<100000x1024xf32, #tpu.memory_space<hbm>>) target(%dma_start3A_20 : memref<16x1024xf32, #tpu.memory_space<vmem>>) offsets(%dma_start3A_23 : memref<16xi32, #tpu.memory_space<vmem>>) semaphore(%arg9 : memref<!tpu.dma_semaphore, #tpu.memory_space<semaphore_mem>>)
    %dma_start3A_27 = arith.constant 1 : i32
    %dma_start3A_28 = arith.constant 1 : i32
    %dma_start3A_29 = arith.constant 0 : i32
    %dma_start3A_30 = arith.constant 0 : i32
    %dma_start3A_31 = tpu.memref_slice %arg8[%dma_start3A_28, %dma_start3A_29, %dma_start3A_30] : memref<5x16x1024xf32, #tpu.memory_space<vmem>> -> memref<1x16x1024xf32, #tpu.memory_space<vmem>>
    %dma_start3A_32 = tpu.memref_squeeze %dma_start3A_31 : memref<1x16x1024xf32, #tpu.memory_space<vmem>> -> memref<16x1024xf32, #tpu.memory_space<vmem>>
    %dma_start3A_33 = arith.constant 0 : i32
    %dma_start3A_34 = tpu.memref_slice %arg6[%dma_start3A_27, %dma_start3A_33] : memref<16x16xi32, #tpu.memory_space<vmem>> -> memref<1x16xi32, #tpu.memory_space<vmem>>
    %dma_start3A_35 = tpu.memref_squeeze %dma_start3A_34 : memref<1x16xi32, #tpu.memory_space<vmem>> -> memref<16xi32, #tpu.memory_space<vmem>>
    %dma_start3A_36 = arith.constant 0 : i32
    %dma_start3A_37 = arith.constant 0 : i32
    %dma_start3A_38 = tpu.memref_slice %arg3[%dma_start3A_36, %dma_start3A_37] : memref<100000x1024xf32, #tpu.memory_space<hbm>> -> memref<100000x1024xf32, #tpu.memory_space<hbm>>
    tpu.enqueue_indirect_dma source(%dma_start3A_38 : memref<100000x1024xf32, #tpu.memory_space<hbm>>) target(%dma_start3A_32 : memref<16x1024xf32, #tpu.memory_space<vmem>>) offsets(%dma_start3A_35 : memref<16xi32, #tpu.memory_space<vmem>>) semaphore(%arg10 : memref<!tpu.dma_semaphore, #tpu.memory_space<semaphore_mem>>)
    %dma_start3A_39 = arith.constant 2 : i32
    %dma_start3A_40 = arith.constant 2 : i32
    %dma_start3A_41 = arith.constant 0 : i32
    %dma_start3A_42 = arith.constant 0 : i32
    %dma_start3A_43 = tpu.memref_slice %arg8[%dma_start3A_40, %dma_start3A_41, %dma_start3A_42] : memref<5x16x1024xf32, #tpu.memory_space<vmem>> -> memref<1x16x1024xf32, #tpu.memory_space<vmem>>
    %dma_start3A_44 = tpu.memref_squeeze %dma_start3A_43 : memref<1x16x1024xf32, #tpu.memory_space<vmem>> -> memref<16x1024xf32, #tpu.memory_space<vmem>>
    %dma_start3A_45 = arith.constant 0 : i32
    %dma_start3A_46 = tpu.memref_slice %arg6[%dma_start3A_39, %dma_start3A_45] : memref<16x16xi32, #tpu.memory_space<vmem>> -> memref<1x16xi32, #tpu.memory_space<vmem>>
    %dma_start3A_47 = tpu.memref_squeeze %dma_start3A_46 : memref<1x16xi32, #tpu.memory_space<vmem>> -> memref<16xi32, #tpu.memory_space<vmem>>
    %dma_start3A_48 = arith.constant 0 : i32
    %dma_start3A_49 = arith.constant 0 : i32
    %dma_start3A_50 = tpu.memref_slice %arg3[%dma_start3A_48, %dma_start3A_49] : memref<100000x1024xf32, #tpu.memory_space<hbm>> -> memref<100000x1024xf32, #tpu.memory_space<hbm>>
    tpu.enqueue_indirect_dma source(%dma_start3A_50 : memref<100000x1024xf32, #tpu.memory_space<hbm>>) target(%dma_start3A_44 : memref<16x1024xf32, #tpu.memory_space<vmem>>) offsets(%dma_start3A_47 : memref<16xi32, #tpu.memory_space<vmem>>) semaphore(%arg11 : memref<!tpu.dma_semaphore, #tpu.memory_space<semaphore_mem>>)
    %dma_start3A_51 = arith.constant 3 : i32
    %dma_start3A_52 = arith.constant 3 : i32
    %dma_start3A_53 = arith.constant 0 : i32
    %dma_start3A_54 = arith.constant 0 : i32
    %dma_start3A_55 = tpu.memref_slice %arg8[%dma_start3A_52, %dma_start3A_53, %dma_start3A_54] : memref<5x16x1024xf32, #tpu.memory_space<vmem>> -> memref<1x16x1024xf32, #tpu.memory_space<vmem>>
    %dma_start3A_56 = tpu.memref_squeeze %dma_start3A_55 : memref<1x16x1024xf32, #tpu.memory_space<vmem>> -> memref<16x1024xf32, #tpu.memory_space<vmem>>
    %dma_start3A_57 = arith.constant 0 : i32
    %dma_start3A_58 = tpu.memref_slice %arg6[%dma_start3A_51, %dma_start3A_57] : memref<16x16xi32, #tpu.memory_space<vmem>> -> memref<1x16xi32, #tpu.memory_space<vmem>>
    %dma_start3A_59 = tpu.memref_squeeze %dma_start3A_58 : memref<1x16xi32, #tpu.memory_space<vmem>> -> memref<16xi32, #tpu.memory_space<vmem>>
    %dma_start3A_60 = arith.constant 0 : i32
    %dma_start3A_61 = arith.constant 0 : i32
    %dma_start3A_62 = tpu.memref_slice %arg3[%dma_start3A_60, %dma_start3A_61] : memref<100000x1024xf32, #tpu.memory_space<hbm>> -> memref<100000x1024xf32, #tpu.memory_space<hbm>>
    tpu.enqueue_indirect_dma source(%dma_start3A_62 : memref<100000x1024xf32, #tpu.memory_space<hbm>>) target(%dma_start3A_56 : memref<16x1024xf32, #tpu.memory_space<vmem>>) offsets(%dma_start3A_59 : memref<16xi32, #tpu.memory_space<vmem>>) semaphore(%arg12 : memref<!tpu.dma_semaphore, #tpu.memory_space<semaphore_mem>>)
    %dma_wait3A = arith.constant 0 : i32
    %dma_wait3A_63 = arith.constant 0 : i32
    %dma_wait3A_64 = arith.constant 0 : i32
    %dma_wait3A_65 = tpu.memref_slice %arg7[%dma_wait3A, %dma_wait3A_63, %dma_wait3A_64] : memref<2x16x1024xf32, #tpu.memory_space<vmem>> -> memref<1x16x1024xf32, #tpu.memory_space<vmem>>
    %dma_wait3A_66 = tpu.memref_squeeze %dma_wait3A_65 : memref<1x16x1024xf32, #tpu.memory_space<vmem>> -> memref<16x1024xf32, #tpu.memory_space<vmem>>
    %dma_wait3A_67 = arith.constant 0 : i32
    %dma_wait3A_68 = tpu.memref_slice %arg4[%mul3A_2, %dma_wait3A_67] : memref<2048x1024xf32, #tpu.memory_space<hbm>> -> memref<16x1024xf32, #tpu.memory_space<hbm>>
    %dma_wait3A_69 = arith.constant 0 : i32
    %dma_wait3A_70 = arith.constant 0 : i32
    %dma_wait3A_71 = tpu.memref_slice %arg7[%dma_wait3A, %dma_wait3A_69, %dma_wait3A_70] : memref<2x16x1024xf32, #tpu.memory_space<vmem>> -> memref<1x16x1024xf32, #tpu.memory_space<vmem>>
    %dma_wait3A_72 = tpu.memref_squeeze %dma_wait3A_71 : memref<1x16x1024xf32, #tpu.memory_space<vmem>> -> memref<16x1024xf32, #tpu.memory_space<vmem>>
    %dma_wait3A_73 = arith.constant 0 : i32
    %dma_wait3A_74 = tpu.memref_slice %arg4[%mul3A_2, %dma_wait3A_73] : memref<2048x1024xf32, #tpu.memory_space<hbm>> -> memref<16x1024xf32, #tpu.memory_space<hbm>>
    tpu.wait_dma2 semaphore(%arg19 : memref<!tpu.dma_semaphore, #tpu.memory_space<semaphore_mem>>) src(%dma_wait3A_74 : memref<16x1024xf32, #tpu.memory_space<hbm>>) dst(%dma_wait3A_72 : memref<16x1024xf32, #tpu.memory_space<vmem>>)
    %mul3A_75 = arith.constant 64 : i32
    %mul3A_76 = arith.muli %add3A, %mul3A_75 : i32
    %add3A_77 = arith.constant 16 : i32
    %add3A_78 = arith.addi %mul3A_76, %add3A_77 : i32
    %dma_start3A_79 = arith.constant 1 : i32
    %dma_start3A_80 = arith.constant 0 : i32
    %dma_start3A_81 = arith.constant 0 : i32
    %dma_start3A_82 = tpu.memref_slice %arg7[%dma_start3A_79, %dma_start3A_80, %dma_start3A_81] : memref<2x16x1024xf32, #tpu.memory_space<vmem>> -> memref<1x16x1024xf32, #tpu.memory_space<vmem>>
    %dma_start3A_83 = tpu.memref_squeeze %dma_start3A_82 : memref<1x16x1024xf32, #tpu.memory_space<vmem>> -> memref<16x1024xf32, #tpu.memory_space<vmem>>
    %dma_start3A_84 = arith.constant 0 : i32
    %dma_start3A_85 = tpu.memref_slice %arg4[%add3A_78, %dma_start3A_84] : memref<2048x1024xf32, #tpu.memory_space<hbm>> -> memref<16x1024xf32, #tpu.memory_space<hbm>>
    %dma_start3A_86 = arith.constant 0 : i32
    %dma_start3A_87 = arith.constant 0 : i32
    %dma_start3A_88 = tpu.memref_slice %arg7[%dma_start3A_79, %dma_start3A_86, %dma_start3A_87] : memref<2x16x1024xf32, #tpu.memory_space<vmem>> -> memref<1x16x1024xf32, #tpu.memory_space<vmem>>
    %dma_start3A_89 = tpu.memref_squeeze %dma_start3A_88 : memref<1x16x1024xf32, #tpu.memory_space<vmem>> -> memref<16x1024xf32, #tpu.memory_space<vmem>>
    %dma_start3A_90 = arith.constant 0 : i32
    %dma_start3A_91 = tpu.memref_slice %arg4[%add3A_78, %dma_start3A_90] : memref<2048x1024xf32, #tpu.memory_space<hbm>> -> memref<16x1024xf32, #tpu.memory_space<hbm>>
    tpu.enqueue_dma source(%dma_start3A_91 : memref<16x1024xf32, #tpu.memory_space<hbm>>) target(%dma_start3A_89 : memref<16x1024xf32, #tpu.memory_space<vmem>>) target_semaphore(%arg19 : memref<!tpu.dma_semaphore, #tpu.memory_space<semaphore_mem>>)
    %dma_wait3A_92 = arith.constant 0 : i32
    %dma_wait3A_93 = arith.constant 0 : i32
    %dma_wait3A_94 = arith.constant 0 : i32
    %dma_wait3A_95 = arith.constant 0 : i32
    %dma_wait3A_96 = tpu.memref_slice %arg8[%dma_wait3A_93, %dma_wait3A_94, %dma_wait3A_95] : memref<5x16x1024xf32, #tpu.memory_space<vmem>> -> memref<1x16x1024xf32, #tpu.memory_space<vmem>>
    %dma_wait3A_97 = tpu.memref_squeeze %dma_wait3A_96 : memref<1x16x1024xf32, #tpu.memory_space<vmem>> -> memref<16x1024xf32, #tpu.memory_space<vmem>>
    %dma_wait3A_98 = arith.constant 0 : i32
    %dma_wait3A_99 = tpu.memref_slice %arg6[%dma_wait3A_92, %dma_wait3A_98] : memref<16x16xi32, #tpu.memory_space<vmem>> -> memref<1x16xi32, #tpu.memory_space<vmem>>
    %dma_wait3A_100 = tpu.memref_squeeze %dma_wait3A_99 : memref<1x16xi32, #tpu.memory_space<vmem>> -> memref<16xi32, #tpu.memory_space<vmem>>
    %dma_wait3A_101 = arith.constant 0 : i32
    %dma_wait3A_102 = arith.constant 0 : i32
    %dma_wait3A_103 = tpu.memref_slice %arg3[%dma_wait3A_101, %dma_wait3A_102] : memref<100000x1024xf32, #tpu.memory_space<hbm>> -> memref<100000x1024xf32, #tpu.memory_space<hbm>>
    tpu.wait_indirect_dma semaphore(%arg9 : memref<!tpu.dma_semaphore, #tpu.memory_space<semaphore_mem>>) src(%dma_wait3A_103 : memref<100000x1024xf32, #tpu.memory_space<hbm>>) dst(%dma_wait3A_97 : memref<16x1024xf32, #tpu.memory_space<vmem>>)
    %parallel_loop3A = arith.constant 0 : i32
    %parallel_loop3A_104 = arith.constant 1024 : i32
    %parallel_loop3A_105 = arith.constant 1 : i32
    scf.for %parallel_loop3A_1124 = %parallel_loop3A to %parallel_loop3A_104 step %parallel_loop3A_105  : i32 {
      %parallel_loop3A_1125 = arith.constant 6 : i32
      %parallel_loop3A_1126 = arith.shrui %parallel_loop3A_1124, %parallel_loop3A_1125 : i32
      %parallel_loop3A_1127 = arith.constant 63 : i32
      %parallel_loop3A_1128 = arith.andi %parallel_loop3A_1124, %parallel_loop3A_1127 : i32
      %parallel_loop3A_1129 = arith.constant 16 : i32
      %parallel_loop3A_1130 = arith.muli %parallel_loop3A_1128, %parallel_loop3A_1129 : i32
      %parallel_loop3A_1131 = arith.constant 0 : i32
      %parallel_loop3A_1132 = arith.index_cast %parallel_loop3A_1131 : i32 to index
      %parallel_loop3A_1133 = arith.index_cast %parallel_loop3A_1126 : i32 to index
      %parallel_loop3A_1134 = arith.index_cast %parallel_loop3A_1130 : i32 to index
      %parallel_loop3A_1135 = tpu.vector_load %arg7[%parallel_loop3A_1132, %parallel_loop3A_1133, %parallel_loop3A_1134] {strides = array<i32>} : memref<2x16x1024xf32, #tpu.memory_space<vmem>>, vector<1x1x16xf32>,
      %parallel_loop3A_1136 = vector.shape_cast %parallel_loop3A_1135 : vector<1x1x16xf32> to vector<16xf32>
      %parallel_loop3A_1137 = arith.constant 0 : i32
      %parallel_loop3A_1138 = arith.index_cast %parallel_loop3A_1137 : i32 to index
      %parallel_loop3A_1139 = arith.index_cast %parallel_loop3A_1126 : i32 to index
      %parallel_loop3A_1140 = arith.index_cast %parallel_loop3A_1130 : i32 to index
      %parallel_loop3A_1141 = tpu.vector_load %arg8[%parallel_loop3A_1138, %parallel_loop3A_1139, %parallel_loop3A_1140] {strides = array<i32>} : memref<5x16x1024xf32, #tpu.memory_space<vmem>>, vector<1x1x16xf32>,
      %parallel_loop3A_1142 = vector.shape_cast %parallel_loop3A_1141 : vector<1x1x16xf32> to vector<16xf32>
      %parallel_loop3A_1143 = vector.shape_cast %parallel_loop3A_1136 : vector<16xf32> to vector<1x1x16xf32>
      tpu.vector_store %arg8[%parallel_loop3A_1138, %parallel_loop3A_1139, %parallel_loop3A_1140], %parallel_loop3A_1143 {add = true, strides = array<i32>} : memref<5x16x1024xf32, #tpu.memory_space<vmem>>, vector<1x1x16xf32>,
    } {sc.loop_unroll_factor = 8 : i64, sc.parallel_access}
    %mul3A_106 = arith.constant 64 : i32
    %mul3A_107 = arith.muli %add3A, %mul3A_106 : i32
    %add3A_108 = arith.constant 0 : i32
    %add3A_109 = arith.addi %mul3A_107, %add3A_108 : i32
    %dma_start3A_110 = arith.constant 0 : i32
    %dma_start3A_111 = arith.constant 0 : i32
    %dma_start3A_112 = arith.constant 0 : i32
    %dma_start3A_113 = arith.constant 0 : i32
    %dma_start3A_114 = tpu.memref_slice %arg8[%dma_start3A_110, %dma_start3A_112, %dma_start3A_113] : memref<5x16x1024xf32, #tpu.memory_space<vmem>> -> memref<1x16x1024xf32, #tpu.memory_space<vmem>>
    %dma_start3A_115 = tpu.memref_squeeze %dma_start3A_114 : memref<1x16x1024xf32, #tpu.memory_space<vmem>> -> memref<16x1024xf32, #tpu.memory_space<vmem>>
    %dma_start3A_116 = arith.constant 0 : i32
    %dma_start3A_117 = tpu.memref_slice %arg5[%dma_start3A_111, %add3A_109, %dma_start3A_116] : memref<4x2048x1024xf32, #tpu.memory_space<hbm>> -> memref<1x16x1024xf32, #tpu.memory_space<hbm>>
    %dma_start3A_118 = tpu.memref_squeeze %dma_start3A_117 : memref<1x16x1024xf32, #tpu.memory_space<hbm>> -> memref<16x1024xf32, #tpu.memory_space<hbm>>
    %dma_start3A_119 = arith.constant 0 : i32
    %dma_start3A_120 = tpu.memref_slice %arg5[%dma_start3A_111, %add3A_109, %dma_start3A_119] : memref<4x2048x1024xf32, #tpu.memory_space<hbm>> -> memref<1x16x1024xf32, #tpu.memory_space<hbm>>
    %dma_start3A_121 = tpu.memref_squeeze %dma_start3A_120 : memref<1x16x1024xf32, #tpu.memory_space<hbm>> -> memref<16x1024xf32, #tpu.memory_space<hbm>>
    %dma_start3A_122 = arith.constant 0 : i32
    %dma_start3A_123 = arith.constant 0 : i32
    %dma_start3A_124 = tpu.memref_slice %arg8[%dma_start3A_110, %dma_start3A_122, %dma_start3A_123] : memref<5x16x1024xf32, #tpu.memory_space<vmem>> -> memref<1x16x1024xf32, #tpu.memory_space<vmem>>
    %dma_start3A_125 = tpu.memref_squeeze %dma_start3A_124 : memref<1x16x1024xf32, #tpu.memory_space<vmem>> -> memref<16x1024xf32, #tpu.memory_space<vmem>>
    tpu.enqueue_dma source(%dma_start3A_125 : memref<16x1024xf32, #tpu.memory_space<vmem>>) target(%dma_start3A_121 : memref<16x1024xf32, #tpu.memory_space<hbm>>) target_semaphore(%arg14 : memref<!tpu.dma_semaphore, #tpu.memory_space<semaphore_mem>>)
    %dma_start3A_126 = arith.constant 4 : i32
    %dma_start3A_127 = arith.constant 4 : i32
    %dma_start3A_128 = arith.constant 0 : i32
    %dma_start3A_129 = arith.constant 0 : i32
    %dma_start3A_130 = tpu.memref_slice %arg8[%dma_start3A_127, %dma_start3A_128, %dma_start3A_129] : memref<5x16x1024xf32, #tpu.memory_space<vmem>> -> memref<1x16x1024xf32, #tpu.memory_space<vmem>>
    %dma_start3A_131 = tpu.memref_squeeze %dma_start3A_130 : memref<1x16x1024xf32, #tpu.memory_space<vmem>> -> memref<16x1024xf32, #tpu.memory_space<vmem>>
    %dma_start3A_132 = arith.constant 0 : i32
    %dma_start3A_133 = tpu.memref_slice %arg6[%dma_start3A_126, %dma_start3A_132] : memref<16x16xi32, #tpu.memory_space<vmem>> -> memref<1x16xi32, #tpu.memory_space<vmem>>
    %dma_start3A_134 = tpu.memref_squeeze %dma_start3A_133 : memref<1x16xi32, #tpu.memory_space<vmem>> -> memref<16xi32, #tpu.memory_space<vmem>>
    %dma_start3A_135 = arith.constant 0 : i32
    %dma_start3A_136 = arith.constant 0 : i32
    %dma_start3A_137 = tpu.memref_slice %arg3[%dma_start3A_135, %dma_start3A_136] : memref<100000x1024xf32, #tpu.memory_space<hbm>> -> memref<100000x1024xf32, #tpu.memory_space<hbm>>
    tpu.enqueue_indirect_dma source(%dma_start3A_137 : memref<100000x1024xf32, #tpu.memory_space<hbm>>) target(%dma_start3A_131 : memref<16x1024xf32, #tpu.memory_space<vmem>>) offsets(%dma_start3A_134 : memref<16xi32, #tpu.memory_space<vmem>>) semaphore(%arg13 : memref<!tpu.dma_semaphore, #tpu.memory_space<semaphore_mem>>)
    %dma_wait3A_138 = arith.constant 1 : i32
    %dma_wait3A_139 = arith.constant 1 : i32
    %dma_wait3A_140 = arith.constant 0 : i32
    %dma_wait3A_141 = arith.constant 0 : i32
    %dma_wait3A_142 = tpu.memref_slice %arg8[%dma_wait3A_139, %dma_wait3A_140, %dma_wait3A_141] : memref<5x16x1024xf32, #tpu.memory_space<vmem>> -> memref<1x16x1024xf32, #tpu.memory_space<vmem>>
    %dma_wait3A_143 = tpu.memref_squeeze %dma_wait3A_142 : memref<1x16x1024xf32, #tpu.memory_space<vmem>> -> memref<16x1024xf32, #tpu.memory_space<vmem>>
    %dma_wait3A_144 = arith.constant 0 : i32
    %dma_wait3A_145 = tpu.memref_slice %arg6[%dma_wait3A_138, %dma_wait3A_144] : memref<16x16xi32, #tpu.memory_space<vmem>> -> memref<1x16xi32, #tpu.memory_space<vmem>>
    %dma_wait3A_146 = tpu.memref_squeeze %dma_wait3A_145 : memref<1x16xi32, #tpu.memory_space<vmem>> -> memref<16xi32, #tpu.memory_space<vmem>>
    %dma_wait3A_147 = arith.constant 0 : i32
    %dma_wait3A_148 = arith.constant 0 : i32
    %dma_wait3A_149 = tpu.memref_slice %arg3[%dma_wait3A_147, %dma_wait3A_148] : memref<100000x1024xf32, #tpu.memory_space<hbm>> -> memref<100000x1024xf32, #tpu.memory_space<hbm>>
    tpu.wait_indirect_dma semaphore(%arg10 : memref<!tpu.dma_semaphore, #tpu.memory_space<semaphore_mem>>) src(%dma_wait3A_149 : memref<100000x1024xf32, #tpu.memory_space<hbm>>) dst(%dma_wait3A_143 : memref<16x1024xf32, #tpu.memory_space<vmem>>)
    %parallel_loop3A_150 = arith.constant 0 : i32
    %parallel_loop3A_151 = arith.constant 1024 : i32
    %parallel_loop3A_152 = arith.constant 1 : i32
    scf.for %parallel_loop3A_1124 = %parallel_loop3A_150 to %parallel_loop3A_151 step %parallel_loop3A_152  : i32 {
      %parallel_loop3A_1125 = arith.constant 6 : i32
      %parallel_loop3A_1126 = arith.shrui %parallel_loop3A_1124, %parallel_loop3A_1125 : i32
      %parallel_loop3A_1127 = arith.constant 63 : i32
      %parallel_loop3A_1128 = arith.andi %parallel_loop3A_1124, %parallel_loop3A_1127 : i32
      %parallel_loop3A_1129 = arith.constant 16 : i32
      %parallel_loop3A_1130 = arith.muli %parallel_loop3A_1128, %parallel_loop3A_1129 : i32
      %parallel_loop3A_1131 = arith.constant 0 : i32
      %parallel_loop3A_1132 = arith.index_cast %parallel_loop3A_1131 : i32 to index
      %parallel_loop3A_1133 = arith.index_cast %parallel_loop3A_1126 : i32 to index
      %parallel_loop3A_1134 = arith.index_cast %parallel_loop3A_1130 : i32 to index
      %parallel_loop3A_1135 = tpu.vector_load %arg7[%parallel_loop3A_1132, %parallel_loop3A_1133, %parallel_loop3A_1134] {strides = array<i32>} : memref<2x16x1024xf32, #tpu.memory_space<vmem>>, vector<1x1x16xf32>,
      %parallel_loop3A_1136 = vector.shape_cast %parallel_loop3A_1135 : vector<1x1x16xf32> to vector<16xf32>
      %parallel_loop3A_1137 = arith.constant 1 : i32
      %parallel_loop3A_1138 = arith.index_cast %parallel_loop3A_1137 : i32 to index
      %parallel_loop3A_1139 = arith.index_cast %parallel_loop3A_1126 : i32 to index
      %parallel_loop3A_1140 = arith.index_cast %parallel_loop3A_1130 : i32 to index
      %parallel_loop3A_1141 = tpu.vector_load %arg8[%parallel_loop3A_1138, %parallel_loop3A_1139, %parallel_loop3A_1140] {strides = array<i32>} : memref<5x16x1024xf32, #tpu.memory_space<vmem>>, vector<1x1x16xf32>,
      %parallel_loop3A_1142 = vector.shape_cast %parallel_loop3A_1141 : vector<1x1x16xf32> to vector<16xf32>
      %parallel_loop3A_1143 = vector.shape_cast %parallel_loop3A_1136 : vector<16xf32> to vector<1x1x16xf32>
      tpu.vector_store %arg8[%parallel_loop3A_1138, %parallel_loop3A_1139, %parallel_loop3A_1140], %parallel_loop3A_1143 {add = true, strides = array<i32>} : memref<5x16x1024xf32, #tpu.memory_space<vmem>>, vector<1x1x16xf32>,
    } {sc.loop_unroll_factor = 8 : i64, sc.parallel_access}
    %mul3A_153 = arith.constant 64 : i32
    %mul3A_154 = arith.muli %add3A, %mul3A_153 : i32
    %add3A_155 = arith.constant 0 : i32
    %add3A_156 = arith.addi %mul3A_154, %add3A_155 : i32
    %dma_start3A_157 = arith.constant 1 : i32
    %dma_start3A_158 = arith.constant 1 : i32
    %dma_start3A_159 = arith.constant 0 : i32
    %dma_start3A_160 = arith.constant 0 : i32
    %dma_start3A_161 = tpu.memref_slice %arg8[%dma_start3A_157, %dma_start3A_159, %dma_start3A_160] : memref<5x16x1024xf32, #tpu.memory_space<vmem>> -> memref<1x16x1024xf32, #tpu.memory_space<vmem>>
    %dma_start3A_162 = tpu.memref_squeeze %dma_start3A_161 : memref<1x16x1024xf32, #tpu.memory_space<vmem>> -> memref<16x1024xf32, #tpu.memory_space<vmem>>
    %dma_start3A_163 = arith.constant 0 : i32
    %dma_start3A_164 = tpu.memref_slice %arg5[%dma_start3A_158, %add3A_156, %dma_start3A_163] : memref<4x2048x1024xf32, #tpu.memory_space<hbm>> -> memref<1x16x1024xf32, #tpu.memory_space<hbm>>
    %dma_start3A_165 = tpu.memref_squeeze %dma_start3A_164 : memref<1x16x1024xf32, #tpu.memory_space<hbm>> -> memref<16x1024xf32, #tpu.memory_space<hbm>>
    %dma_start3A_166 = arith.constant 0 : i32
    %dma_start3A_167 = tpu.memref_slice %arg5[%dma_start3A_158, %add3A_156, %dma_start3A_166] : memref<4x2048x1024xf32, #tpu.memory_space<hbm>> -> memref<1x16x1024xf32, #tpu.memory_space<hbm>>
    %dma_start3A_168 = tpu.memref_squeeze %dma_start3A_167 : memref<1x16x1024xf32, #tpu.memory_space<hbm>> -> memref<16x1024xf32, #tpu.memory_space<hbm>>
    %dma_start3A_169 = arith.constant 0 : i32
    %dma_start3A_170 = arith.constant 0 : i32
    %dma_start3A_171 = tpu.memref_slice %arg8[%dma_start3A_157, %dma_start3A_169, %dma_start3A_170] : memref<5x16x1024xf32, #tpu.memory_space<vmem>> -> memref<1x16x1024xf32, #tpu.memory_space<vmem>>
    %dma_start3A_172 = tpu.memref_squeeze %dma_start3A_171 : memref<1x16x1024xf32, #tpu.memory_space<vmem>> -> memref<16x1024xf32, #tpu.memory_space<vmem>>
    tpu.enqueue_dma source(%dma_start3A_172 : memref<16x1024xf32, #tpu.memory_space<vmem>>) target(%dma_start3A_168 : memref<16x1024xf32, #tpu.memory_space<hbm>>) target_semaphore(%arg15 : memref<!tpu.dma_semaphore, #tpu.memory_space<semaphore_mem>>)
    %dma_wait3A_173 = arith.constant 0 : i32
    %dma_wait3A_174 = arith.constant 0 : i32
    %dma_wait3A_175 = arith.constant 0 : i32
    %dma_wait3A_176 = arith.constant 0 : i32
    %dma_wait3A_177 = tpu.memref_slice %arg8[%dma_wait3A_173, %dma_wait3A_175, %dma_wait3A_176] : memref<5x16x1024xf32, #tpu.memory_space<vmem>> -> memref<1x16x1024xf32, #tpu.memory_space<vmem>>
    %dma_wait3A_178 = tpu.memref_squeeze %dma_wait3A_177 : memref<1x16x1024xf32, #tpu.memory_space<vmem>> -> memref<16x1024xf32, #tpu.memory_space<vmem>>
    %dma_wait3A_179 = arith.constant 0 : i32
    %dma_wait3A_180 = tpu.memref_slice %arg5[%dma_wait3A_174, %add3A_109, %dma_wait3A_179] : memref<4x2048x1024xf32, #tpu.memory_space<hbm>> -> memref<1x16x1024xf32, #tpu.memory_space<hbm>>
    %dma_wait3A_181 = tpu.memref_squeeze %dma_wait3A_180 : memref<1x16x1024xf32, #tpu.memory_space<hbm>> -> memref<16x1024xf32, #tpu.memory_space<hbm>>
    %dma_wait3A_182 = arith.constant 0 : i32
    %dma_wait3A_183 = tpu.memref_slice %arg5[%dma_wait3A_174, %add3A_109, %dma_wait3A_182] : memref<4x2048x1024xf32, #tpu.memory_space<hbm>> -> memref<1x16x1024xf32, #tpu.memory_space<hbm>>
    %dma_wait3A_184 = tpu.memref_squeeze %dma_wait3A_183 : memref<1x16x1024xf32, #tpu.memory_space<hbm>> -> memref<16x1024xf32, #tpu.memory_space<hbm>>
    %dma_wait3A_185 = arith.constant 0 : i32
    %dma_wait3A_186 = arith.constant 0 : i32
    %dma_wait3A_187 = tpu.memref_slice %arg8[%dma_wait3A_173, %dma_wait3A_185, %dma_wait3A_186] : memref<5x16x1024xf32, #tpu.memory_space<vmem>> -> memref<1x16x1024xf32, #tpu.memory_space<vmem>>
    %dma_wait3A_188 = tpu.memref_squeeze %dma_wait3A_187 : memref<1x16x1024xf32, #tpu.memory_space<vmem>> -> memref<16x1024xf32, #tpu.memory_space<vmem>>
    tpu.wait_dma2 semaphore(%arg14 : memref<!tpu.dma_semaphore, #tpu.memory_space<semaphore_mem>>) src(%dma_wait3A_188 : memref<16x1024xf32, #tpu.memory_space<vmem>>) dst(%dma_wait3A_184 : memref<16x1024xf32, #tpu.memory_space<hbm>>)
    %dma_start3A_189 = arith.constant 5 : i32
    %dma_start3A_190 = arith.constant 0 : i32
    %dma_start3A_191 = arith.constant 0 : i32
    %dma_start3A_192 = arith.constant 0 : i32
    %dma_start3A_193 = tpu.memref_slice %arg8[%dma_start3A_190, %dma_start3A_191, %dma_start3A_192] : memref<5x16x1024xf32, #tpu.memory_space<vmem>> -> memref<1x16x1024xf32, #tpu.memory_space<vmem>>
    %dma_start3A_194 = tpu.memref_squeeze %dma_start3A_193 : memref<1x16x1024xf32, #tpu.memory_space<vmem>> -> memref<16x1024xf32, #tpu.memory_space<vmem>>
    %dma_start3A_195 = arith.constant 0 : i32
    %dma_start3A_196 = tpu.memref_slice %arg6[%dma_start3A_189, %dma_start3A_195] : memref<16x16xi32, #tpu.memory_space<vmem>> -> memref<1x16xi32, #tpu.memory_space<vmem>>
    %dma_start3A_197 = tpu.memref_squeeze %dma_start3A_196 : memref<1x16xi32, #tpu.memory_space<vmem>> -> memref<16xi32, #tpu.memory_space<vmem>>
    %dma_start3A_198 = arith.constant 0 : i32
    %dma_start3A_199 = arith.constant 0 : i32
    %dma_start3A_200 = tpu.memref_slice %arg3[%dma_start3A_198, %dma_start3A_199] : memref<100000x1024xf32, #tpu.memory_space<hbm>> -> memref<100000x1024xf32, #tpu.memory_space<hbm>>
    tpu.enqueue_indirect_dma source(%dma_start3A_200 : memref<100000x1024xf32, #tpu.memory_space<hbm>>) target(%dma_start3A_194 : memref<16x1024xf32, #tpu.memory_space<vmem>>) offsets(%dma_start3A_197 : memref<16xi32, #tpu.memory_space<vmem>>) semaphore(%arg9 : memref<!tpu.dma_semaphore, #tpu.memory_space<semaphore_mem>>)
    %dma_wait3A_201 = arith.constant 2 : i32
    %dma_wait3A_202 = arith.constant 2 : i32
    %dma_wait3A_203 = arith.constant 0 : i32
    %dma_wait3A_204 = arith.constant 0 : i32
    %dma_wait3A_205 = tpu.memref_slice %arg8[%dma_wait3A_202, %dma_wait3A_203, %dma_wait3A_204] : memref<5x16x1024xf32, #tpu.memory_space<vmem>> -> memref<1x16x1024xf32, #tpu.memory_space<vmem>>
    %dma_wait3A_206 = tpu.memref_squeeze %dma_wait3A_205 : memref<1x16x1024xf32, #tpu.memory_space<vmem>> -> memref<16x1024xf32, #tpu.memory_space<vmem>>
    %dma_wait3A_207 = arith.constant 0 : i32
    %dma_wait3A_208 = tpu.memref_slice %arg6[%dma_wait3A_201, %dma_wait3A_207] : memref<16x16xi32, #tpu.memory_space<vmem>> -> memref<1x16xi32, #tpu.memory_space<vmem>>
    %dma_wait3A_209 = tpu.memref_squeeze %dma_wait3A_208 : memref<1x16xi32, #tpu.memory_space<vmem>> -> memref<16xi32, #tpu.memory_space<vmem>>
    %dma_wait3A_210 = arith.constant 0 : i32
    %dma_wait3A_211 = arith.constant 0 : i32
    %dma_wait3A_212 = tpu.memref_slice %arg3[%dma_wait3A_210, %dma_wait3A_211] : memref<100000x1024xf32, #tpu.memory_space<hbm>> -> memref<100000x1024xf32, #tpu.memory_space<hbm>>
    tpu.wait_indirect_dma semaphore(%arg11 : memref<!tpu.dma_semaphore, #tpu.memory_space<semaphore_mem>>) src(%dma_wait3A_212 : memref<100000x1024xf32, #tpu.memory_space<hbm>>) dst(%dma_wait3A_206 : memref<16x1024xf32, #tpu.memory_space<vmem>>)
    %parallel_loop3A_213 = arith.constant 0 : i32
    %parallel_loop3A_214 = arith.constant 1024 : i32
    %parallel_loop3A_215 = arith.constant 1 : i32
    scf.for %parallel_loop3A_1124 = %parallel_loop3A_213 to %parallel_loop3A_214 step %parallel_loop3A_215  : i32 {
      %parallel_loop3A_1125 = arith.constant 6 : i32
      %parallel_loop3A_1126 = arith.shrui %parallel_loop3A_1124, %parallel_loop3A_1125 : i32
      %parallel_loop3A_1127 = arith.constant 63 : i32
      %parallel_loop3A_1128 = arith.andi %parallel_loop3A_1124, %parallel_loop3A_1127 : i32
      %parallel_loop3A_1129 = arith.constant 16 : i32
      %parallel_loop3A_1130 = arith.muli %parallel_loop3A_1128, %parallel_loop3A_1129 : i32
      %parallel_loop3A_1131 = arith.constant 0 : i32
      %parallel_loop3A_1132 = arith.index_cast %parallel_loop3A_1131 : i32 to index
      %parallel_loop3A_1133 = arith.index_cast %parallel_loop3A_1126 : i32 to index
      %parallel_loop3A_1134 = arith.index_cast %parallel_loop3A_1130 : i32 to index
      %parallel_loop3A_1135 = tpu.vector_load %arg7[%parallel_loop3A_1132, %parallel_loop3A_1133, %parallel_loop3A_1134] {strides = array<i32>} : memref<2x16x1024xf32, #tpu.memory_space<vmem>>, vector<1x1x16xf32>,
      %parallel_loop3A_1136 = vector.shape_cast %parallel_loop3A_1135 : vector<1x1x16xf32> to vector<16xf32>
      %parallel_loop3A_1137 = arith.constant 2 : i32
      %parallel_loop3A_1138 = arith.index_cast %parallel_loop3A_1137 : i32 to index
      %parallel_loop3A_1139 = arith.index_cast %parallel_loop3A_1126 : i32 to index
      %parallel_loop3A_1140 = arith.index_cast %parallel_loop3A_1130 : i32 to index
      %parallel_loop3A_1141 = tpu.vector_load %arg8[%parallel_loop3A_1138, %parallel_loop3A_1139, %parallel_loop3A_1140] {strides = array<i32>} : memref<5x16x1024xf32, #tpu.memory_space<vmem>>, vector<1x1x16xf32>,
      %parallel_loop3A_1142 = vector.shape_cast %parallel_loop3A_1141 : vector<1x1x16xf32> to vector<16xf32>
      %parallel_loop3A_1143 = vector.shape_cast %parallel_loop3A_1136 : vector<16xf32> to vector<1x1x16xf32>
      tpu.vector_store %arg8[%parallel_loop3A_1138, %parallel_loop3A_1139, %parallel_loop3A_1140], %parallel_loop3A_1143 {add = true, strides = array<i32>} : memref<5x16x1024xf32, #tpu.memory_space<vmem>>, vector<1x1x16xf32>,
    } {sc.loop_unroll_factor = 8 : i64, sc.parallel_access}
    %mul3A_216 = arith.constant 64 : i32
    %mul3A_217 = arith.muli %add3A, %mul3A_216 : i32
    %add3A_218 = arith.constant 0 : i32
    %add3A_219 = arith.addi %mul3A_217, %add3A_218 : i32
    %dma_start3A_220 = arith.constant 2 : i32
    %dma_start3A_221 = arith.constant 2 : i32
    %dma_start3A_222 = arith.constant 0 : i32
    %dma_start3A_223 = arith.constant 0 : i32
    %dma_start3A_224 = tpu.memref_slice %arg8[%dma_start3A_220, %dma_start3A_222, %dma_start3A_223] : memref<5x16x1024xf32, #tpu.memory_space<vmem>> -> memref<1x16x1024xf32, #tpu.memory_space<vmem>>
    %dma_start3A_225 = tpu.memref_squeeze %dma_start3A_224 : memref<1x16x1024xf32, #tpu.memory_space<vmem>> -> memref<16x1024xf32, #tpu.memory_space<vmem>>
    %dma_start3A_226 = arith.constant 0 : i32
    %dma_start3A_227 = tpu.memref_slice %arg5[%dma_start3A_221, %add3A_219, %dma_start3A_226] : memref<4x2048x1024xf32, #tpu.memory_space<hbm>> -> memref<1x16x1024xf32, #tpu.memory_space<hbm>>
    %dma_start3A_228 = tpu.memref_squeeze %dma_start3A_227 : memref<1x16x1024xf32, #tpu.memory_space<hbm>> -> memref<16x1024xf32, #tpu.memory_space<hbm>>
    %dma_start3A_229 = arith.constant 0 : i32
    %dma_start3A_230 = tpu.memref_slice %arg5[%dma_start3A_221, %add3A_219, %dma_start3A_229] : memref<4x2048x1024xf32, #tpu.memory_space<hbm>> -> memref<1x16x1024xf32, #tpu.memory_space<hbm>>
    %dma_start3A_231 = tpu.memref_squeeze %dma_start3A_230 : memref<1x16x1024xf32, #tpu.memory_space<hbm>> -> memref<16x1024xf32, #tpu.memory_space<hbm>>
    %dma_start3A_232 = arith.constant 0 : i32
    %dma_start3A_233 = arith.constant 0 : i32
    %dma_start3A_234 = tpu.memref_slice %arg8[%dma_start3A_220, %dma_start3A_232, %dma_start3A_233] : memref<5x16x1024xf32, #tpu.memory_space<vmem>> -> memref<1x16x1024xf32, #tpu.memory_space<vmem>>
    %dma_start3A_235 = tpu.memref_squeeze %dma_start3A_234 : memref<1x16x1024xf32, #tpu.memory_space<vmem>> -> memref<16x1024xf32, #tpu.memory_space<vmem>>
    tpu.enqueue_dma source(%dma_start3A_235 : memref<16x1024xf32, #tpu.memory_space<vmem>>) target(%dma_start3A_231 : memref<16x1024xf32, #tpu.memory_space<hbm>>) target_semaphore(%arg16 : memref<!tpu.dma_semaphore, #tpu.memory_space<semaphore_mem>>)
    %dma_wait3A_236 = arith.constant 1 : i32
    %dma_wait3A_237 = arith.constant 1 : i32
    %dma_wait3A_238 = arith.constant 0 : i32
    %dma_wait3A_239 = arith.constant 0 : i32
    %dma_wait3A_240 = tpu.memref_slice %arg8[%dma_wait3A_236, %dma_wait3A_238, %dma_wait3A_239] : memref<5x16x1024xf32, #tpu.memory_space<vmem>> -> memref<1x16x1024xf32, #tpu.memory_space<vmem>>
    %dma_wait3A_241 = tpu.memref_squeeze %dma_wait3A_240 : memref<1x16x1024xf32, #tpu.memory_space<vmem>> -> memref<16x1024xf32, #tpu.memory_space<vmem>>
    %dma_wait3A_242 = arith.constant 0 : i32
    %dma_wait3A_243 = tpu.memref_slice %arg5[%dma_wait3A_237, %add3A_156, %dma_wait3A_242] : memref<4x2048x1024xf32, #tpu.memory_space<hbm>> -> memref<1x16x1024xf32, #tpu.memory_space<hbm>>
    %dma_wait3A_244 = tpu.memref_squeeze %dma_wait3A_243 : memref<1x16x1024xf32, #tpu.memory_space<hbm>> -> memref<16x1024xf32, #tpu.memory_space<hbm>>
    %dma_wait3A_245 = arith.constant 0 : i32
    %dma_wait3A_246 = tpu.memref_slice %arg5[%dma_wait3A_237, %add3A_156, %dma_wait3A_245] : memref<4x2048x1024xf32, #tpu.memory_space<hbm>> -> memref<1x16x1024xf32, #tpu.memory_space<hbm>>
    %dma_wait3A_247 = tpu.memref_squeeze %dma_wait3A_246 : memref<1x16x1024xf32, #tpu.memory_space<hbm>> -> memref<16x1024xf32, #tpu.memory_space<hbm>>
    %dma_wait3A_248 = arith.constant 0 : i32
    %dma_wait3A_249 = arith.constant 0 : i32
    %dma_wait3A_250 = tpu.memref_slice %arg8[%dma_wait3A_236, %dma_wait3A_248, %dma_wait3A_249] : memref<5x16x1024xf32, #tpu.memory_space<vmem>> -> memref<1x16x1024xf32, #tpu.memory_space<vmem>>
    %dma_wait3A_251 = tpu.memref_squeeze %dma_wait3A_250 : memref<1x16x1024xf32, #tpu.memory_space<vmem>> -> memref<16x1024xf32, #tpu.memory_space<vmem>>
    tpu.wait_dma2 semaphore(%arg15 : memref<!tpu.dma_semaphore, #tpu.memory_space<semaphore_mem>>) src(%dma_wait3A_251 : memref<16x1024xf32, #tpu.memory_space<vmem>>) dst(%dma_wait3A_247 : memref<16x1024xf32, #tpu.memory_space<hbm>>)
    %dma_start3A_252 = arith.constant 6 : i32
    %dma_start3A_253 = arith.constant 1 : i32
    %dma_start3A_254 = arith.constant 0 : i32
    %dma_start3A_255 = arith.constant 0 : i32
    %dma_start3A_256 = tpu.memref_slice %arg8[%dma_start3A_253, %dma_start3A_254, %dma_start3A_255] : memref<5x16x1024xf32, #tpu.memory_space<vmem>> -> memref<1x16x1024xf32, #tpu.memory_space<vmem>>
    %dma_start3A_257 = tpu.memref_squeeze %dma_start3A_256 : memref<1x16x1024xf32, #tpu.memory_space<vmem>> -> memref<16x1024xf32, #tpu.memory_space<vmem>>
    %dma_start3A_258 = arith.constant 0 : i32
    %dma_start3A_259 = tpu.memref_slice %arg6[%dma_start3A_252, %dma_start3A_258] : memref<16x16xi32, #tpu.memory_space<vmem>> -> memref<1x16xi32, #tpu.memory_space<vmem>>
    %dma_start3A_260 = tpu.memref_squeeze %dma_start3A_259 : memref<1x16xi32, #tpu.memory_space<vmem>> -> memref<16xi32, #tpu.memory_space<vmem>>
    %dma_start3A_261 = arith.constant 0 : i32
    %dma_start3A_262 = arith.constant 0 : i32
    %dma_start3A_263 = tpu.memref_slice %arg3[%dma_start3A_261, %dma_start3A_262] : memref<100000x1024xf32, #tpu.memory_space<hbm>> -> memref<100000x1024xf32, #tpu.memory_space<hbm>>
    tpu.enqueue_indirect_dma source(%dma_start3A_263 : memref<100000x1024xf32, #tpu.memory_space<hbm>>) target(%dma_start3A_257 : memref<16x1024xf32, #tpu.memory_space<vmem>>) offsets(%dma_start3A_260 : memref<16xi32, #tpu.memory_space<vmem>>) semaphore(%arg10 : memref<!tpu.dma_semaphore, #tpu.memory_space<semaphore_mem>>)
    %dma_wait3A_264 = arith.constant 3 : i32
    %dma_wait3A_265 = arith.constant 3 : i32
    %dma_wait3A_266 = arith.constant 0 : i32
    %dma_wait3A_267 = arith.constant 0 : i32
    %dma_wait3A_268 = tpu.memref_slice %arg8[%dma_wait3A_265, %dma_wait3A_266, %dma_wait3A_267] : memref<5x16x1024xf32, #tpu.memory_space<vmem>> -> memref<1x16x1024xf32, #tpu.memory_space<vmem>>
    %dma_wait3A_269 = tpu.memref_squeeze %dma_wait3A_268 : memref<1x16x1024xf32, #tpu.memory_space<vmem>> -> memref<16x1024xf32, #tpu.memory_space<vmem>>
    %dma_wait3A_270 = arith.constant 0 : i32
    %dma_wait3A_271 = tpu.memref_slice %arg6[%dma_wait3A_264, %dma_wait3A_270] : memref<16x16xi32, #tpu.memory_space<vmem>> -> memref<1x16xi32, #tpu.memory_space<vmem>>
    %dma_wait3A_272 = tpu.memref_squeeze %dma_wait3A_271 : memref<1x16xi32, #tpu.memory_space<vmem>> -> memref<16xi32, #tpu.memory_space<vmem>>
    %dma_wait3A_273 = arith.constant 0 : i32
    %dma_wait3A_274 = arith.constant 0 : i32
    %dma_wait3A_275 = tpu.memref_slice %arg3[%dma_wait3A_273, %dma_wait3A_274] : memref<100000x1024xf32, #tpu.memory_space<hbm>> -> memref<100000x1024xf32, #tpu.memory_space<hbm>>
    tpu.wait_indirect_dma semaphore(%arg12 : memref<!tpu.dma_semaphore, #tpu.memory_space<semaphore_mem>>) src(%dma_wait3A_275 : memref<100000x1024xf32, #tpu.memory_space<hbm>>) dst(%dma_wait3A_269 : memref<16x1024xf32, #tpu.memory_space<vmem>>)
    %parallel_loop3A_276 = arith.constant 0 : i32
    %parallel_loop3A_277 = arith.constant 1024 : i32
    %parallel_loop3A_278 = arith.constant 1 : i32
    scf.for %parallel_loop3A_1124 = %parallel_loop3A_276 to %parallel_loop3A_277 step %parallel_loop3A_278  : i32 {
      %parallel_loop3A_1125 = arith.constant 6 : i32
      %parallel_loop3A_1126 = arith.shrui %parallel_loop3A_1124, %parallel_loop3A_1125 : i32
      %parallel_loop3A_1127 = arith.constant 63 : i32
      %parallel_loop3A_1128 = arith.andi %parallel_loop3A_1124, %parallel_loop3A_1127 : i32
      %parallel_loop3A_1129 = arith.constant 16 : i32
      %parallel_loop3A_1130 = arith.muli %parallel_loop3A_1128, %parallel_loop3A_1129 : i32
      %parallel_loop3A_1131 = arith.constant 0 : i32
      %parallel_loop3A_1132 = arith.index_cast %parallel_loop3A_1131 : i32 to index
      %parallel_loop3A_1133 = arith.index_cast %parallel_loop3A_1126 : i32 to index
      %parallel_loop3A_1134 = arith.index_cast %parallel_loop3A_1130 : i32 to index
      %parallel_loop3A_1135 = tpu.vector_load %arg7[%parallel_loop3A_1132, %parallel_loop3A_1133, %parallel_loop3A_1134] {strides = array<i32>} : memref<2x16x1024xf32, #tpu.memory_space<vmem>>, vector<1x1x16xf32>,
      %parallel_loop3A_1136 = vector.shape_cast %parallel_loop3A_1135 : vector<1x1x16xf32> to vector<16xf32>
      %parallel_loop3A_1137 = arith.constant 3 : i32
      %parallel_loop3A_1138 = arith.index_cast %parallel_loop3A_1137 : i32 to index
      %parallel_loop3A_1139 = arith.index_cast %parallel_loop3A_1126 : i32 to index
      %parallel_loop3A_1140 = arith.index_cast %parallel_loop3A_1130 : i32 to index
      %parallel_loop3A_1141 = tpu.vector_load %arg8[%parallel_loop3A_1138, %parallel_loop3A_1139, %parallel_loop3A_1140] {strides = array<i32>} : memref<5x16x1024xf32, #tpu.memory_space<vmem>>, vector<1x1x16xf32>,
      %parallel_loop3A_1142 = vector.shape_cast %parallel_loop3A_1141 : vector<1x1x16xf32> to vector<16xf32>
      %parallel_loop3A_1143 = vector.shape_cast %parallel_loop3A_1136 : vector<16xf32> to vector<1x1x16xf32>
      tpu.vector_store %arg8[%parallel_loop3A_1138, %parallel_loop3A_1139, %parallel_loop3A_1140], %parallel_loop3A_1143 {add = true, strides = array<i32>} : memref<5x16x1024xf32, #tpu.memory_space<vmem>>, vector<1x1x16xf32>,
    } {sc.loop_unroll_factor = 8 : i64, sc.parallel_access}
    %mul3A_279 = arith.constant 64 : i32
    %mul3A_280 = arith.muli %add3A, %mul3A_279 : i32
    %add3A_281 = arith.constant 0 : i32
    %add3A_282 = arith.addi %mul3A_280, %add3A_281 : i32
    %dma_start3A_283 = arith.constant 3 : i32
    %dma_start3A_284 = arith.constant 3 : i32
    %dma_start3A_285 = arith.constant 0 : i32
    %dma_start3A_286 = arith.constant 0 : i32
    %dma_start3A_287 = tpu.memref_slice %arg8[%dma_start3A_283, %dma_start3A_285, %dma_start3A_286] : memref<5x16x1024xf32, #tpu.memory_space<vmem>> -> memref<1x16x1024xf32, #tpu.memory_space<vmem>>
    %dma_start3A_288 = tpu.memref_squeeze %dma_start3A_287 : memref<1x16x1024xf32, #tpu.memory_space<vmem>> -> memref<16x1024xf32, #tpu.memory_space<vmem>>
    %dma_start3A_289 = arith.constant 0 : i32
    %dma_start3A_290 = tpu.memref_slice %arg5[%dma_start3A_284, %add3A_282, %dma_start3A_289] : memref<4x2048x1024xf32, #tpu.memory_space<hbm>> -> memref<1x16x1024xf32, #tpu.memory_space<hbm>>
    %dma_start3A_291 = tpu.memref_squeeze %dma_start3A_290 : memref<1x16x1024xf32, #tpu.memory_space<hbm>> -> memref<16x1024xf32, #tpu.memory_space<hbm>>
    %dma_start3A_292 = arith.constant 0 : i32
    %dma_start3A_293 = tpu.memref_slice %arg5[%dma_start3A_284, %add3A_282, %dma_start3A_292] : memref<4x2048x1024xf32, #tpu.memory_space<hbm>> -> memref<1x16x1024xf32, #tpu.memory_space<hbm>>
    %dma_start3A_294 = tpu.memref_squeeze %dma_start3A_293 : memref<1x16x1024xf32, #tpu.memory_space<hbm>> -> memref<16x1024xf32, #tpu.memory_space<hbm>>
    %dma_start3A_295 = arith.constant 0 : i32
    %dma_start3A_296 = arith.constant 0 : i32
    %dma_start3A_297 = tpu.memref_slice %arg8[%dma_start3A_283, %dma_start3A_295, %dma_start3A_296] : memref<5x16x1024xf32, #tpu.memory_space<vmem>> -> memref<1x16x1024xf32, #tpu.memory_space<vmem>>
    %dma_start3A_298 = tpu.memref_squeeze %dma_start3A_297 : memref<1x16x1024xf32, #tpu.memory_space<vmem>> -> memref<16x1024xf32, #tpu.memory_space<vmem>>
    tpu.enqueue_dma source(%dma_start3A_298 : memref<16x1024xf32, #tpu.memory_space<vmem>>) target(%dma_start3A_294 : memref<16x1024xf32, #tpu.memory_space<hbm>>) target_semaphore(%arg17 : memref<!tpu.dma_semaphore, #tpu.memory_space<semaphore_mem>>)
    %dma_wait3A_299 = arith.constant 2 : i32
    %dma_wait3A_300 = arith.constant 2 : i32
    %dma_wait3A_301 = arith.constant 0 : i32
    %dma_wait3A_302 = arith.constant 0 : i32
    %dma_wait3A_303 = tpu.memref_slice %arg8[%dma_wait3A_299, %dma_wait3A_301, %dma_wait3A_302] : memref<5x16x1024xf32, #tpu.memory_space<vmem>> -> memref<1x16x1024xf32, #tpu.memory_space<vmem>>
    %dma_wait3A_304 = tpu.memref_squeeze %dma_wait3A_303 : memref<1x16x1024xf32, #tpu.memory_space<vmem>> -> memref<16x1024xf32, #tpu.memory_space<vmem>>
    %dma_wait3A_305 = arith.constant 0 : i32
    %dma_wait3A_306 = tpu.memref_slice %arg5[%dma_wait3A_300, %add3A_219, %dma_wait3A_305] : memref<4x2048x1024xf32, #tpu.memory_space<hbm>> -> memref<1x16x1024xf32, #tpu.memory_space<hbm>>
    %dma_wait3A_307 = tpu.memref_squeeze %dma_wait3A_306 : memref<1x16x1024xf32, #tpu.memory_space<hbm>> -> memref<16x1024xf32, #tpu.memory_space<hbm>>
    %dma_wait3A_308 = arith.constant 0 : i32
    %dma_wait3A_309 = tpu.memref_slice %arg5[%dma_wait3A_300, %add3A_219, %dma_wait3A_308] : memref<4x2048x1024xf32, #tpu.memory_space<hbm>> -> memref<1x16x1024xf32, #tpu.memory_space<hbm>>
    %dma_wait3A_310 = tpu.memref_squeeze %dma_wait3A_309 : memref<1x16x1024xf32, #tpu.memory_space<hbm>> -> memref<16x1024xf32, #tpu.memory_space<hbm>>
    %dma_wait3A_311 = arith.constant 0 : i32
    %dma_wait3A_312 = arith.constant 0 : i32
    %dma_wait3A_313 = tpu.memref_slice %arg8[%dma_wait3A_299, %dma_wait3A_311, %dma_wait3A_312] : memref<5x16x1024xf32, #tpu.memory_space<vmem>> -> memref<1x16x1024xf32, #tpu.memory_space<vmem>>
    %dma_wait3A_314 = tpu.memref_squeeze %dma_wait3A_313 : memref<1x16x1024xf32, #tpu.memory_space<vmem>> -> memref<16x1024xf32, #tpu.memory_space<vmem>>
    tpu.wait_dma2 semaphore(%arg16 : memref<!tpu.dma_semaphore, #tpu.memory_space<semaphore_mem>>) src(%dma_wait3A_314 : memref<16x1024xf32, #tpu.memory_space<vmem>>) dst(%dma_wait3A_310 : memref<16x1024xf32, #tpu.memory_space<hbm>>)
    %dma_start3A_315 = arith.constant 7 : i32
    %dma_start3A_316 = arith.constant 2 : i32
    %dma_start3A_317 = arith.constant 0 : i32
    %dma_start3A_318 = arith.constant 0 : i32
    %dma_start3A_319 = tpu.memref_slice %arg8[%dma_start3A_316, %dma_start3A_317, %dma_start3A_318] : memref<5x16x1024xf32, #tpu.memory_space<vmem>> -> memref<1x16x1024xf32, #tpu.memory_space<vmem>>
    %dma_start3A_320 = tpu.memref_squeeze %dma_start3A_319 : memref<1x16x1024xf32, #tpu.memory_space<vmem>> -> memref<16x1024xf32, #tpu.memory_space<vmem>>
    %dma_start3A_321 = arith.constant 0 : i32
    %dma_start3A_322 = tpu.memref_slice %arg6[%dma_start3A_315, %dma_start3A_321] : memref<16x16xi32, #tpu.memory_space<vmem>> -> memref<1x16xi32, #tpu.memory_space<vmem>>
    %dma_start3A_323 = tpu.memref_squeeze %dma_start3A_322 : memref<1x16xi32, #tpu.memory_space<vmem>> -> memref<16xi32, #tpu.memory_space<vmem>>
    %dma_start3A_324 = arith.constant 0 : i32
    %dma_start3A_325 = arith.constant 0 : i32
    %dma_start3A_326 = tpu.memref_slice %arg3[%dma_start3A_324, %dma_start3A_325] : memref<100000x1024xf32, #tpu.memory_space<hbm>> -> memref<100000x1024xf32, #tpu.memory_space<hbm>>
    tpu.enqueue_indirect_dma source(%dma_start3A_326 : memref<100000x1024xf32, #tpu.memory_space<hbm>>) target(%dma_start3A_320 : memref<16x1024xf32, #tpu.memory_space<vmem>>) offsets(%dma_start3A_323 : memref<16xi32, #tpu.memory_space<vmem>>) semaphore(%arg11 : memref<!tpu.dma_semaphore, #tpu.memory_space<semaphore_mem>>)
    %dma_wait3A_327 = arith.constant 1 : i32
    %dma_wait3A_328 = arith.constant 0 : i32
    %dma_wait3A_329 = arith.constant 0 : i32
    %dma_wait3A_330 = tpu.memref_slice %arg7[%dma_wait3A_327, %dma_wait3A_328, %dma_wait3A_329] : memref<2x16x1024xf32, #tpu.memory_space<vmem>> -> memref<1x16x1024xf32, #tpu.memory_space<vmem>>
    %dma_wait3A_331 = tpu.memref_squeeze %dma_wait3A_330 : memref<1x16x1024xf32, #tpu.memory_space<vmem>> -> memref<16x1024xf32, #tpu.memory_space<vmem>>
    %dma_wait3A_332 = arith.constant 0 : i32
    %dma_wait3A_333 = tpu.memref_slice %arg4[%add3A_78, %dma_wait3A_332] : memref<2048x1024xf32, #tpu.memory_space<hbm>> -> memref<16x1024xf32, #tpu.memory_space<hbm>>
    %dma_wait3A_334 = arith.constant 0 : i32
    %dma_wait3A_335 = arith.constant 0 : i32
    %dma_wait3A_336 = tpu.memref_slice %arg7[%dma_wait3A_327, %dma_wait3A_334, %dma_wait3A_335] : memref<2x16x1024xf32, #tpu.memory_space<vmem>> -> memref<1x16x1024xf32, #tpu.memory_space<vmem>>
    %dma_wait3A_337 = tpu.memref_squeeze %dma_wait3A_336 : memref<1x16x1024xf32, #tpu.memory_space<vmem>> -> memref<16x1024xf32, #tpu.memory_space<vmem>>
    %dma_wait3A_338 = arith.constant 0 : i32
    %dma_wait3A_339 = tpu.memref_slice %arg4[%add3A_78, %dma_wait3A_338] : memref<2048x1024xf32, #tpu.memory_space<hbm>> -> memref<16x1024xf32, #tpu.memory_space<hbm>>
    tpu.wait_dma2 semaphore(%arg19 : memref<!tpu.dma_semaphore, #tpu.memory_space<semaphore_mem>>) src(%dma_wait3A_339 : memref<16x1024xf32, #tpu.memory_space<hbm>>) dst(%dma_wait3A_337 : memref<16x1024xf32, #tpu.memory_space<vmem>>)
    %mul3A_340 = arith.constant 64 : i32
    %mul3A_341 = arith.muli %add3A, %mul3A_340 : i32
    %add3A_342 = arith.constant 32 : i32
    %add3A_343 = arith.addi %mul3A_341, %add3A_342 : i32
    %dma_start3A_344 = arith.constant 0 : i32
    %dma_start3A_345 = arith.constant 0 : i32
    %dma_start3A_346 = arith.constant 0 : i32
    %dma_start3A_347 = tpu.memref_slice %arg7[%dma_start3A_344, %dma_start3A_345, %dma_start3A_346] : memref<2x16x1024xf32, #tpu.memory_space<vmem>> -> memref<1x16x1024xf32, #tpu.memory_space<vmem>>
    %dma_start3A_348 = tpu.memref_squeeze %dma_start3A_347 : memref<1x16x1024xf32, #tpu.memory_space<vmem>> -> memref<16x1024xf32, #tpu.memory_space<vmem>>
    %dma_start3A_349 = arith.constant 0 : i32
    %dma_start3A_350 = tpu.memref_slice %arg4[%add3A_343, %dma_start3A_349] : memref<2048x1024xf32, #tpu.memory_space<hbm>> -> memref<16x1024xf32, #tpu.memory_space<hbm>>
    %dma_start3A_351 = arith.constant 0 : i32
    %dma_start3A_352 = arith.constant 0 : i32
    %dma_start3A_353 = tpu.memref_slice %arg7[%dma_start3A_344, %dma_start3A_351, %dma_start3A_352] : memref<2x16x1024xf32, #tpu.memory_space<vmem>> -> memref<1x16x1024xf32, #tpu.memory_space<vmem>>
    %dma_start3A_354 = tpu.memref_squeeze %dma_start3A_353 : memref<1x16x1024xf32, #tpu.memory_space<vmem>> -> memref<16x1024xf32, #tpu.memory_space<vmem>>
    %dma_start3A_355 = arith.constant 0 : i32
    %dma_start3A_356 = tpu.memref_slice %arg4[%add3A_343, %dma_start3A_355] : memref<2048x1024xf32, #tpu.memory_space<hbm>> -> memref<16x1024xf32, #tpu.memory_space<hbm>>
    tpu.enqueue_dma source(%dma_start3A_356 : memref<16x1024xf32, #tpu.memory_space<hbm>>) target(%dma_start3A_354 : memref<16x1024xf32, #tpu.memory_space<vmem>>) target_semaphore(%arg19 : memref<!tpu.dma_semaphore, #tpu.memory_space<semaphore_mem>>)
    %dma_wait3A_357 = arith.constant 4 : i32
    %dma_wait3A_358 = arith.constant 4 : i32
    %dma_wait3A_359 = arith.constant 0 : i32
    %dma_wait3A_360 = arith.constant 0 : i32
    %dma_wait3A_361 = tpu.memref_slice %arg8[%dma_wait3A_358, %dma_wait3A_359, %dma_wait3A_360] : memref<5x16x1024xf32, #tpu.memory_space<vmem>> -> memref<1x16x1024xf32, #tpu.memory_space<vmem>>
    %dma_wait3A_362 = tpu.memref_squeeze %dma_wait3A_361 : memref<1x16x1024xf32, #tpu.memory_space<vmem>> -> memref<16x1024xf32, #tpu.memory_space<vmem>>
    %dma_wait3A_363 = arith.constant 0 : i32
    %dma_wait3A_364 = tpu.memref_slice %arg6[%dma_wait3A_357, %dma_wait3A_363] : memref<16x16xi32, #tpu.memory_space<vmem>> -> memref<1x16xi32, #tpu.memory_space<vmem>>
    %dma_wait3A_365 = tpu.memref_squeeze %dma_wait3A_364 : memref<1x16xi32, #tpu.memory_space<vmem>> -> memref<16xi32, #tpu.memory_space<vmem>>
    %dma_wait3A_366 = arith.constant 0 : i32
    %dma_wait3A_367 = arith.constant 0 : i32
    %dma_wait3A_368 = tpu.memref_slice %arg3[%dma_wait3A_366, %dma_wait3A_367] : memref<100000x1024xf32, #tpu.memory_space<hbm>> -> memref<100000x1024xf32, #tpu.memory_space<hbm>>
    tpu.wait_indirect_dma semaphore(%arg13 : memref<!tpu.dma_semaphore, #tpu.memory_space<semaphore_mem>>) src(%dma_wait3A_368 : memref<100000x1024xf32, #tpu.memory_space<hbm>>) dst(%dma_wait3A_362 : memref<16x1024xf32, #tpu.memory_space<vmem>>)
    %parallel_loop3A_369 = arith.constant 0 : i32
    %parallel_loop3A_370 = arith.constant 1024 : i32
    %parallel_loop3A_371 = arith.constant 1 : i32
    scf.for %parallel_loop3A_1124 = %parallel_loop3A_369 to %parallel_loop3A_370 step %parallel_loop3A_371  : i32 {
      %parallel_loop3A_1125 = arith.constant 6 : i32
      %parallel_loop3A_1126 = arith.shrui %parallel_loop3A_1124, %parallel_loop3A_1125 : i32
      %parallel_loop3A_1127 = arith.constant 63 : i32
      %parallel_loop3A_1128 = arith.andi %parallel_loop3A_1124, %parallel_loop3A_1127 : i32
      %parallel_loop3A_1129 = arith.constant 16 : i32
      %parallel_loop3A_1130 = arith.muli %parallel_loop3A_1128, %parallel_loop3A_1129 : i32
      %parallel_loop3A_1131 = arith.constant 1 : i32
      %parallel_loop3A_1132 = arith.index_cast %parallel_loop3A_1131 : i32 to index
      %parallel_loop3A_1133 = arith.index_cast %parallel_loop3A_1126 : i32 to index
      %parallel_loop3A_1134 = arith.index_cast %parallel_loop3A_1130 : i32 to index
      %parallel_loop3A_1135 = tpu.vector_load %arg7[%parallel_loop3A_1132, %parallel_loop3A_1133, %parallel_loop3A_1134] {strides = array<i32>} : memref<2x16x1024xf32, #tpu.memory_space<vmem>>, vector<1x1x16xf32>,
      %parallel_loop3A_1136 = vector.shape_cast %parallel_loop3A_1135 : vector<1x1x16xf32> to vector<16xf32>
      %parallel_loop3A_1137 = arith.constant 4 : i32
      %parallel_loop3A_1138 = arith.index_cast %parallel_loop3A_1137 : i32 to index
      %parallel_loop3A_1139 = arith.index_cast %parallel_loop3A_1126 : i32 to index
      %parallel_loop3A_1140 = arith.index_cast %parallel_loop3A_1130 : i32 to index
      %parallel_loop3A_1141 = tpu.vector_load %arg8[%parallel_loop3A_1138, %parallel_loop3A_1139, %parallel_loop3A_1140] {strides = array<i32>} : memref<5x16x1024xf32, #tpu.memory_space<vmem>>, vector<1x1x16xf32>,
      %parallel_loop3A_1142 = vector.shape_cast %parallel_loop3A_1141 : vector<1x1x16xf32> to vector<16xf32>
      %parallel_loop3A_1143 = vector.shape_cast %parallel_loop3A_1136 : vector<16xf32> to vector<1x1x16xf32>
      tpu.vector_store %arg8[%parallel_loop3A_1138, %parallel_loop3A_1139, %parallel_loop3A_1140], %parallel_loop3A_1143 {add = true, strides = array<i32>} : memref<5x16x1024xf32, #tpu.memory_space<vmem>>, vector<1x1x16xf32>,
    } {sc.loop_unroll_factor = 8 : i64, sc.parallel_access}
    %mul3A_372 = arith.constant 64 : i32
    %mul3A_373 = arith.muli %add3A, %mul3A_372 : i32
    %add3A_374 = arith.constant 16 : i32
    %add3A_375 = arith.addi %mul3A_373, %add3A_374 : i32
    %dma_start3A_376 = arith.constant 4 : i32
    %dma_start3A_377 = arith.constant 0 : i32
    %dma_start3A_378 = arith.constant 0 : i32
    %dma_start3A_379 = arith.constant 0 : i32
    %dma_start3A_380 = tpu.memref_slice %arg8[%dma_start3A_376, %dma_start3A_378, %dma_start3A_379] : memref<5x16x1024xf32, #tpu.memory_space<vmem>> -> memref<1x16x1024xf32, #tpu.memory_space<vmem>>
    %dma_start3A_381 = tpu.memref_squeeze %dma_start3A_380 : memref<1x16x1024xf32, #tpu.memory_space<vmem>> -> memref<16x1024xf32, #tpu.memory_space<vmem>>
    %dma_start3A_382 = arith.constant 0 : i32
    %dma_start3A_383 = tpu.memref_slice %arg5[%dma_start3A_377, %add3A_375, %dma_start3A_382] : memref<4x2048x1024xf32, #tpu.memory_space<hbm>> -> memref<1x16x1024xf32, #tpu.memory_space<hbm>>
    %dma_start3A_384 = tpu.memref_squeeze %dma_start3A_383 : memref<1x16x1024xf32, #tpu.memory_space<hbm>> -> memref<16x1024xf32, #tpu.memory_space<hbm>>
    %dma_start3A_385 = arith.constant 0 : i32
    %dma_start3A_386 = tpu.memref_slice %arg5[%dma_start3A_377, %add3A_375, %dma_start3A_385] : memref<4x2048x1024xf32, #tpu.memory_space<hbm>> -> memref<1x16x1024xf32, #tpu.memory_space<hbm>>
    %dma_start3A_387 = tpu.memref_squeeze %dma_start3A_386 : memref<1x16x1024xf32, #tpu.memory_space<hbm>> -> memref<16x1024xf32, #tpu.memory_space<hbm>>
    %dma_start3A_388 = arith.constant 0 : i32
    %dma_start3A_389 = arith.constant 0 : i32
    %dma_start3A_390 = tpu.memref_slice %arg8[%dma_start3A_376, %dma_start3A_388, %dma_start3A_389] : memref<5x16x1024xf32, #tpu.memory_space<vmem>> -> memref<1x16x1024xf32, #tpu.memory_space<vmem>>
    %dma_start3A_391 = tpu.memref_squeeze %dma_start3A_390 : memref<1x16x1024xf32, #tpu.memory_space<vmem>> -> memref<16x1024xf32, #tpu.memory_space<vmem>>
    tpu.enqueue_dma source(%dma_start3A_391 : memref<16x1024xf32, #tpu.memory_space<vmem>>) target(%dma_start3A_387 : memref<16x1024xf32, #tpu.memory_space<hbm>>) target_semaphore(%arg18 : memref<!tpu.dma_semaphore, #tpu.memory_space<semaphore_mem>>)
    %dma_wait3A_392 = arith.constant 3 : i32
    %dma_wait3A_393 = arith.constant 3 : i32
    %dma_wait3A_394 = arith.constant 0 : i32
    %dma_wait3A_395 = arith.constant 0 : i32
    %dma_wait3A_396 = tpu.memref_slice %arg8[%dma_wait3A_392, %dma_wait3A_394, %dma_wait3A_395] : memref<5x16x1024xf32, #tpu.memory_space<vmem>> -> memref<1x16x1024xf32, #tpu.memory_space<vmem>>
    %dma_wait3A_397 = tpu.memref_squeeze %dma_wait3A_396 : memref<1x16x1024xf32, #tpu.memory_space<vmem>> -> memref<16x1024xf32, #tpu.memory_space<vmem>>
    %dma_wait3A_398 = arith.constant 0 : i32
    %dma_wait3A_399 = tpu.memref_slice %arg5[%dma_wait3A_393, %add3A_282, %dma_wait3A_398] : memref<4x2048x1024xf32, #tpu.memory_space<hbm>> -> memref<1x16x1024xf32, #tpu.memory_space<hbm>>
    %dma_wait3A_400 = tpu.memref_squeeze %dma_wait3A_399 : memref<1x16x1024xf32, #tpu.memory_space<hbm>> -> memref<16x1024xf32, #tpu.memory_space<hbm>>
    %dma_wait3A_401 = arith.constant 0 : i32
    %dma_wait3A_402 = tpu.memref_slice %arg5[%dma_wait3A_393, %add3A_282, %dma_wait3A_401] : memref<4x2048x1024xf32, #tpu.memory_space<hbm>> -> memref<1x16x1024xf32, #tpu.memory_space<hbm>>
    %dma_wait3A_403 = tpu.memref_squeeze %dma_wait3A_402 : memref<1x16x1024xf32, #tpu.memory_space<hbm>> -> memref<16x1024xf32, #tpu.memory_space<hbm>>
    %dma_wait3A_404 = arith.constant 0 : i32
    %dma_wait3A_405 = arith.constant 0 : i32
    %dma_wait3A_406 = tpu.memref_slice %arg8[%dma_wait3A_392, %dma_wait3A_404, %dma_wait3A_405] : memref<5x16x1024xf32, #tpu.memory_space<vmem>> -> memref<1x16x1024xf32, #tpu.memory_space<vmem>>
    %dma_wait3A_407 = tpu.memref_squeeze %dma_wait3A_406 : memref<1x16x1024xf32, #tpu.memory_space<vmem>> -> memref<16x1024xf32, #tpu.memory_space<vmem>>
    tpu.wait_dma2 semaphore(%arg17 : memref<!tpu.dma_semaphore, #tpu.memory_space<semaphore_mem>>) src(%dma_wait3A_407 : memref<16x1024xf32, #tpu.memory_space<vmem>>) dst(%dma_wait3A_403 : memref<16x1024xf32, #tpu.memory_space<hbm>>)
    %dma_start3A_408 = arith.constant 8 : i32
    %dma_start3A_409 = arith.constant 3 : i32
    %dma_start3A_410 = arith.constant 0 : i32
    %dma_start3A_411 = arith.constant 0 : i32
    %dma_start3A_412 = tpu.memref_slice %arg8[%dma_start3A_409, %dma_start3A_410, %dma_start3A_411] : memref<5x16x1024xf32, #tpu.memory_space<vmem>> -> memref<1x16x1024xf32, #tpu.memory_space<vmem>>
    %dma_start3A_413 = tpu.memref_squeeze %dma_start3A_412 : memref<1x16x1024xf32, #tpu.memory_space<vmem>> -> memref<16x1024xf32, #tpu.memory_space<vmem>>
    %dma_start3A_414 = arith.constant 0 : i32
    %dma_start3A_415 = tpu.memref_slice %arg6[%dma_start3A_408, %dma_start3A_414] : memref<16x16xi32, #tpu.memory_space<vmem>> -> memref<1x16xi32, #tpu.memory_space<vmem>>
    %dma_start3A_416 = tpu.memref_squeeze %dma_start3A_415 : memref<1x16xi32, #tpu.memory_space<vmem>> -> memref<16xi32, #tpu.memory_space<vmem>>
    %dma_start3A_417 = arith.constant 0 : i32
    %dma_start3A_418 = arith.constant 0 : i32
    %dma_start3A_419 = tpu.memref_slice %arg3[%dma_start3A_417, %dma_start3A_418] : memref<100000x1024xf32, #tpu.memory_space<hbm>> -> memref<100000x1024xf32, #tpu.memory_space<hbm>>
    tpu.enqueue_indirect_dma source(%dma_start3A_419 : memref<100000x1024xf32, #tpu.memory_space<hbm>>) target(%dma_start3A_413 : memref<16x1024xf32, #tpu.memory_space<vmem>>) offsets(%dma_start3A_416 : memref<16xi32, #tpu.memory_space<vmem>>) semaphore(%arg12 : memref<!tpu.dma_semaphore, #tpu.memory_space<semaphore_mem>>)
    %dma_wait3A_420 = arith.constant 5 : i32
    %dma_wait3A_421 = arith.constant 0 : i32
    %dma_wait3A_422 = arith.constant 0 : i32
    %dma_wait3A_423 = arith.constant 0 : i32
    %dma_wait3A_424 = tpu.memref_slice %arg8[%dma_wait3A_421, %dma_wait3A_422, %dma_wait3A_423] : memref<5x16x1024xf32, #tpu.memory_space<vmem>> -> memref<1x16x1024xf32, #tpu.memory_space<vmem>>
    %dma_wait3A_425 = tpu.memref_squeeze %dma_wait3A_424 : memref<1x16x1024xf32, #tpu.memory_space<vmem>> -> memref<16x1024xf32, #tpu.memory_space<vmem>>
    %dma_wait3A_426 = arith.constant 0 : i32
    %dma_wait3A_427 = tpu.memref_slice %arg6[%dma_wait3A_420, %dma_wait3A_426] : memref<16x16xi32, #tpu.memory_space<vmem>> -> memref<1x16xi32, #tpu.memory_space<vmem>>
    %dma_wait3A_428 = tpu.memref_squeeze %dma_wait3A_427 : memref<1x16xi32, #tpu.memory_space<vmem>> -> memref<16xi32, #tpu.memory_space<vmem>>
    %dma_wait3A_429 = arith.constant 0 : i32
    %dma_wait3A_430 = arith.constant 0 : i32
    %dma_wait3A_431 = tpu.memref_slice %arg3[%dma_wait3A_429, %dma_wait3A_430] : memref<100000x1024xf32, #tpu.memory_space<hbm>> -> memref<100000x1024xf32, #tpu.memory_space<hbm>>
    tpu.wait_indirect_dma semaphore(%arg9 : memref<!tpu.dma_semaphore, #tpu.memory_space<semaphore_mem>>) src(%dma_wait3A_431 : memref<100000x1024xf32, #tpu.memory_space<hbm>>) dst(%dma_wait3A_425 : memref<16x1024xf32, #tpu.memory_space<vmem>>)
    %parallel_loop3A_432 = arith.constant 0 : i32
    %parallel_loop3A_433 = arith.constant 1024 : i32
    %parallel_loop3A_434 = arith.constant 1 : i32
    scf.for %parallel_loop3A_1124 = %parallel_loop3A_432 to %parallel_loop3A_433 step %parallel_loop3A_434  : i32 {
      %parallel_loop3A_1125 = arith.constant 6 : i32
      %parallel_loop3A_1126 = arith.shrui %parallel_loop3A_1124, %parallel_loop3A_1125 : i32
      %parallel_loop3A_1127 = arith.constant 63 : i32
      %parallel_loop3A_1128 = arith.andi %parallel_loop3A_1124, %parallel_loop3A_1127 : i32
      %parallel_loop3A_1129 = arith.constant 16 : i32
      %parallel_loop3A_1130 = arith.muli %parallel_loop3A_1128, %parallel_loop3A_1129 : i32
      %parallel_loop3A_1131 = arith.constant 1 : i32
      %parallel_loop3A_1132 = arith.index_cast %parallel_loop3A_1131 : i32 to index
      %parallel_loop3A_1133 = arith.index_cast %parallel_loop3A_1126 : i32 to index
      %parallel_loop3A_1134 = arith.index_cast %parallel_loop3A_1130 : i32 to index
      %parallel_loop3A_1135 = tpu.vector_load %arg7[%parallel_loop3A_1132, %parallel_loop3A_1133, %parallel_loop3A_1134] {strides = array<i32>} : memref<2x16x1024xf32, #tpu.memory_space<vmem>>, vector<1x1x16xf32>,
      %parallel_loop3A_1136 = vector.shape_cast %parallel_loop3A_1135 : vector<1x1x16xf32> to vector<16xf32>
      %parallel_loop3A_1137 = arith.constant 0 : i32
      %parallel_loop3A_1138 = arith.index_cast %parallel_loop3A_1137 : i32 to index
      %parallel_loop3A_1139 = arith.index_cast %parallel_loop3A_1126 : i32 to index
      %parallel_loop3A_1140 = arith.index_cast %parallel_loop3A_1130 : i32 to index
      %parallel_loop3A_1141 = tpu.vector_load %arg8[%parallel_loop3A_1138, %parallel_loop3A_1139, %parallel_loop3A_1140] {strides = array<i32>} : memref<5x16x1024xf32, #tpu.memory_space<vmem>>, vector<1x1x16xf32>,
      %parallel_loop3A_1142 = vector.shape_cast %parallel_loop3A_1141 : vector<1x1x16xf32> to vector<16xf32>
      %parallel_loop3A_1143 = vector.shape_cast %parallel_loop3A_1136 : vector<16xf32> to vector<1x1x16xf32>
      tpu.vector_store %arg8[%parallel_loop3A_1138, %parallel_loop3A_1139, %parallel_loop3A_1140], %parallel_loop3A_1143 {add = true, strides = array<i32>} : memref<5x16x1024xf32, #tpu.memory_space<vmem>>, vector<1x1x16xf32>,
    } {sc.loop_unroll_factor = 8 : i64, sc.parallel_access}
    %mul3A_435 = arith.constant 64 : i32
    %mul3A_436 = arith.muli %add3A, %mul3A_435 : i32
    %add3A_437 = arith.constant 16 : i32
    %add3A_438 = arith.addi %mul3A_436, %add3A_437 : i32
    %dma_start3A_439 = arith.constant 0 : i32
    %dma_start3A_440 = arith.constant 1 : i32
    %dma_start3A_441 = arith.constant 0 : i32
    %dma_start3A_442 = arith.constant 0 : i32
    %dma_start3A_443 = tpu.memref_slice %arg8[%dma_start3A_439, %dma_start3A_441, %dma_start3A_442] : memref<5x16x1024xf32, #tpu.memory_space<vmem>> -> memref<1x16x1024xf32, #tpu.memory_space<vmem>>
    %dma_start3A_444 = tpu.memref_squeeze %dma_start3A_443 : memref<1x16x1024xf32, #tpu.memory_space<vmem>> -> memref<16x1024xf32, #tpu.memory_space<vmem>>
    %dma_start3A_445 = arith.constant 0 : i32
    %dma_start3A_446 = tpu.memref_slice %arg5[%dma_start3A_440, %add3A_438, %dma_start3A_445] : memref<4x2048x1024xf32, #tpu.memory_space<hbm>> -> memref<1x16x1024xf32, #tpu.memory_space<hbm>>
    %dma_start3A_447 = tpu.memref_squeeze %dma_start3A_446 : memref<1x16x1024xf32, #tpu.memory_space<hbm>> -> memref<16x1024xf32, #tpu.memory_space<hbm>>
    %dma_start3A_448 = arith.constant 0 : i32
    %dma_start3A_449 = tpu.memref_slice %arg5[%dma_start3A_440, %add3A_438, %dma_start3A_448] : memref<4x2048x1024xf32, #tpu.memory_space<hbm>> -> memref<1x16x1024xf32, #tpu.memory_space<hbm>>
    %dma_start3A_450 = tpu.memref_squeeze %dma_start3A_449 : memref<1x16x1024xf32, #tpu.memory_space<hbm>> -> memref<16x1024xf32, #tpu.memory_space<hbm>>
    %dma_start3A_451 = arith.constant 0 : i32
    %dma_start3A_452 = arith.constant 0 : i32
    %dma_start3A_453 = tpu.memref_slice %arg8[%dma_start3A_439, %dma_start3A_451, %dma_start3A_452] : memref<5x16x1024xf32, #tpu.memory_space<vmem>> -> memref<1x16x1024xf32, #tpu.memory_space<vmem>>
    %dma_start3A_454 = tpu.memref_squeeze %dma_start3A_453 : memref<1x16x1024xf32, #tpu.memory_space<vmem>> -> memref<16x1024xf32, #tpu.memory_space<vmem>>
    tpu.enqueue_dma source(%dma_start3A_454 : memref<16x1024xf32, #tpu.memory_space<vmem>>) target(%dma_start3A_450 : memref<16x1024xf32, #tpu.memory_space<hbm>>) target_semaphore(%arg14 : memref<!tpu.dma_semaphore, #tpu.memory_space<semaphore_mem>>)
    %dma_wait3A_455 = arith.constant 4 : i32
    %dma_wait3A_456 = arith.constant 0 : i32
    %dma_wait3A_457 = arith.constant 0 : i32
    %dma_wait3A_458 = arith.constant 0 : i32
    %dma_wait3A_459 = tpu.memref_slice %arg8[%dma_wait3A_455, %dma_wait3A_457, %dma_wait3A_458] : memref<5x16x1024xf32, #tpu.memory_space<vmem>> -> memref<1x16x1024xf32, #tpu.memory_space<vmem>>
    %dma_wait3A_460 = tpu.memref_squeeze %dma_wait3A_459 : memref<1x16x1024xf32, #tpu.memory_space<vmem>> -> memref<16x1024xf32, #tpu.memory_space<vmem>>
    %dma_wait3A_461 = arith.constant 0 : i32
    %dma_wait3A_462 = tpu.memref_slice %arg5[%dma_wait3A_456, %add3A_375, %dma_wait3A_461] : memref<4x2048x1024xf32, #tpu.memory_space<hbm>> -> memref<1x16x1024xf32, #tpu.memory_space<hbm>>
    %dma_wait3A_463 = tpu.memref_squeeze %dma_wait3A_462 : memref<1x16x1024xf32, #tpu.memory_space<hbm>> -> memref<16x1024xf32, #tpu.memory_space<hbm>>
    %dma_wait3A_464 = arith.constant 0 : i32
    %dma_wait3A_465 = tpu.memref_slice %arg5[%dma_wait3A_456, %add3A_375, %dma_wait3A_464] : memref<4x2048x1024xf32, #tpu.memory_space<hbm>> -> memref<1x16x1024xf32, #tpu.memory_space<hbm>>
    %dma_wait3A_466 = tpu.memref_squeeze %dma_wait3A_465 : memref<1x16x1024xf32, #tpu.memory_space<hbm>> -> memref<16x1024xf32, #tpu.memory_space<hbm>>
    %dma_wait3A_467 = arith.constant 0 : i32
    %dma_wait3A_468 = arith.constant 0 : i32
    %dma_wait3A_469 = tpu.memref_slice %arg8[%dma_wait3A_455, %dma_wait3A_467, %dma_wait3A_468] : memref<5x16x1024xf32, #tpu.memory_space<vmem>> -> memref<1x16x1024xf32, #tpu.memory_space<vmem>>
    %dma_wait3A_470 = tpu.memref_squeeze %dma_wait3A_469 : memref<1x16x1024xf32, #tpu.memory_space<vmem>> -> memref<16x1024xf32, #tpu.memory_space<vmem>>
    tpu.wait_dma2 semaphore(%arg18 : memref<!tpu.dma_semaphore, #tpu.memory_space<semaphore_mem>>) src(%dma_wait3A_470 : memref<16x1024xf32, #tpu.memory_space<vmem>>) dst(%dma_wait3A_466 : memref<16x1024xf32, #tpu.memory_space<hbm>>)
    %dma_start3A_471 = arith.constant 9 : i32
    %dma_start3A_472 = arith.constant 4 : i32
    %dma_start3A_473 = arith.constant 0 : i32
    %dma_start3A_474 = arith.constant 0 : i32
    %dma_start3A_475 = tpu.memref_slice %arg8[%dma_start3A_472, %dma_start3A_473, %dma_start3A_474] : memref<5x16x1024xf32, #tpu.memory_space<vmem>> -> memref<1x16x1024xf32, #tpu.memory_space<vmem>>
    %dma_start3A_476 = tpu.memref_squeeze %dma_start3A_475 : memref<1x16x1024xf32, #tpu.memory_space<vmem>> -> memref<16x1024xf32, #tpu.memory_space<vmem>>
    %dma_start3A_477 = arith.constant 0 : i32
    %dma_start3A_478 = tpu.memref_slice %arg6[%dma_start3A_471, %dma_start3A_477] : memref<16x16xi32, #tpu.memory_space<vmem>> -> memref<1x16xi32, #tpu.memory_space<vmem>>
    %dma_start3A_479 = tpu.memref_squeeze %dma_start3A_478 : memref<1x16xi32, #tpu.memory_space<vmem>> -> memref<16xi32, #tpu.memory_space<vmem>>
    %dma_start3A_480 = arith.constant 0 : i32
    %dma_start3A_481 = arith.constant 0 : i32
    %dma_start3A_482 = tpu.memref_slice %arg3[%dma_start3A_480, %dma_start3A_481] : memref<100000x1024xf32, #tpu.memory_space<hbm>> -> memref<100000x1024xf32, #tpu.memory_space<hbm>>
    tpu.enqueue_indirect_dma source(%dma_start3A_482 : memref<100000x1024xf32, #tpu.memory_space<hbm>>) target(%dma_start3A_476 : memref<16x1024xf32, #tpu.memory_space<vmem>>) offsets(%dma_start3A_479 : memref<16xi32, #tpu.memory_space<vmem>>) semaphore(%arg13 : memref<!tpu.dma_semaphore, #tpu.memory_space<semaphore_mem>>)
    %dma_wait3A_483 = arith.constant 6 : i32
    %dma_wait3A_484 = arith.constant 1 : i32
    %dma_wait3A_485 = arith.constant 0 : i32
    %dma_wait3A_486 = arith.constant 0 : i32
    %dma_wait3A_487 = tpu.memref_slice %arg8[%dma_wait3A_484, %dma_wait3A_485, %dma_wait3A_486] : memref<5x16x1024xf32, #tpu.memory_space<vmem>> -> memref<1x16x1024xf32, #tpu.memory_space<vmem>>
    %dma_wait3A_488 = tpu.memref_squeeze %dma_wait3A_487 : memref<1x16x1024xf32, #tpu.memory_space<vmem>> -> memref<16x1024xf32, #tpu.memory_space<vmem>>
    %dma_wait3A_489 = arith.constant 0 : i32
    %dma_wait3A_490 = tpu.memref_slice %arg6[%dma_wait3A_483, %dma_wait3A_489] : memref<16x16xi32, #tpu.memory_space<vmem>> -> memref<1x16xi32, #tpu.memory_space<vmem>>
    %dma_wait3A_491 = tpu.memref_squeeze %dma_wait3A_490 : memref<1x16xi32, #tpu.memory_space<vmem>> -> memref<16xi32, #tpu.memory_space<vmem>>
    %dma_wait3A_492 = arith.constant 0 : i32
    %dma_wait3A_493 = arith.constant 0 : i32
    %dma_wait3A_494 = tpu.memref_slice %arg3[%dma_wait3A_492, %dma_wait3A_493] : memref<100000x1024xf32, #tpu.memory_space<hbm>> -> memref<100000x1024xf32, #tpu.memory_space<hbm>>
    tpu.wait_indirect_dma semaphore(%arg10 : memref<!tpu.dma_semaphore, #tpu.memory_space<semaphore_mem>>) src(%dma_wait3A_494 : memref<100000x1024xf32, #tpu.memory_space<hbm>>) dst(%dma_wait3A_488 : memref<16x1024xf32, #tpu.memory_space<vmem>>)
    %parallel_loop3A_495 = arith.constant 0 : i32
    %parallel_loop3A_496 = arith.constant 1024 : i32
    %parallel_loop3A_497 = arith.constant 1 : i32
    scf.for %parallel_loop3A_1124 = %parallel_loop3A_495 to %parallel_loop3A_496 step %parallel_loop3A_497  : i32 {
      %parallel_loop3A_1125 = arith.constant 6 : i32
      %parallel_loop3A_1126 = arith.shrui %parallel_loop3A_1124, %parallel_loop3A_1125 : i32
      %parallel_loop3A_1127 = arith.constant 63 : i32
      %parallel_loop3A_1128 = arith.andi %parallel_loop3A_1124, %parallel_loop3A_1127 : i32
      %parallel_loop3A_1129 = arith.constant 16 : i32
      %parallel_loop3A_1130 = arith.muli %parallel_loop3A_1128, %parallel_loop3A_1129 : i32
      %parallel_loop3A_1131 = arith.constant 1 : i32
      %parallel_loop3A_1132 = arith.index_cast %parallel_loop3A_1131 : i32 to index
      %parallel_loop3A_1133 = arith.index_cast %parallel_loop3A_1126 : i32 to index
      %parallel_loop3A_1134 = arith.index_cast %parallel_loop3A_1130 : i32 to index
      %parallel_loop3A_1135 = tpu.vector_load %arg7[%parallel_loop3A_1132, %parallel_loop3A_1133, %parallel_loop3A_1134] {strides = array<i32>} : memref<2x16x1024xf32, #tpu.memory_space<vmem>>, vector<1x1x16xf32>,
      %parallel_loop3A_1136 = vector.shape_cast %parallel_loop3A_1135 : vector<1x1x16xf32> to vector<16xf32>
      %parallel_loop3A_1137 = arith.constant 1 : i32
      %parallel_loop3A_1138 = arith.index_cast %parallel_loop3A_1137 : i32 to index
      %parallel_loop3A_1139 = arith.index_cast %parallel_loop3A_1126 : i32 to index
      %parallel_loop3A_1140 = arith.index_cast %parallel_loop3A_1130 : i32 to index
      %parallel_loop3A_1141 = tpu.vector_load %arg8[%parallel_loop3A_1138, %parallel_loop3A_1139, %parallel_loop3A_1140] {strides = array<i32>} : memref<5x16x1024xf32, #tpu.memory_space<vmem>>, vector<1x1x16xf32>,
      %parallel_loop3A_1142 = vector.shape_cast %parallel_loop3A_1141 : vector<1x1x16xf32> to vector<16xf32>
      %parallel_loop3A_1143 = vector.shape_cast %parallel_loop3A_1136 : vector<16xf32> to vector<1x1x16xf32>
      tpu.vector_store %arg8[%parallel_loop3A_1138, %parallel_loop3A_1139, %parallel_loop3A_1140], %parallel_loop3A_1143 {add = true, strides = array<i32>} : memref<5x16x1024xf32, #tpu.memory_space<vmem>>, vector<1x1x16xf32>,
    } {sc.loop_unroll_factor = 8 : i64, sc.parallel_access}
    %mul3A_498 = arith.constant 64 : i32
    %mul3A_499 = arith.muli %add3A, %mul3A_498 : i32
    %add3A_500 = arith.constant 16 : i32
    %add3A_501 = arith.addi %mul3A_499, %add3A_500 : i32
    %dma_start3A_502 = arith.constant 1 : i32
    %dma_start3A_503 = arith.constant 2 : i32
    %dma_start3A_504 = arith.constant 0 : i32
    %dma_start3A_505 = arith.constant 0 : i32
    %dma_start3A_506 = tpu.memref_slice %arg8[%dma_start3A_502, %dma_start3A_504, %dma_start3A_505] : memref<5x16x1024xf32, #tpu.memory_space<vmem>> -> memref<1x16x1024xf32, #tpu.memory_space<vmem>>
    %dma_start3A_507 = tpu.memref_squeeze %dma_start3A_506 : memref<1x16x1024xf32, #tpu.memory_space<vmem>> -> memref<16x1024xf32, #tpu.memory_space<vmem>>
    %dma_start3A_508 = arith.constant 0 : i32
    %dma_start3A_509 = tpu.memref_slice %arg5[%dma_start3A_503, %add3A_501, %dma_start3A_508] : memref<4x2048x1024xf32, #tpu.memory_space<hbm>> -> memref<1x16x1024xf32, #tpu.memory_space<hbm>>
    %dma_start3A_510 = tpu.memref_squeeze %dma_start3A_509 : memref<1x16x1024xf32, #tpu.memory_space<hbm>> -> memref<16x1024xf32, #tpu.memory_space<hbm>>
    %dma_start3A_511 = arith.constant 0 : i32
    %dma_start3A_512 = tpu.memref_slice %arg5[%dma_start3A_503, %add3A_501, %dma_start3A_511] : memref<4x2048x1024xf32, #tpu.memory_space<hbm>> -> memref<1x16x1024xf32, #tpu.memory_space<hbm>>
    %dma_start3A_513 = tpu.memref_squeeze %dma_start3A_512 : memref<1x16x1024xf32, #tpu.memory_space<hbm>> -> memref<16x1024xf32, #tpu.memory_space<hbm>>
    %dma_start3A_514 = arith.constant 0 : i32
    %dma_start3A_515 = arith.constant 0 : i32
    %dma_start3A_516 = tpu.memref_slice %arg8[%dma_start3A_502, %dma_start3A_514, %dma_start3A_515] : memref<5x16x1024xf32, #tpu.memory_space<vmem>> -> memref<1x16x1024xf32, #tpu.memory_space<vmem>>
    %dma_start3A_517 = tpu.memref_squeeze %dma_start3A_516 : memref<1x16x1024xf32, #tpu.memory_space<vmem>> -> memref<16x1024xf32, #tpu.memory_space<vmem>>
    tpu.enqueue_dma source(%dma_start3A_517 : memref<16x1024xf32, #tpu.memory_space<vmem>>) target(%dma_start3A_513 : memref<16x1024xf32, #tpu.memory_space<hbm>>) target_semaphore(%arg15 : memref<!tpu.dma_semaphore, #tpu.memory_space<semaphore_mem>>)
    %dma_wait3A_518 = arith.constant 0 : i32
    %dma_wait3A_519 = arith.constant 1 : i32
    %dma_wait3A_520 = arith.constant 0 : i32
    %dma_wait3A_521 = arith.constant 0 : i32
    %dma_wait3A_522 = tpu.memref_slice %arg8[%dma_wait3A_518, %dma_wait3A_520, %dma_wait3A_521] : memref<5x16x1024xf32, #tpu.memory_space<vmem>> -> memref<1x16x1024xf32, #tpu.memory_space<vmem>>
    %dma_wait3A_523 = tpu.memref_squeeze %dma_wait3A_522 : memref<1x16x1024xf32, #tpu.memory_space<vmem>> -> memref<16x1024xf32, #tpu.memory_space<vmem>>
    %dma_wait3A_524 = arith.constant 0 : i32
    %dma_wait3A_525 = tpu.memref_slice %arg5[%dma_wait3A_519, %add3A_438, %dma_wait3A_524] : memref<4x2048x1024xf32, #tpu.memory_space<hbm>> -> memref<1x16x1024xf32, #tpu.memory_space<hbm>>
    %dma_wait3A_526 = tpu.memref_squeeze %dma_wait3A_525 : memref<1x16x1024xf32, #tpu.memory_space<hbm>> -> memref<16x1024xf32, #tpu.memory_space<hbm>>
    %dma_wait3A_527 = arith.constant 0 : i32
    %dma_wait3A_528 = tpu.memref_slice %arg5[%dma_wait3A_519, %add3A_438, %dma_wait3A_527] : memref<4x2048x1024xf32, #tpu.memory_space<hbm>> -> memref<1x16x1024xf32, #tpu.memory_space<hbm>>
    %dma_wait3A_529 = tpu.memref_squeeze %dma_wait3A_528 : memref<1x16x1024xf32, #tpu.memory_space<hbm>> -> memref<16x1024xf32, #tpu.memory_space<hbm>>
    %dma_wait3A_530 = arith.constant 0 : i32
    %dma_wait3A_531 = arith.constant 0 : i32
    %dma_wait3A_532 = tpu.memref_slice %arg8[%dma_wait3A_518, %dma_wait3A_530, %dma_wait3A_531] : memref<5x16x1024xf32, #tpu.memory_space<vmem>> -> memref<1x16x1024xf32, #tpu.memory_space<vmem>>
    %dma_wait3A_533 = tpu.memref_squeeze %dma_wait3A_532 : memref<1x16x1024xf32, #tpu.memory_space<vmem>> -> memref<16x1024xf32, #tpu.memory_space<vmem>>
    tpu.wait_dma2 semaphore(%arg14 : memref<!tpu.dma_semaphore, #tpu.memory_space<semaphore_mem>>) src(%dma_wait3A_533 : memref<16x1024xf32, #tpu.memory_space<vmem>>) dst(%dma_wait3A_529 : memref<16x1024xf32, #tpu.memory_space<hbm>>)
    %dma_start3A_534 = arith.constant 10 : i32
    %dma_start3A_535 = arith.constant 0 : i32
    %dma_start3A_536 = arith.constant 0 : i32
    %dma_start3A_537 = arith.constant 0 : i32
    %dma_start3A_538 = tpu.memref_slice %arg8[%dma_start3A_535, %dma_start3A_536, %dma_start3A_537] : memref<5x16x1024xf32, #tpu.memory_space<vmem>> -> memref<1x16x1024xf32, #tpu.memory_space<vmem>>
    %dma_start3A_539 = tpu.memref_squeeze %dma_start3A_538 : memref<1x16x1024xf32, #tpu.memory_space<vmem>> -> memref<16x1024xf32, #tpu.memory_space<vmem>>
    %dma_start3A_540 = arith.constant 0 : i32
    %dma_start3A_541 = tpu.memref_slice %arg6[%dma_start3A_534, %dma_start3A_540] : memref<16x16xi32, #tpu.memory_space<vmem>> -> memref<1x16xi32, #tpu.memory_space<vmem>>
    %dma_start3A_542 = tpu.memref_squeeze %dma_start3A_541 : memref<1x16xi32, #tpu.memory_space<vmem>> -> memref<16xi32, #tpu.memory_space<vmem>>
    %dma_start3A_543 = arith.constant 0 : i32
    %dma_start3A_544 = arith.constant 0 : i32
    %dma_start3A_545 = tpu.memref_slice %arg3[%dma_start3A_543, %dma_start3A_544] : memref<100000x1024xf32, #tpu.memory_space<hbm>> -> memref<100000x1024xf32, #tpu.memory_space<hbm>>
    tpu.enqueue_indirect_dma source(%dma_start3A_545 : memref<100000x1024xf32, #tpu.memory_space<hbm>>) target(%dma_start3A_539 : memref<16x1024xf32, #tpu.memory_space<vmem>>) offsets(%dma_start3A_542 : memref<16xi32, #tpu.memory_space<vmem>>) semaphore(%arg9 : memref<!tpu.dma_semaphore, #tpu.memory_space<semaphore_mem>>)
    %dma_wait3A_546 = arith.constant 7 : i32
    %dma_wait3A_547 = arith.constant 2 : i32
    %dma_wait3A_548 = arith.constant 0 : i32
    %dma_wait3A_549 = arith.constant 0 : i32
    %dma_wait3A_550 = tpu.memref_slice %arg8[%dma_wait3A_547, %dma_wait3A_548, %dma_wait3A_549] : memref<5x16x1024xf32, #tpu.memory_space<vmem>> -> memref<1x16x1024xf32, #tpu.memory_space<vmem>>
    %dma_wait3A_551 = tpu.memref_squeeze %dma_wait3A_550 : memref<1x16x1024xf32, #tpu.memory_space<vmem>> -> memref<16x1024xf32, #tpu.memory_space<vmem>>
    %dma_wait3A_552 = arith.constant 0 : i32
    %dma_wait3A_553 = tpu.memref_slice %arg6[%dma_wait3A_546, %dma_wait3A_552] : memref<16x16xi32, #tpu.memory_space<vmem>> -> memref<1x16xi32, #tpu.memory_space<vmem>>
    %dma_wait3A_554 = tpu.memref_squeeze %dma_wait3A_553 : memref<1x16xi32, #tpu.memory_space<vmem>> -> memref<16xi32, #tpu.memory_space<vmem>>
    %dma_wait3A_555 = arith.constant 0 : i32
    %dma_wait3A_556 = arith.constant 0 : i32
    %dma_wait3A_557 = tpu.memref_slice %arg3[%dma_wait3A_555, %dma_wait3A_556] : memref<100000x1024xf32, #tpu.memory_space<hbm>> -> memref<100000x1024xf32, #tpu.memory_space<hbm>>
    tpu.wait_indirect_dma semaphore(%arg11 : memref<!tpu.dma_semaphore, #tpu.memory_space<semaphore_mem>>) src(%dma_wait3A_557 : memref<100000x1024xf32, #tpu.memory_space<hbm>>) dst(%dma_wait3A_551 : memref<16x1024xf32, #tpu.memory_space<vmem>>)
    %parallel_loop3A_558 = arith.constant 0 : i32
    %parallel_loop3A_559 = arith.constant 1024 : i32
    %parallel_loop3A_560 = arith.constant 1 : i32
    scf.for %parallel_loop3A_1124 = %parallel_loop3A_558 to %parallel_loop3A_559 step %parallel_loop3A_560  : i32 {
      %parallel_loop3A_1125 = arith.constant 6 : i32
      %parallel_loop3A_1126 = arith.shrui %parallel_loop3A_1124, %parallel_loop3A_1125 : i32
      %parallel_loop3A_1127 = arith.constant 63 : i32
      %parallel_loop3A_1128 = arith.andi %parallel_loop3A_1124, %parallel_loop3A_1127 : i32
      %parallel_loop3A_1129 = arith.constant 16 : i32
      %parallel_loop3A_1130 = arith.muli %parallel_loop3A_1128, %parallel_loop3A_1129 : i32
      %parallel_loop3A_1131 = arith.constant 1 : i32
      %parallel_loop3A_1132 = arith.index_cast %parallel_loop3A_1131 : i32 to index
      %parallel_loop3A_1133 = arith.index_cast %parallel_loop3A_1126 : i32 to index
      %parallel_loop3A_1134 = arith.index_cast %parallel_loop3A_1130 : i32 to index
      %parallel_loop3A_1135 = tpu.vector_load %arg7[%parallel_loop3A_1132, %parallel_loop3A_1133, %parallel_loop3A_1134] {strides = array<i32>} : memref<2x16x1024xf32, #tpu.memory_space<vmem>>, vector<1x1x16xf32>,
      %parallel_loop3A_1136 = vector.shape_cast %parallel_loop3A_1135 : vector<1x1x16xf32> to vector<16xf32>
      %parallel_loop3A_1137 = arith.constant 2 : i32
      %parallel_loop3A_1138 = arith.index_cast %parallel_loop3A_1137 : i32 to index
      %parallel_loop3A_1139 = arith.index_cast %parallel_loop3A_1126 : i32 to index
      %parallel_loop3A_1140 = arith.index_cast %parallel_loop3A_1130 : i32 to index
      %parallel_loop3A_1141 = tpu.vector_load %arg8[%parallel_loop3A_1138, %parallel_loop3A_1139, %parallel_loop3A_1140] {strides = array<i32>} : memref<5x16x1024xf32, #tpu.memory_space<vmem>>, vector<1x1x16xf32>,
      %parallel_loop3A_1142 = vector.shape_cast %parallel_loop3A_1141 : vector<1x1x16xf32> to vector<16xf32>
      %parallel_loop3A_1143 = vector.shape_cast %parallel_loop3A_1136 : vector<16xf32> to vector<1x1x16xf32>
      tpu.vector_store %arg8[%parallel_loop3A_1138, %parallel_loop3A_1139, %parallel_loop3A_1140], %parallel_loop3A_1143 {add = true, strides = array<i32>} : memref<5x16x1024xf32, #tpu.memory_space<vmem>>, vector<1x1x16xf32>,
    } {sc.loop_unroll_factor = 8 : i64, sc.parallel_access}
    %mul3A_561 = arith.constant 64 : i32
    %mul3A_562 = arith.muli %add3A, %mul3A_561 : i32
    %add3A_563 = arith.constant 16 : i32
    %add3A_564 = arith.addi %mul3A_562, %add3A_563 : i32
    %dma_start3A_565 = arith.constant 2 : i32
    %dma_start3A_566 = arith.constant 3 : i32
    %dma_start3A_567 = arith.constant 0 : i32
    %dma_start3A_568 = arith.constant 0 : i32
    %dma_start3A_569 = tpu.memref_slice %arg8[%dma_start3A_565, %dma_start3A_567, %dma_start3A_568] : memref<5x16x1024xf32, #tpu.memory_space<vmem>> -> memref<1x16x1024xf32, #tpu.memory_space<vmem>>
    %dma_start3A_570 = tpu.memref_squeeze %dma_start3A_569 : memref<1x16x1024xf32, #tpu.memory_space<vmem>> -> memref<16x1024xf32, #tpu.memory_space<vmem>>
    %dma_start3A_571 = arith.constant 0 : i32
    %dma_start3A_572 = tpu.memref_slice %arg5[%dma_start3A_566, %add3A_564, %dma_start3A_571] : memref<4x2048x1024xf32, #tpu.memory_space<hbm>> -> memref<1x16x1024xf32, #tpu.memory_space<hbm>>
    %dma_start3A_573 = tpu.memref_squeeze %dma_start3A_572 : memref<1x16x1024xf32, #tpu.memory_space<hbm>> -> memref<16x1024xf32, #tpu.memory_space<hbm>>
    %dma_start3A_574 = arith.constant 0 : i32
    %dma_start3A_575 = tpu.memref_slice %arg5[%dma_start3A_566, %add3A_564, %dma_start3A_574] : memref<4x2048x1024xf32, #tpu.memory_space<hbm>> -> memref<1x16x1024xf32, #tpu.memory_space<hbm>>
    %dma_start3A_576 = tpu.memref_squeeze %dma_start3A_575 : memref<1x16x1024xf32, #tpu.memory_space<hbm>> -> memref<16x1024xf32, #tpu.memory_space<hbm>>
    %dma_start3A_577 = arith.constant 0 : i32
    %dma_start3A_578 = arith.constant 0 : i32
    %dma_start3A_579 = tpu.memref_slice %arg8[%dma_start3A_565, %dma_start3A_577, %dma_start3A_578] : memref<5x16x1024xf32, #tpu.memory_space<vmem>> -> memref<1x16x1024xf32, #tpu.memory_space<vmem>>
    %dma_start3A_580 = tpu.memref_squeeze %dma_start3A_579 : memref<1x16x1024xf32, #tpu.memory_space<vmem>> -> memref<16x1024xf32, #tpu.memory_space<vmem>>
    tpu.enqueue_dma source(%dma_start3A_580 : memref<16x1024xf32, #tpu.memory_space<vmem>>) target(%dma_start3A_576 : memref<16x1024xf32, #tpu.memory_space<hbm>>) target_semaphore(%arg16 : memref<!tpu.dma_semaphore, #tpu.memory_space<semaphore_mem>>)
    %dma_wait3A_581 = arith.constant 1 : i32
    %dma_wait3A_582 = arith.constant 2 : i32
    %dma_wait3A_583 = arith.constant 0 : i32
    %dma_wait3A_584 = arith.constant 0 : i32
    %dma_wait3A_585 = tpu.memref_slice %arg8[%dma_wait3A_581, %dma_wait3A_583, %dma_wait3A_584] : memref<5x16x1024xf32, #tpu.memory_space<vmem>> -> memref<1x16x1024xf32, #tpu.memory_space<vmem>>
    %dma_wait3A_586 = tpu.memref_squeeze %dma_wait3A_585 : memref<1x16x1024xf32, #tpu.memory_space<vmem>> -> memref<16x1024xf32, #tpu.memory_space<vmem>>
    %dma_wait3A_587 = arith.constant 0 : i32
    %dma_wait3A_588 = tpu.memref_slice %arg5[%dma_wait3A_582, %add3A_501, %dma_wait3A_587] : memref<4x2048x1024xf32, #tpu.memory_space<hbm>> -> memref<1x16x1024xf32, #tpu.memory_space<hbm>>
    %dma_wait3A_589 = tpu.memref_squeeze %dma_wait3A_588 : memref<1x16x1024xf32, #tpu.memory_space<hbm>> -> memref<16x1024xf32, #tpu.memory_space<hbm>>
    %dma_wait3A_590 = arith.constant 0 : i32
    %dma_wait3A_591 = tpu.memref_slice %arg5[%dma_wait3A_582, %add3A_501, %dma_wait3A_590] : memref<4x2048x1024xf32, #tpu.memory_space<hbm>> -> memref<1x16x1024xf32, #tpu.memory_space<hbm>>
    %dma_wait3A_592 = tpu.memref_squeeze %dma_wait3A_591 : memref<1x16x1024xf32, #tpu.memory_space<hbm>> -> memref<16x1024xf32, #tpu.memory_space<hbm>>
    %dma_wait3A_593 = arith.constant 0 : i32
    %dma_wait3A_594 = arith.constant 0 : i32
    %dma_wait3A_595 = tpu.memref_slice %arg8[%dma_wait3A_581, %dma_wait3A_593, %dma_wait3A_594] : memref<5x16x1024xf32, #tpu.memory_space<vmem>> -> memref<1x16x1024xf32, #tpu.memory_space<vmem>>
    %dma_wait3A_596 = tpu.memref_squeeze %dma_wait3A_595 : memref<1x16x1024xf32, #tpu.memory_space<vmem>> -> memref<16x1024xf32, #tpu.memory_space<vmem>>
    tpu.wait_dma2 semaphore(%arg15 : memref<!tpu.dma_semaphore, #tpu.memory_space<semaphore_mem>>) src(%dma_wait3A_596 : memref<16x1024xf32, #tpu.memory_space<vmem>>) dst(%dma_wait3A_592 : memref<16x1024xf32, #tpu.memory_space<hbm>>)
    %dma_start3A_597 = arith.constant 11 : i32
    %dma_start3A_598 = arith.constant 1 : i32
    %dma_start3A_599 = arith.constant 0 : i32
    %dma_start3A_600 = arith.constant 0 : i32
    %dma_start3A_601 = tpu.memref_slice %arg8[%dma_start3A_598, %dma_start3A_599, %dma_start3A_600] : memref<5x16x1024xf32, #tpu.memory_space<vmem>> -> memref<1x16x1024xf32, #tpu.memory_space<vmem>>
    %dma_start3A_602 = tpu.memref_squeeze %dma_start3A_601 : memref<1x16x1024xf32, #tpu.memory_space<vmem>> -> memref<16x1024xf32, #tpu.memory_space<vmem>>
    %dma_start3A_603 = arith.constant 0 : i32
    %dma_start3A_604 = tpu.memref_slice %arg6[%dma_start3A_597, %dma_start3A_603] : memref<16x16xi32, #tpu.memory_space<vmem>> -> memref<1x16xi32, #tpu.memory_space<vmem>>
    %dma_start3A_605 = tpu.memref_squeeze %dma_start3A_604 : memref<1x16xi32, #tpu.memory_space<vmem>> -> memref<16xi32, #tpu.memory_space<vmem>>
    %dma_start3A_606 = arith.constant 0 : i32
    %dma_start3A_607 = arith.constant 0 : i32
    %dma_start3A_608 = tpu.memref_slice %arg3[%dma_start3A_606, %dma_start3A_607] : memref<100000x1024xf32, #tpu.memory_space<hbm>> -> memref<100000x1024xf32, #tpu.memory_space<hbm>>
    tpu.enqueue_indirect_dma source(%dma_start3A_608 : memref<100000x1024xf32, #tpu.memory_space<hbm>>) target(%dma_start3A_602 : memref<16x1024xf32, #tpu.memory_space<vmem>>) offsets(%dma_start3A_605 : memref<16xi32, #tpu.memory_space<vmem>>) semaphore(%arg10 : memref<!tpu.dma_semaphore, #tpu.memory_space<semaphore_mem>>)
    %dma_wait3A_609 = arith.constant 0 : i32
    %dma_wait3A_610 = arith.constant 0 : i32
    %dma_wait3A_611 = arith.constant 0 : i32
    %dma_wait3A_612 = tpu.memref_slice %arg7[%dma_wait3A_609, %dma_wait3A_610, %dma_wait3A_611] : memref<2x16x1024xf32, #tpu.memory_space<vmem>> -> memref<1x16x1024xf32, #tpu.memory_space<vmem>>
    %dma_wait3A_613 = tpu.memref_squeeze %dma_wait3A_612 : memref<1x16x1024xf32, #tpu.memory_space<vmem>> -> memref<16x1024xf32, #tpu.memory_space<vmem>>
    %dma_wait3A_614 = arith.constant 0 : i32
    %dma_wait3A_615 = tpu.memref_slice %arg4[%add3A_343, %dma_wait3A_614] : memref<2048x1024xf32, #tpu.memory_space<hbm>> -> memref<16x1024xf32, #tpu.memory_space<hbm>>
    %dma_wait3A_616 = arith.constant 0 : i32
    %dma_wait3A_617 = arith.constant 0 : i32
    %dma_wait3A_618 = tpu.memref_slice %arg7[%dma_wait3A_609, %dma_wait3A_616, %dma_wait3A_617] : memref<2x16x1024xf32, #tpu.memory_space<vmem>> -> memref<1x16x1024xf32, #tpu.memory_space<vmem>>
    %dma_wait3A_619 = tpu.memref_squeeze %dma_wait3A_618 : memref<1x16x1024xf32, #tpu.memory_space<vmem>> -> memref<16x1024xf32, #tpu.memory_space<vmem>>
    %dma_wait3A_620 = arith.constant 0 : i32
    %dma_wait3A_621 = tpu.memref_slice %arg4[%add3A_343, %dma_wait3A_620] : memref<2048x1024xf32, #tpu.memory_space<hbm>> -> memref<16x1024xf32, #tpu.memory_space<hbm>>
    tpu.wait_dma2 semaphore(%arg19 : memref<!tpu.dma_semaphore, #tpu.memory_space<semaphore_mem>>) src(%dma_wait3A_621 : memref<16x1024xf32, #tpu.memory_space<hbm>>) dst(%dma_wait3A_619 : memref<16x1024xf32, #tpu.memory_space<vmem>>)
    %mul3A_622 = arith.constant 64 : i32
    %mul3A_623 = arith.muli %add3A, %mul3A_622 : i32
    %add3A_624 = arith.constant 48 : i32
    %add3A_625 = arith.addi %mul3A_623, %add3A_624 : i32
    %dma_start3A_626 = arith.constant 1 : i32
    %dma_start3A_627 = arith.constant 0 : i32
    %dma_start3A_628 = arith.constant 0 : i32
    %dma_start3A_629 = tpu.memref_slice %arg7[%dma_start3A_626, %dma_start3A_627, %dma_start3A_628] : memref<2x16x1024xf32, #tpu.memory_space<vmem>> -> memref<1x16x1024xf32, #tpu.memory_space<vmem>>
    %dma_start3A_630 = tpu.memref_squeeze %dma_start3A_629 : memref<1x16x1024xf32, #tpu.memory_space<vmem>> -> memref<16x1024xf32, #tpu.memory_space<vmem>>
    %dma_start3A_631 = arith.constant 0 : i32
    %dma_start3A_632 = tpu.memref_slice %arg4[%add3A_625, %dma_start3A_631] : memref<2048x1024xf32, #tpu.memory_space<hbm>> -> memref<16x1024xf32, #tpu.memory_space<hbm>>
    %dma_start3A_633 = arith.constant 0 : i32
    %dma_start3A_634 = arith.constant 0 : i32
    %dma_start3A_635 = tpu.memref_slice %arg7[%dma_start3A_626, %dma_start3A_633, %dma_start3A_634] : memref<2x16x1024xf32, #tpu.memory_space<vmem>> -> memref<1x16x1024xf32, #tpu.memory_space<vmem>>
    %dma_start3A_636 = tpu.memref_squeeze %dma_start3A_635 : memref<1x16x1024xf32, #tpu.memory_space<vmem>> -> memref<16x1024xf32, #tpu.memory_space<vmem>>
    %dma_start3A_637 = arith.constant 0 : i32
    %dma_start3A_638 = tpu.memref_slice %arg4[%add3A_625, %dma_start3A_637] : memref<2048x1024xf32, #tpu.memory_space<hbm>> -> memref<16x1024xf32, #tpu.memory_space<hbm>>
    tpu.enqueue_dma source(%dma_start3A_638 : memref<16x1024xf32, #tpu.memory_space<hbm>>) target(%dma_start3A_636 : memref<16x1024xf32, #tpu.memory_space<vmem>>) target_semaphore(%arg19 : memref<!tpu.dma_semaphore, #tpu.memory_space<semaphore_mem>>)
    %dma_wait3A_639 = arith.constant 8 : i32
    %dma_wait3A_640 = arith.constant 3 : i32
    %dma_wait3A_641 = arith.constant 0 : i32
    %dma_wait3A_642 = arith.constant 0 : i32
    %dma_wait3A_643 = tpu.memref_slice %arg8[%dma_wait3A_640, %dma_wait3A_641, %dma_wait3A_642] : memref<5x16x1024xf32, #tpu.memory_space<vmem>> -> memref<1x16x1024xf32, #tpu.memory_space<vmem>>
    %dma_wait3A_644 = tpu.memref_squeeze %dma_wait3A_643 : memref<1x16x1024xf32, #tpu.memory_space<vmem>> -> memref<16x1024xf32, #tpu.memory_space<vmem>>
    %dma_wait3A_645 = arith.constant 0 : i32
    %dma_wait3A_646 = tpu.memref_slice %arg6[%dma_wait3A_639, %dma_wait3A_645] : memref<16x16xi32, #tpu.memory_space<vmem>> -> memref<1x16xi32, #tpu.memory_space<vmem>>
    %dma_wait3A_647 = tpu.memref_squeeze %dma_wait3A_646 : memref<1x16xi32, #tpu.memory_space<vmem>> -> memref<16xi32, #tpu.memory_space<vmem>>
    %dma_wait3A_648 = arith.constant 0 : i32
    %dma_wait3A_649 = arith.constant 0 : i32
    %dma_wait3A_650 = tpu.memref_slice %arg3[%dma_wait3A_648, %dma_wait3A_649] : memref<100000x1024xf32, #tpu.memory_space<hbm>> -> memref<100000x1024xf32, #tpu.memory_space<hbm>>
    tpu.wait_indirect_dma semaphore(%arg12 : memref<!tpu.dma_semaphore, #tpu.memory_space<semaphore_mem>>) src(%dma_wait3A_650 : memref<100000x1024xf32, #tpu.memory_space<hbm>>) dst(%dma_wait3A_644 : memref<16x1024xf32, #tpu.memory_space<vmem>>)
    %parallel_loop3A_651 = arith.constant 0 : i32
    %parallel_loop3A_652 = arith.constant 1024 : i32
    %parallel_loop3A_653 = arith.constant 1 : i32
    scf.for %parallel_loop3A_1124 = %parallel_loop3A_651 to %parallel_loop3A_652 step %parallel_loop3A_653  : i32 {
      %parallel_loop3A_1125 = arith.constant 6 : i32
      %parallel_loop3A_1126 = arith.shrui %parallel_loop3A_1124, %parallel_loop3A_1125 : i32
      %parallel_loop3A_1127 = arith.constant 63 : i32
      %parallel_loop3A_1128 = arith.andi %parallel_loop3A_1124, %parallel_loop3A_1127 : i32
      %parallel_loop3A_1129 = arith.constant 16 : i32
      %parallel_loop3A_1130 = arith.muli %parallel_loop3A_1128, %parallel_loop3A_1129 : i32
      %parallel_loop3A_1131 = arith.constant 0 : i32
      %parallel_loop3A_1132 = arith.index_cast %parallel_loop3A_1131 : i32 to index
      %parallel_loop3A_1133 = arith.index_cast %parallel_loop3A_1126 : i32 to index
      %parallel_loop3A_1134 = arith.index_cast %parallel_loop3A_1130 : i32 to index
      %parallel_loop3A_1135 = tpu.vector_load %arg7[%parallel_loop3A_1132, %parallel_loop3A_1133, %parallel_loop3A_1134] {strides = array<i32>} : memref<2x16x1024xf32, #tpu.memory_space<vmem>>, vector<1x1x16xf32>,
      %parallel_loop3A_1136 = vector.shape_cast %parallel_loop3A_1135 : vector<1x1x16xf32> to vector<16xf32>
      %parallel_loop3A_1137 = arith.constant 3 : i32
      %parallel_loop3A_1138 = arith.index_cast %parallel_loop3A_1137 : i32 to index
      %parallel_loop3A_1139 = arith.index_cast %parallel_loop3A_1126 : i32 to index
      %parallel_loop3A_1140 = arith.index_cast %parallel_loop3A_1130 : i32 to index
      %parallel_loop3A_1141 = tpu.vector_load %arg8[%parallel_loop3A_1138, %parallel_loop3A_1139, %parallel_loop3A_1140] {strides = array<i32>} : memref<5x16x1024xf32, #tpu.memory_space<vmem>>, vector<1x1x16xf32>,
      %parallel_loop3A_1142 = vector.shape_cast %parallel_loop3A_1141 : vector<1x1x16xf32> to vector<16xf32>
      %parallel_loop3A_1143 = vector.shape_cast %parallel_loop3A_1136 : vector<16xf32> to vector<1x1x16xf32>
      tpu.vector_store %arg8[%parallel_loop3A_1138, %parallel_loop3A_1139, %parallel_loop3A_1140], %parallel_loop3A_1143 {add = true, strides = array<i32>} : memref<5x16x1024xf32, #tpu.memory_space<vmem>>, vector<1x1x16xf32>,
    } {sc.loop_unroll_factor = 8 : i64, sc.parallel_access}
    %mul3A_654 = arith.constant 64 : i32
    %mul3A_655 = arith.muli %add3A, %mul3A_654 : i32
    %add3A_656 = arith.constant 32 : i32
    %add3A_657 = arith.addi %mul3A_655, %add3A_656 : i32
    %dma_start3A_658 = arith.constant 3 : i32
    %dma_start3A_659 = arith.constant 0 : i32
    %dma_start3A_660 = arith.constant 0 : i32
    %dma_start3A_661 = arith.constant 0 : i32
    %dma_start3A_662 = tpu.memref_slice %arg8[%dma_start3A_658, %dma_start3A_660, %dma_start3A_661] : memref<5x16x1024xf32, #tpu.memory_space<vmem>> -> memref<1x16x1024xf32, #tpu.memory_space<vmem>>
    %dma_start3A_663 = tpu.memref_squeeze %dma_start3A_662 : memref<1x16x1024xf32, #tpu.memory_space<vmem>> -> memref<16x1024xf32, #tpu.memory_space<vmem>>
    %dma_start3A_664 = arith.constant 0 : i32
    %dma_start3A_665 = tpu.memref_slice %arg5[%dma_start3A_659, %add3A_657, %dma_start3A_664] : memref<4x2048x1024xf32, #tpu.memory_space<hbm>> -> memref<1x16x1024xf32, #tpu.memory_space<hbm>>
    %dma_start3A_666 = tpu.memref_squeeze %dma_start3A_665 : memref<1x16x1024xf32, #tpu.memory_space<hbm>> -> memref<16x1024xf32, #tpu.memory_space<hbm>>
    %dma_start3A_667 = arith.constant 0 : i32
    %dma_start3A_668 = tpu.memref_slice %arg5[%dma_start3A_659, %add3A_657, %dma_start3A_667] : memref<4x2048x1024xf32, #tpu.memory_space<hbm>> -> memref<1x16x1024xf32, #tpu.memory_space<hbm>>
    %dma_start3A_669 = tpu.memref_squeeze %dma_start3A_668 : memref<1x16x1024xf32, #tpu.memory_space<hbm>> -> memref<16x1024xf32, #tpu.memory_space<hbm>>
    %dma_start3A_670 = arith.constant 0 : i32
    %dma_start3A_671 = arith.constant 0 : i32
    %dma_start3A_672 = tpu.memref_slice %arg8[%dma_start3A_658, %dma_start3A_670, %dma_start3A_671] : memref<5x16x1024xf32, #tpu.memory_space<vmem>> -> memref<1x16x1024xf32, #tpu.memory_space<vmem>>
    %dma_start3A_673 = tpu.memref_squeeze %dma_start3A_672 : memref<1x16x1024xf32, #tpu.memory_space<vmem>> -> memref<16x1024xf32, #tpu.memory_space<vmem>>
    tpu.enqueue_dma source(%dma_start3A_673 : memref<16x1024xf32, #tpu.memory_space<vmem>>) target(%dma_start3A_669 : memref<16x1024xf32, #tpu.memory_space<hbm>>) target_semaphore(%arg17 : memref<!tpu.dma_semaphore, #tpu.memory_space<semaphore_mem>>)
    %dma_wait3A_674 = arith.constant 2 : i32
    %dma_wait3A_675 = arith.constant 3 : i32
    %dma_wait3A_676 = arith.constant 0 : i32
    %dma_wait3A_677 = arith.constant 0 : i32
    %dma_wait3A_678 = tpu.memref_slice %arg8[%dma_wait3A_674, %dma_wait3A_676, %dma_wait3A_677] : memref<5x16x1024xf32, #tpu.memory_space<vmem>> -> memref<1x16x1024xf32, #tpu.memory_space<vmem>>
    %dma_wait3A_679 = tpu.memref_squeeze %dma_wait3A_678 : memref<1x16x1024xf32, #tpu.memory_space<vmem>> -> memref<16x1024xf32, #tpu.memory_space<vmem>>
    %dma_wait3A_680 = arith.constant 0 : i32
    %dma_wait3A_681 = tpu.memref_slice %arg5[%dma_wait3A_675, %add3A_564, %dma_wait3A_680] : memref<4x2048x1024xf32, #tpu.memory_space<hbm>> -> memref<1x16x1024xf32, #tpu.memory_space<hbm>>
    %dma_wait3A_682 = tpu.memref_squeeze %dma_wait3A_681 : memref<1x16x1024xf32, #tpu.memory_space<hbm>> -> memref<16x1024xf32, #tpu.memory_space<hbm>>
    %dma_wait3A_683 = arith.constant 0 : i32
    %dma_wait3A_684 = tpu.memref_slice %arg5[%dma_wait3A_675, %add3A_564, %dma_wait3A_683] : memref<4x2048x1024xf32, #tpu.memory_space<hbm>> -> memref<1x16x1024xf32, #tpu.memory_space<hbm>>
    %dma_wait3A_685 = tpu.memref_squeeze %dma_wait3A_684 : memref<1x16x1024xf32, #tpu.memory_space<hbm>> -> memref<16x1024xf32, #tpu.memory_space<hbm>>
    %dma_wait3A_686 = arith.constant 0 : i32
    %dma_wait3A_687 = arith.constant 0 : i32
    %dma_wait3A_688 = tpu.memref_slice %arg8[%dma_wait3A_674, %dma_wait3A_686, %dma_wait3A_687] : memref<5x16x1024xf32, #tpu.memory_space<vmem>> -> memref<1x16x1024xf32, #tpu.memory_space<vmem>>
    %dma_wait3A_689 = tpu.memref_squeeze %dma_wait3A_688 : memref<1x16x1024xf32, #tpu.memory_space<vmem>> -> memref<16x1024xf32, #tpu.memory_space<vmem>>
    tpu.wait_dma2 semaphore(%arg16 : memref<!tpu.dma_semaphore, #tpu.memory_space<semaphore_mem>>) src(%dma_wait3A_689 : memref<16x1024xf32, #tpu.memory_space<vmem>>) dst(%dma_wait3A_685 : memref<16x1024xf32, #tpu.memory_space<hbm>>)
    %dma_start3A_690 = arith.constant 12 : i32
    %dma_start3A_691 = arith.constant 2 : i32
    %dma_start3A_692 = arith.constant 0 : i32
    %dma_start3A_693 = arith.constant 0 : i32
    %dma_start3A_694 = tpu.memref_slice %arg8[%dma_start3A_691, %dma_start3A_692, %dma_start3A_693] : memref<5x16x1024xf32, #tpu.memory_space<vmem>> -> memref<1x16x1024xf32, #tpu.memory_space<vmem>>
    %dma_start3A_695 = tpu.memref_squeeze %dma_start3A_694 : memref<1x16x1024xf32, #tpu.memory_space<vmem>> -> memref<16x1024xf32, #tpu.memory_space<vmem>>
    %dma_start3A_696 = arith.constant 0 : i32
    %dma_start3A_697 = tpu.memref_slice %arg6[%dma_start3A_690, %dma_start3A_696] : memref<16x16xi32, #tpu.memory_space<vmem>> -> memref<1x16xi32, #tpu.memory_space<vmem>>
    %dma_start3A_698 = tpu.memref_squeeze %dma_start3A_697 : memref<1x16xi32, #tpu.memory_space<vmem>> -> memref<16xi32, #tpu.memory_space<vmem>>
    %dma_start3A_699 = arith.constant 0 : i32
    %dma_start3A_700 = arith.constant 0 : i32
    %dma_start3A_701 = tpu.memref_slice %arg3[%dma_start3A_699, %dma_start3A_700] : memref<100000x1024xf32, #tpu.memory_space<hbm>> -> memref<100000x1024xf32, #tpu.memory_space<hbm>>
    tpu.enqueue_indirect_dma source(%dma_start3A_701 : memref<100000x1024xf32, #tpu.memory_space<hbm>>) target(%dma_start3A_695 : memref<16x1024xf32, #tpu.memory_space<vmem>>) offsets(%dma_start3A_698 : memref<16xi32, #tpu.memory_space<vmem>>) semaphore(%arg11 : memref<!tpu.dma_semaphore, #tpu.memory_space<semaphore_mem>>)
    %dma_wait3A_702 = arith.constant 9 : i32
    %dma_wait3A_703 = arith.constant 4 : i32
    %dma_wait3A_704 = arith.constant 0 : i32
    %dma_wait3A_705 = arith.constant 0 : i32
    %dma_wait3A_706 = tpu.memref_slice %arg8[%dma_wait3A_703, %dma_wait3A_704, %dma_wait3A_705] : memref<5x16x1024xf32, #tpu.memory_space<vmem>> -> memref<1x16x1024xf32, #tpu.memory_space<vmem>>
    %dma_wait3A_707 = tpu.memref_squeeze %dma_wait3A_706 : memref<1x16x1024xf32, #tpu.memory_space<vmem>> -> memref<16x1024xf32, #tpu.memory_space<vmem>>
    %dma_wait3A_708 = arith.constant 0 : i32
    %dma_wait3A_709 = tpu.memref_slice %arg6[%dma_wait3A_702, %dma_wait3A_708] : memref<16x16xi32, #tpu.memory_space<vmem>> -> memref<1x16xi32, #tpu.memory_space<vmem>>
    %dma_wait3A_710 = tpu.memref_squeeze %dma_wait3A_709 : memref<1x16xi32, #tpu.memory_space<vmem>> -> memref<16xi32, #tpu.memory_space<vmem>>
    %dma_wait3A_711 = arith.constant 0 : i32
    %dma_wait3A_712 = arith.constant 0 : i32
    %dma_wait3A_713 = tpu.memref_slice %arg3[%dma_wait3A_711, %dma_wait3A_712] : memref<100000x1024xf32, #tpu.memory_space<hbm>> -> memref<100000x1024xf32, #tpu.memory_space<hbm>>
    tpu.wait_indirect_dma semaphore(%arg13 : memref<!tpu.dma_semaphore, #tpu.memory_space<semaphore_mem>>) src(%dma_wait3A_713 : memref<100000x1024xf32, #tpu.memory_space<hbm>>) dst(%dma_wait3A_707 : memref<16x1024xf32, #tpu.memory_space<vmem>>)
    %parallel_loop3A_714 = arith.constant 0 : i32
    %parallel_loop3A_715 = arith.constant 1024 : i32
    %parallel_loop3A_716 = arith.constant 1 : i32
    scf.for %parallel_loop3A_1124 = %parallel_loop3A_714 to %parallel_loop3A_715 step %parallel_loop3A_716  : i32 {
      %parallel_loop3A_1125 = arith.constant 6 : i32
      %parallel_loop3A_1126 = arith.shrui %parallel_loop3A_1124, %parallel_loop3A_1125 : i32
      %parallel_loop3A_1127 = arith.constant 63 : i32
      %parallel_loop3A_1128 = arith.andi %parallel_loop3A_1124, %parallel_loop3A_1127 : i32
      %parallel_loop3A_1129 = arith.constant 16 : i32
      %parallel_loop3A_1130 = arith.muli %parallel_loop3A_1128, %parallel_loop3A_1129 : i32
      %parallel_loop3A_1131 = arith.constant 0 : i32
      %parallel_loop3A_1132 = arith.index_cast %parallel_loop3A_1131 : i32 to index
      %parallel_loop3A_1133 = arith.index_cast %parallel_loop3A_1126 : i32 to index
      %parallel_loop3A_1134 = arith.index_cast %parallel_loop3A_1130 : i32 to index
      %parallel_loop3A_1135 = tpu.vector_load %arg7[%parallel_loop3A_1132, %parallel_loop3A_1133, %parallel_loop3A_1134] {strides = array<i32>} : memref<2x16x1024xf32, #tpu.memory_space<vmem>>, vector<1x1x16xf32>,
      %parallel_loop3A_1136 = vector.shape_cast %parallel_loop3A_1135 : vector<1x1x16xf32> to vector<16xf32>
      %parallel_loop3A_1137 = arith.constant 4 : i32
      %parallel_loop3A_1138 = arith.index_cast %parallel_loop3A_1137 : i32 to index
      %parallel_loop3A_1139 = arith.index_cast %parallel_loop3A_1126 : i32 to index
      %parallel_loop3A_1140 = arith.index_cast %parallel_loop3A_1130 : i32 to index
      %parallel_loop3A_1141 = tpu.vector_load %arg8[%parallel_loop3A_1138, %parallel_loop3A_1139, %parallel_loop3A_1140] {strides = array<i32>} : memref<5x16x1024xf32, #tpu.memory_space<vmem>>, vector<1x1x16xf32>,
      %parallel_loop3A_1142 = vector.shape_cast %parallel_loop3A_1141 : vector<1x1x16xf32> to vector<16xf32>
      %parallel_loop3A_1143 = vector.shape_cast %parallel_loop3A_1136 : vector<16xf32> to vector<1x1x16xf32>
      tpu.vector_store %arg8[%parallel_loop3A_1138, %parallel_loop3A_1139, %parallel_loop3A_1140], %parallel_loop3A_1143 {add = true, strides = array<i32>} : memref<5x16x1024xf32, #tpu.memory_space<vmem>>, vector<1x1x16xf32>,
    } {sc.loop_unroll_factor = 8 : i64, sc.parallel_access}
    %mul3A_717 = arith.constant 64 : i32
    %mul3A_718 = arith.muli %add3A, %mul3A_717 : i32
    %add3A_719 = arith.constant 32 : i32
    %add3A_720 = arith.addi %mul3A_718, %add3A_719 : i32
    %dma_start3A_721 = arith.constant 4 : i32
    %dma_start3A_722 = arith.constant 1 : i32
    %dma_start3A_723 = arith.constant 0 : i32
    %dma_start3A_724 = arith.constant 0 : i32
    %dma_start3A_725 = tpu.memref_slice %arg8[%dma_start3A_721, %dma_start3A_723, %dma_start3A_724] : memref<5x16x1024xf32, #tpu.memory_space<vmem>> -> memref<1x16x1024xf32, #tpu.memory_space<vmem>>
    %dma_start3A_726 = tpu.memref_squeeze %dma_start3A_725 : memref<1x16x1024xf32, #tpu.memory_space<vmem>> -> memref<16x1024xf32, #tpu.memory_space<vmem>>
    %dma_start3A_727 = arith.constant 0 : i32
    %dma_start3A_728 = tpu.memref_slice %arg5[%dma_start3A_722, %add3A_720, %dma_start3A_727] : memref<4x2048x1024xf32, #tpu.memory_space<hbm>> -> memref<1x16x1024xf32, #tpu.memory_space<hbm>>
    %dma_start3A_729 = tpu.memref_squeeze %dma_start3A_728 : memref<1x16x1024xf32, #tpu.memory_space<hbm>> -> memref<16x1024xf32, #tpu.memory_space<hbm>>
    %dma_start3A_730 = arith.constant 0 : i32
    %dma_start3A_731 = tpu.memref_slice %arg5[%dma_start3A_722, %add3A_720, %dma_start3A_730] : memref<4x2048x1024xf32, #tpu.memory_space<hbm>> -> memref<1x16x1024xf32, #tpu.memory_space<hbm>>
    %dma_start3A_732 = tpu.memref_squeeze %dma_start3A_731 : memref<1x16x1024xf32, #tpu.memory_space<hbm>> -> memref<16x1024xf32, #tpu.memory_space<hbm>>
    %dma_start3A_733 = arith.constant 0 : i32
    %dma_start3A_734 = arith.constant 0 : i32
    %dma_start3A_735 = tpu.memref_slice %arg8[%dma_start3A_721, %dma_start3A_733, %dma_start3A_734] : memref<5x16x1024xf32, #tpu.memory_space<vmem>> -> memref<1x16x1024xf32, #tpu.memory_space<vmem>>
    %dma_start3A_736 = tpu.memref_squeeze %dma_start3A_735 : memref<1x16x1024xf32, #tpu.memory_space<vmem>> -> memref<16x1024xf32, #tpu.memory_space<vmem>>
    tpu.enqueue_dma source(%dma_start3A_736 : memref<16x1024xf32, #tpu.memory_space<vmem>>) target(%dma_start3A_732 : memref<16x1024xf32, #tpu.memory_space<hbm>>) target_semaphore(%arg18 : memref<!tpu.dma_semaphore, #tpu.memory_space<semaphore_mem>>)
    %dma_wait3A_737 = arith.constant 3 : i32
    %dma_wait3A_738 = arith.constant 0 : i32
    %dma_wait3A_739 = arith.constant 0 : i32
    %dma_wait3A_740 = arith.constant 0 : i32
    %dma_wait3A_741 = tpu.memref_slice %arg8[%dma_wait3A_737, %dma_wait3A_739, %dma_wait3A_740] : memref<5x16x1024xf32, #tpu.memory_space<vmem>> -> memref<1x16x1024xf32, #tpu.memory_space<vmem>>
    %dma_wait3A_742 = tpu.memref_squeeze %dma_wait3A_741 : memref<1x16x1024xf32, #tpu.memory_space<vmem>> -> memref<16x1024xf32, #tpu.memory_space<vmem>>
    %dma_wait3A_743 = arith.constant 0 : i32
    %dma_wait3A_744 = tpu.memref_slice %arg5[%dma_wait3A_738, %add3A_657, %dma_wait3A_743] : memref<4x2048x1024xf32, #tpu.memory_space<hbm>> -> memref<1x16x1024xf32, #tpu.memory_space<hbm>>
    %dma_wait3A_745 = tpu.memref_squeeze %dma_wait3A_744 : memref<1x16x1024xf32, #tpu.memory_space<hbm>> -> memref<16x1024xf32, #tpu.memory_space<hbm>>
    %dma_wait3A_746 = arith.constant 0 : i32
    %dma_wait3A_747 = tpu.memref_slice %arg5[%dma_wait3A_738, %add3A_657, %dma_wait3A_746] : memref<4x2048x1024xf32, #tpu.memory_space<hbm>> -> memref<1x16x1024xf32, #tpu.memory_space<hbm>>
    %dma_wait3A_748 = tpu.memref_squeeze %dma_wait3A_747 : memref<1x16x1024xf32, #tpu.memory_space<hbm>> -> memref<16x1024xf32, #tpu.memory_space<hbm>>
    %dma_wait3A_749 = arith.constant 0 : i32
    %dma_wait3A_750 = arith.constant 0 : i32
    %dma_wait3A_751 = tpu.memref_slice %arg8[%dma_wait3A_737, %dma_wait3A_749, %dma_wait3A_750] : memref<5x16x1024xf32, #tpu.memory_space<vmem>> -> memref<1x16x1024xf32, #tpu.memory_space<vmem>>
    %dma_wait3A_752 = tpu.memref_squeeze %dma_wait3A_751 : memref<1x16x1024xf32, #tpu.memory_space<vmem>> -> memref<16x1024xf32, #tpu.memory_space<vmem>>
    tpu.wait_dma2 semaphore(%arg17 : memref<!tpu.dma_semaphore, #tpu.memory_space<semaphore_mem>>) src(%dma_wait3A_752 : memref<16x1024xf32, #tpu.memory_space<vmem>>) dst(%dma_wait3A_748 : memref<16x1024xf32, #tpu.memory_space<hbm>>)
    %dma_start3A_753 = arith.constant 13 : i32
    %dma_start3A_754 = arith.constant 3 : i32
    %dma_start3A_755 = arith.constant 0 : i32
    %dma_start3A_756 = arith.constant 0 : i32
    %dma_start3A_757 = tpu.memref_slice %arg8[%dma_start3A_754, %dma_start3A_755, %dma_start3A_756] : memref<5x16x1024xf32, #tpu.memory_space<vmem>> -> memref<1x16x1024xf32, #tpu.memory_space<vmem>>
    %dma_start3A_758 = tpu.memref_squeeze %dma_start3A_757 : memref<1x16x1024xf32, #tpu.memory_space<vmem>> -> memref<16x1024xf32, #tpu.memory_space<vmem>>
    %dma_start3A_759 = arith.constant 0 : i32
    %dma_start3A_760 = tpu.memref_slice %arg6[%dma_start3A_753, %dma_start3A_759] : memref<16x16xi32, #tpu.memory_space<vmem>> -> memref<1x16xi32, #tpu.memory_space<vmem>>
    %dma_start3A_761 = tpu.memref_squeeze %dma_start3A_760 : memref<1x16xi32, #tpu.memory_space<vmem>> -> memref<16xi32, #tpu.memory_space<vmem>>
    %dma_start3A_762 = arith.constant 0 : i32
    %dma_start3A_763 = arith.constant 0 : i32
    %dma_start3A_764 = tpu.memref_slice %arg3[%dma_start3A_762, %dma_start3A_763] : memref<100000x1024xf32, #tpu.memory_space<hbm>> -> memref<100000x1024xf32, #tpu.memory_space<hbm>>
    tpu.enqueue_indirect_dma source(%dma_start3A_764 : memref<100000x1024xf32, #tpu.memory_space<hbm>>) target(%dma_start3A_758 : memref<16x1024xf32, #tpu.memory_space<vmem>>) offsets(%dma_start3A_761 : memref<16xi32, #tpu.memory_space<vmem>>) semaphore(%arg12 : memref<!tpu.dma_semaphore, #tpu.memory_space<semaphore_mem>>)
    %dma_wait3A_765 = arith.constant 10 : i32
    %dma_wait3A_766 = arith.constant 0 : i32
    %dma_wait3A_767 = arith.constant 0 : i32
    %dma_wait3A_768 = arith.constant 0 : i32
    %dma_wait3A_769 = tpu.memref_slice %arg8[%dma_wait3A_766, %dma_wait3A_767, %dma_wait3A_768] : memref<5x16x1024xf32, #tpu.memory_space<vmem>> -> memref<1x16x1024xf32, #tpu.memory_space<vmem>>
    %dma_wait3A_770 = tpu.memref_squeeze %dma_wait3A_769 : memref<1x16x1024xf32, #tpu.memory_space<vmem>> -> memref<16x1024xf32, #tpu.memory_space<vmem>>
    %dma_wait3A_771 = arith.constant 0 : i32
    %dma_wait3A_772 = tpu.memref_slice %arg6[%dma_wait3A_765, %dma_wait3A_771] : memref<16x16xi32, #tpu.memory_space<vmem>> -> memref<1x16xi32, #tpu.memory_space<vmem>>
    %dma_wait3A_773 = tpu.memref_squeeze %dma_wait3A_772 : memref<1x16xi32, #tpu.memory_space<vmem>> -> memref<16xi32, #tpu.memory_space<vmem>>
    %dma_wait3A_774 = arith.constant 0 : i32
    %dma_wait3A_775 = arith.constant 0 : i32
    %dma_wait3A_776 = tpu.memref_slice %arg3[%dma_wait3A_774, %dma_wait3A_775] : memref<100000x1024xf32, #tpu.memory_space<hbm>> -> memref<100000x1024xf32, #tpu.memory_space<hbm>>
    tpu.wait_indirect_dma semaphore(%arg9 : memref<!tpu.dma_semaphore, #tpu.memory_space<semaphore_mem>>) src(%dma_wait3A_776 : memref<100000x1024xf32, #tpu.memory_space<hbm>>) dst(%dma_wait3A_770 : memref<16x1024xf32, #tpu.memory_space<vmem>>)
    %parallel_loop3A_777 = arith.constant 0 : i32
    %parallel_loop3A_778 = arith.constant 1024 : i32
    %parallel_loop3A_779 = arith.constant 1 : i32
    scf.for %parallel_loop3A_1124 = %parallel_loop3A_777 to %parallel_loop3A_778 step %parallel_loop3A_779  : i32 {
      %parallel_loop3A_1125 = arith.constant 6 : i32
      %parallel_loop3A_1126 = arith.shrui %parallel_loop3A_1124, %parallel_loop3A_1125 : i32
      %parallel_loop3A_1127 = arith.constant 63 : i32
      %parallel_loop3A_1128 = arith.andi %parallel_loop3A_1124, %parallel_loop3A_1127 : i32
      %parallel_loop3A_1129 = arith.constant 16 : i32
      %parallel_loop3A_1130 = arith.muli %parallel_loop3A_1128, %parallel_loop3A_1129 : i32
      %parallel_loop3A_1131 = arith.constant 0 : i32
      %parallel_loop3A_1132 = arith.index_cast %parallel_loop3A_1131 : i32 to index
      %parallel_loop3A_1133 = arith.index_cast %parallel_loop3A_1126 : i32 to index
      %parallel_loop3A_1134 = arith.index_cast %parallel_loop3A_1130 : i32 to index
      %parallel_loop3A_1135 = tpu.vector_load %arg7[%parallel_loop3A_1132, %parallel_loop3A_1133, %parallel_loop3A_1134] {strides = array<i32>} : memref<2x16x1024xf32, #tpu.memory_space<vmem>>, vector<1x1x16xf32>,
      %parallel_loop3A_1136 = vector.shape_cast %parallel_loop3A_1135 : vector<1x1x16xf32> to vector<16xf32>
      %parallel_loop3A_1137 = arith.constant 0 : i32
      %parallel_loop3A_1138 = arith.index_cast %parallel_loop3A_1137 : i32 to index
      %parallel_loop3A_1139 = arith.index_cast %parallel_loop3A_1126 : i32 to index
      %parallel_loop3A_1140 = arith.index_cast %parallel_loop3A_1130 : i32 to index
      %parallel_loop3A_1141 = tpu.vector_load %arg8[%parallel_loop3A_1138, %parallel_loop3A_1139, %parallel_loop3A_1140] {strides = array<i32>} : memref<5x16x1024xf32, #tpu.memory_space<vmem>>, vector<1x1x16xf32>,
      %parallel_loop3A_1142 = vector.shape_cast %parallel_loop3A_1141 : vector<1x1x16xf32> to vector<16xf32>
      %parallel_loop3A_1143 = vector.shape_cast %parallel_loop3A_1136 : vector<16xf32> to vector<1x1x16xf32>
      tpu.vector_store %arg8[%parallel_loop3A_1138, %parallel_loop3A_1139, %parallel_loop3A_1140], %parallel_loop3A_1143 {add = true, strides = array<i32>} : memref<5x16x1024xf32, #tpu.memory_space<vmem>>, vector<1x1x16xf32>,
    } {sc.loop_unroll_factor = 8 : i64, sc.parallel_access}
    %mul3A_780 = arith.constant 64 : i32
    %mul3A_781 = arith.muli %add3A, %mul3A_780 : i32
    %add3A_782 = arith.constant 32 : i32
    %add3A_783 = arith.addi %mul3A_781, %add3A_782 : i32
    %dma_start3A_784 = arith.constant 0 : i32
    %dma_start3A_785 = arith.constant 2 : i32
    %dma_start3A_786 = arith.constant 0 : i32
    %dma_start3A_787 = arith.constant 0 : i32
    %dma_start3A_788 = tpu.memref_slice %arg8[%dma_start3A_784, %dma_start3A_786, %dma_start3A_787] : memref<5x16x1024xf32, #tpu.memory_space<vmem>> -> memref<1x16x1024xf32, #tpu.memory_space<vmem>>
    %dma_start3A_789 = tpu.memref_squeeze %dma_start3A_788 : memref<1x16x1024xf32, #tpu.memory_space<vmem>> -> memref<16x1024xf32, #tpu.memory_space<vmem>>
    %dma_start3A_790 = arith.constant 0 : i32
    %dma_start3A_791 = tpu.memref_slice %arg5[%dma_start3A_785, %add3A_783, %dma_start3A_790] : memref<4x2048x1024xf32, #tpu.memory_space<hbm>> -> memref<1x16x1024xf32, #tpu.memory_space<hbm>>
    %dma_start3A_792 = tpu.memref_squeeze %dma_start3A_791 : memref<1x16x1024xf32, #tpu.memory_space<hbm>> -> memref<16x1024xf32, #tpu.memory_space<hbm>>
    %dma_start3A_793 = arith.constant 0 : i32
    %dma_start3A_794 = tpu.memref_slice %arg5[%dma_start3A_785, %add3A_783, %dma_start3A_793] : memref<4x2048x1024xf32, #tpu.memory_space<hbm>> -> memref<1x16x1024xf32, #tpu.memory_space<hbm>>
    %dma_start3A_795 = tpu.memref_squeeze %dma_start3A_794 : memref<1x16x1024xf32, #tpu.memory_space<hbm>> -> memref<16x1024xf32, #tpu.memory_space<hbm>>
    %dma_start3A_796 = arith.constant 0 : i32
    %dma_start3A_797 = arith.constant 0 : i32
    %dma_start3A_798 = tpu.memref_slice %arg8[%dma_start3A_784, %dma_start3A_796, %dma_start3A_797] : memref<5x16x1024xf32, #tpu.memory_space<vmem>> -> memref<1x16x1024xf32, #tpu.memory_space<vmem>>
    %dma_start3A_799 = tpu.memref_squeeze %dma_start3A_798 : memref<1x16x1024xf32, #tpu.memory_space<vmem>> -> memref<16x1024xf32, #tpu.memory_space<vmem>>
    tpu.enqueue_dma source(%dma_start3A_799 : memref<16x1024xf32, #tpu.memory_space<vmem>>) target(%dma_start3A_795 : memref<16x1024xf32, #tpu.memory_space<hbm>>) target_semaphore(%arg14 : memref<!tpu.dma_semaphore, #tpu.memory_space<semaphore_mem>>)
    %dma_wait3A_800 = arith.constant 4 : i32
    %dma_wait3A_801 = arith.constant 1 : i32
    %dma_wait3A_802 = arith.constant 0 : i32
    %dma_wait3A_803 = arith.constant 0 : i32
    %dma_wait3A_804 = tpu.memref_slice %arg8[%dma_wait3A_800, %dma_wait3A_802, %dma_wait3A_803] : memref<5x16x1024xf32, #tpu.memory_space<vmem>> -> memref<1x16x1024xf32, #tpu.memory_space<vmem>>
    %dma_wait3A_805 = tpu.memref_squeeze %dma_wait3A_804 : memref<1x16x1024xf32, #tpu.memory_space<vmem>> -> memref<16x1024xf32, #tpu.memory_space<vmem>>
    %dma_wait3A_806 = arith.constant 0 : i32
    %dma_wait3A_807 = tpu.memref_slice %arg5[%dma_wait3A_801, %add3A_720, %dma_wait3A_806] : memref<4x2048x1024xf32, #tpu.memory_space<hbm>> -> memref<1x16x1024xf32, #tpu.memory_space<hbm>>
    %dma_wait3A_808 = tpu.memref_squeeze %dma_wait3A_807 : memref<1x16x1024xf32, #tpu.memory_space<hbm>> -> memref<16x1024xf32, #tpu.memory_space<hbm>>
    %dma_wait3A_809 = arith.constant 0 : i32
    %dma_wait3A_810 = tpu.memref_slice %arg5[%dma_wait3A_801, %add3A_720, %dma_wait3A_809] : memref<4x2048x1024xf32, #tpu.memory_space<hbm>> -> memref<1x16x1024xf32, #tpu.memory_space<hbm>>
    %dma_wait3A_811 = tpu.memref_squeeze %dma_wait3A_810 : memref<1x16x1024xf32, #tpu.memory_space<hbm>> -> memref<16x1024xf32, #tpu.memory_space<hbm>>
    %dma_wait3A_812 = arith.constant 0 : i32
    %dma_wait3A_813 = arith.constant 0 : i32
    %dma_wait3A_814 = tpu.memref_slice %arg8[%dma_wait3A_800, %dma_wait3A_812, %dma_wait3A_813] : memref<5x16x1024xf32, #tpu.memory_space<vmem>> -> memref<1x16x1024xf32, #tpu.memory_space<vmem>>
    %dma_wait3A_815 = tpu.memref_squeeze %dma_wait3A_814 : memref<1x16x1024xf32, #tpu.memory_space<vmem>> -> memref<16x1024xf32, #tpu.memory_space<vmem>>
    tpu.wait_dma2 semaphore(%arg18 : memref<!tpu.dma_semaphore, #tpu.memory_space<semaphore_mem>>) src(%dma_wait3A_815 : memref<16x1024xf32, #tpu.memory_space<vmem>>) dst(%dma_wait3A_811 : memref<16x1024xf32, #tpu.memory_space<hbm>>)
    %dma_start3A_816 = arith.constant 14 : i32
    %dma_start3A_817 = arith.constant 4 : i32
    %dma_start3A_818 = arith.constant 0 : i32
    %dma_start3A_819 = arith.constant 0 : i32
    %dma_start3A_820 = tpu.memref_slice %arg8[%dma_start3A_817, %dma_start3A_818, %dma_start3A_819] : memref<5x16x1024xf32, #tpu.memory_space<vmem>> -> memref<1x16x1024xf32, #tpu.memory_space<vmem>>
    %dma_start3A_821 = tpu.memref_squeeze %dma_start3A_820 : memref<1x16x1024xf32, #tpu.memory_space<vmem>> -> memref<16x1024xf32, #tpu.memory_space<vmem>>
    %dma_start3A_822 = arith.constant 0 : i32
    %dma_start3A_823 = tpu.memref_slice %arg6[%dma_start3A_816, %dma_start3A_822] : memref<16x16xi32, #tpu.memory_space<vmem>> -> memref<1x16xi32, #tpu.memory_space<vmem>>
    %dma_start3A_824 = tpu.memref_squeeze %dma_start3A_823 : memref<1x16xi32, #tpu.memory_space<vmem>> -> memref<16xi32, #tpu.memory_space<vmem>>
    %dma_start3A_825 = arith.constant 0 : i32
    %dma_start3A_826 = arith.constant 0 : i32
    %dma_start3A_827 = tpu.memref_slice %arg3[%dma_start3A_825, %dma_start3A_826] : memref<100000x1024xf32, #tpu.memory_space<hbm>> -> memref<100000x1024xf32, #tpu.memory_space<hbm>>
    tpu.enqueue_indirect_dma source(%dma_start3A_827 : memref<100000x1024xf32, #tpu.memory_space<hbm>>) target(%dma_start3A_821 : memref<16x1024xf32, #tpu.memory_space<vmem>>) offsets(%dma_start3A_824 : memref<16xi32, #tpu.memory_space<vmem>>) semaphore(%arg13 : memref<!tpu.dma_semaphore, #tpu.memory_space<semaphore_mem>>)
    %dma_wait3A_828 = arith.constant 11 : i32
    %dma_wait3A_829 = arith.constant 1 : i32
    %dma_wait3A_830 = arith.constant 0 : i32
    %dma_wait3A_831 = arith.constant 0 : i32
    %dma_wait3A_832 = tpu.memref_slice %arg8[%dma_wait3A_829, %dma_wait3A_830, %dma_wait3A_831] : memref<5x16x1024xf32, #tpu.memory_space<vmem>> -> memref<1x16x1024xf32, #tpu.memory_space<vmem>>
    %dma_wait3A_833 = tpu.memref_squeeze %dma_wait3A_832 : memref<1x16x1024xf32, #tpu.memory_space<vmem>> -> memref<16x1024xf32, #tpu.memory_space<vmem>>
    %dma_wait3A_834 = arith.constant 0 : i32
    %dma_wait3A_835 = tpu.memref_slice %arg6[%dma_wait3A_828, %dma_wait3A_834] : memref<16x16xi32, #tpu.memory_space<vmem>> -> memref<1x16xi32, #tpu.memory_space<vmem>>
    %dma_wait3A_836 = tpu.memref_squeeze %dma_wait3A_835 : memref<1x16xi32, #tpu.memory_space<vmem>> -> memref<16xi32, #tpu.memory_space<vmem>>
    %dma_wait3A_837 = arith.constant 0 : i32
    %dma_wait3A_838 = arith.constant 0 : i32
    %dma_wait3A_839 = tpu.memref_slice %arg3[%dma_wait3A_837, %dma_wait3A_838] : memref<100000x1024xf32, #tpu.memory_space<hbm>> -> memref<100000x1024xf32, #tpu.memory_space<hbm>>
    tpu.wait_indirect_dma semaphore(%arg10 : memref<!tpu.dma_semaphore, #tpu.memory_space<semaphore_mem>>) src(%dma_wait3A_839 : memref<100000x1024xf32, #tpu.memory_space<hbm>>) dst(%dma_wait3A_833 : memref<16x1024xf32, #tpu.memory_space<vmem>>)
    %parallel_loop3A_840 = arith.constant 0 : i32
    %parallel_loop3A_841 = arith.constant 1024 : i32
    %parallel_loop3A_842 = arith.constant 1 : i32
    scf.for %parallel_loop3A_1124 = %parallel_loop3A_840 to %parallel_loop3A_841 step %parallel_loop3A_842  : i32 {
      %parallel_loop3A_1125 = arith.constant 6 : i32
      %parallel_loop3A_1126 = arith.shrui %parallel_loop3A_1124, %parallel_loop3A_1125 : i32
      %parallel_loop3A_1127 = arith.constant 63 : i32
      %parallel_loop3A_1128 = arith.andi %parallel_loop3A_1124, %parallel_loop3A_1127 : i32
      %parallel_loop3A_1129 = arith.constant 16 : i32
      %parallel_loop3A_1130 = arith.muli %parallel_loop3A_1128, %parallel_loop3A_1129 : i32
      %parallel_loop3A_1131 = arith.constant 0 : i32
      %parallel_loop3A_1132 = arith.index_cast %parallel_loop3A_1131 : i32 to index
      %parallel_loop3A_1133 = arith.index_cast %parallel_loop3A_1126 : i32 to index
      %parallel_loop3A_1134 = arith.index_cast %parallel_loop3A_1130 : i32 to index
      %parallel_loop3A_1135 = tpu.vector_load %arg7[%parallel_loop3A_1132, %parallel_loop3A_1133, %parallel_loop3A_1134] {strides = array<i32>} : memref<2x16x1024xf32, #tpu.memory_space<vmem>>, vector<1x1x16xf32>,
      %parallel_loop3A_1136 = vector.shape_cast %parallel_loop3A_1135 : vector<1x1x16xf32> to vector<16xf32>
      %parallel_loop3A_1137 = arith.constant 1 : i32
      %parallel_loop3A_1138 = arith.index_cast %parallel_loop3A_1137 : i32 to index
      %parallel_loop3A_1139 = arith.index_cast %parallel_loop3A_1126 : i32 to index
      %parallel_loop3A_1140 = arith.index_cast %parallel_loop3A_1130 : i32 to index
      %parallel_loop3A_1141 = tpu.vector_load %arg8[%parallel_loop3A_1138, %parallel_loop3A_1139, %parallel_loop3A_1140] {strides = array<i32>} : memref<5x16x1024xf32, #tpu.memory_space<vmem>>, vector<1x1x16xf32>,
      %parallel_loop3A_1142 = vector.shape_cast %parallel_loop3A_1141 : vector<1x1x16xf32> to vector<16xf32>
      %parallel_loop3A_1143 = vector.shape_cast %parallel_loop3A_1136 : vector<16xf32> to vector<1x1x16xf32>
      tpu.vector_store %arg8[%parallel_loop3A_1138, %parallel_loop3A_1139, %parallel_loop3A_1140], %parallel_loop3A_1143 {add = true, strides = array<i32>} : memref<5x16x1024xf32, #tpu.memory_space<vmem>>, vector<1x1x16xf32>,
    } {sc.loop_unroll_factor = 8 : i64, sc.parallel_access}
    %mul3A_843 = arith.constant 64 : i32
    %mul3A_844 = arith.muli %add3A, %mul3A_843 : i32
    %add3A_845 = arith.constant 32 : i32
    %add3A_846 = arith.addi %mul3A_844, %add3A_845 : i32
    %dma_start3A_847 = arith.constant 1 : i32
    %dma_start3A_848 = arith.constant 3 : i32
    %dma_start3A_849 = arith.constant 0 : i32
    %dma_start3A_850 = arith.constant 0 : i32
    %dma_start3A_851 = tpu.memref_slice %arg8[%dma_start3A_847, %dma_start3A_849, %dma_start3A_850] : memref<5x16x1024xf32, #tpu.memory_space<vmem>> -> memref<1x16x1024xf32, #tpu.memory_space<vmem>>
    %dma_start3A_852 = tpu.memref_squeeze %dma_start3A_851 : memref<1x16x1024xf32, #tpu.memory_space<vmem>> -> memref<16x1024xf32, #tpu.memory_space<vmem>>
    %dma_start3A_853 = arith.constant 0 : i32
    %dma_start3A_854 = tpu.memref_slice %arg5[%dma_start3A_848, %add3A_846, %dma_start3A_853] : memref<4x2048x1024xf32, #tpu.memory_space<hbm>> -> memref<1x16x1024xf32, #tpu.memory_space<hbm>>
    %dma_start3A_855 = tpu.memref_squeeze %dma_start3A_854 : memref<1x16x1024xf32, #tpu.memory_space<hbm>> -> memref<16x1024xf32, #tpu.memory_space<hbm>>
    %dma_start3A_856 = arith.constant 0 : i32
    %dma_start3A_857 = tpu.memref_slice %arg5[%dma_start3A_848, %add3A_846, %dma_start3A_856] : memref<4x2048x1024xf32, #tpu.memory_space<hbm>> -> memref<1x16x1024xf32, #tpu.memory_space<hbm>>
    %dma_start3A_858 = tpu.memref_squeeze %dma_start3A_857 : memref<1x16x1024xf32, #tpu.memory_space<hbm>> -> memref<16x1024xf32, #tpu.memory_space<hbm>>
    %dma_start3A_859 = arith.constant 0 : i32
    %dma_start3A_860 = arith.constant 0 : i32
    %dma_start3A_861 = tpu.memref_slice %arg8[%dma_start3A_847, %dma_start3A_859, %dma_start3A_860] : memref<5x16x1024xf32, #tpu.memory_space<vmem>> -> memref<1x16x1024xf32, #tpu.memory_space<vmem>>
    %dma_start3A_862 = tpu.memref_squeeze %dma_start3A_861 : memref<1x16x1024xf32, #tpu.memory_space<vmem>> -> memref<16x1024xf32, #tpu.memory_space<vmem>>
    tpu.enqueue_dma source(%dma_start3A_862 : memref<16x1024xf32, #tpu.memory_space<vmem>>) target(%dma_start3A_858 : memref<16x1024xf32, #tpu.memory_space<hbm>>) target_semaphore(%arg15 : memref<!tpu.dma_semaphore, #tpu.memory_space<semaphore_mem>>)
    %dma_wait3A_863 = arith.constant 0 : i32
    %dma_wait3A_864 = arith.constant 2 : i32
    %dma_wait3A_865 = arith.constant 0 : i32
    %dma_wait3A_866 = arith.constant 0 : i32
    %dma_wait3A_867 = tpu.memref_slice %arg8[%dma_wait3A_863, %dma_wait3A_865, %dma_wait3A_866] : memref<5x16x1024xf32, #tpu.memory_space<vmem>> -> memref<1x16x1024xf32, #tpu.memory_space<vmem>>
    %dma_wait3A_868 = tpu.memref_squeeze %dma_wait3A_867 : memref<1x16x1024xf32, #tpu.memory_space<vmem>> -> memref<16x1024xf32, #tpu.memory_space<vmem>>
    %dma_wait3A_869 = arith.constant 0 : i32
    %dma_wait3A_870 = tpu.memref_slice %arg5[%dma_wait3A_864, %add3A_783, %dma_wait3A_869] : memref<4x2048x1024xf32, #tpu.memory_space<hbm>> -> memref<1x16x1024xf32, #tpu.memory_space<hbm>>
    %dma_wait3A_871 = tpu.memref_squeeze %dma_wait3A_870 : memref<1x16x1024xf32, #tpu.memory_space<hbm>> -> memref<16x1024xf32, #tpu.memory_space<hbm>>
    %dma_wait3A_872 = arith.constant 0 : i32
    %dma_wait3A_873 = tpu.memref_slice %arg5[%dma_wait3A_864, %add3A_783, %dma_wait3A_872] : memref<4x2048x1024xf32, #tpu.memory_space<hbm>> -> memref<1x16x1024xf32, #tpu.memory_space<hbm>>
    %dma_wait3A_874 = tpu.memref_squeeze %dma_wait3A_873 : memref<1x16x1024xf32, #tpu.memory_space<hbm>> -> memref<16x1024xf32, #tpu.memory_space<hbm>>
    %dma_wait3A_875 = arith.constant 0 : i32
    %dma_wait3A_876 = arith.constant 0 : i32
    %dma_wait3A_877 = tpu.memref_slice %arg8[%dma_wait3A_863, %dma_wait3A_875, %dma_wait3A_876] : memref<5x16x1024xf32, #tpu.memory_space<vmem>> -> memref<1x16x1024xf32, #tpu.memory_space<vmem>>
    %dma_wait3A_878 = tpu.memref_squeeze %dma_wait3A_877 : memref<1x16x1024xf32, #tpu.memory_space<vmem>> -> memref<16x1024xf32, #tpu.memory_space<vmem>>
    tpu.wait_dma2 semaphore(%arg14 : memref<!tpu.dma_semaphore, #tpu.memory_space<semaphore_mem>>) src(%dma_wait3A_878 : memref<16x1024xf32, #tpu.memory_space<vmem>>) dst(%dma_wait3A_874 : memref<16x1024xf32, #tpu.memory_space<hbm>>)
    %dma_start3A_879 = arith.constant 15 : i32
    %dma_start3A_880 = arith.constant 0 : i32
    %dma_start3A_881 = arith.constant 0 : i32
    %dma_start3A_882 = arith.constant 0 : i32
    %dma_start3A_883 = tpu.memref_slice %arg8[%dma_start3A_880, %dma_start3A_881, %dma_start3A_882] : memref<5x16x1024xf32, #tpu.memory_space<vmem>> -> memref<1x16x1024xf32, #tpu.memory_space<vmem>>
    %dma_start3A_884 = tpu.memref_squeeze %dma_start3A_883 : memref<1x16x1024xf32, #tpu.memory_space<vmem>> -> memref<16x1024xf32, #tpu.memory_space<vmem>>
    %dma_start3A_885 = arith.constant 0 : i32
    %dma_start3A_886 = tpu.memref_slice %arg6[%dma_start3A_879, %dma_start3A_885] : memref<16x16xi32, #tpu.memory_space<vmem>> -> memref<1x16xi32, #tpu.memory_space<vmem>>
    %dma_start3A_887 = tpu.memref_squeeze %dma_start3A_886 : memref<1x16xi32, #tpu.memory_space<vmem>> -> memref<16xi32, #tpu.memory_space<vmem>>
    %dma_start3A_888 = arith.constant 0 : i32
    %dma_start3A_889 = arith.constant 0 : i32
    %dma_start3A_890 = tpu.memref_slice %arg3[%dma_start3A_888, %dma_start3A_889] : memref<100000x1024xf32, #tpu.memory_space<hbm>> -> memref<100000x1024xf32, #tpu.memory_space<hbm>>
    tpu.enqueue_indirect_dma source(%dma_start3A_890 : memref<100000x1024xf32, #tpu.memory_space<hbm>>) target(%dma_start3A_884 : memref<16x1024xf32, #tpu.memory_space<vmem>>) offsets(%dma_start3A_887 : memref<16xi32, #tpu.memory_space<vmem>>) semaphore(%arg9 : memref<!tpu.dma_semaphore, #tpu.memory_space<semaphore_mem>>)
    %dma_wait3A_891 = arith.constant 1 : i32
    %dma_wait3A_892 = arith.constant 0 : i32
    %dma_wait3A_893 = arith.constant 0 : i32
    %dma_wait3A_894 = tpu.memref_slice %arg7[%dma_wait3A_891, %dma_wait3A_892, %dma_wait3A_893] : memref<2x16x1024xf32, #tpu.memory_space<vmem>> -> memref<1x16x1024xf32, #tpu.memory_space<vmem>>
    %dma_wait3A_895 = tpu.memref_squeeze %dma_wait3A_894 : memref<1x16x1024xf32, #tpu.memory_space<vmem>> -> memref<16x1024xf32, #tpu.memory_space<vmem>>
    %dma_wait3A_896 = arith.constant 0 : i32
    %dma_wait3A_897 = tpu.memref_slice %arg4[%add3A_625, %dma_wait3A_896] : memref<2048x1024xf32, #tpu.memory_space<hbm>> -> memref<16x1024xf32, #tpu.memory_space<hbm>>
    %dma_wait3A_898 = arith.constant 0 : i32
    %dma_wait3A_899 = arith.constant 0 : i32
    %dma_wait3A_900 = tpu.memref_slice %arg7[%dma_wait3A_891, %dma_wait3A_898, %dma_wait3A_899] : memref<2x16x1024xf32, #tpu.memory_space<vmem>> -> memref<1x16x1024xf32, #tpu.memory_space<vmem>>
    %dma_wait3A_901 = tpu.memref_squeeze %dma_wait3A_900 : memref<1x16x1024xf32, #tpu.memory_space<vmem>> -> memref<16x1024xf32, #tpu.memory_space<vmem>>
    %dma_wait3A_902 = arith.constant 0 : i32
    %dma_wait3A_903 = tpu.memref_slice %arg4[%add3A_625, %dma_wait3A_902] : memref<2048x1024xf32, #tpu.memory_space<hbm>> -> memref<16x1024xf32, #tpu.memory_space<hbm>>
    tpu.wait_dma2 semaphore(%arg19 : memref<!tpu.dma_semaphore, #tpu.memory_space<semaphore_mem>>) src(%dma_wait3A_903 : memref<16x1024xf32, #tpu.memory_space<hbm>>) dst(%dma_wait3A_901 : memref<16x1024xf32, #tpu.memory_space<vmem>>)
    %dma_wait3A_904 = arith.constant 12 : i32
    %dma_wait3A_905 = arith.constant 2 : i32
    %dma_wait3A_906 = arith.constant 0 : i32
    %dma_wait3A_907 = arith.constant 0 : i32
    %dma_wait3A_908 = tpu.memref_slice %arg8[%dma_wait3A_905, %dma_wait3A_906, %dma_wait3A_907] : memref<5x16x1024xf32, #tpu.memory_space<vmem>> -> memref<1x16x1024xf32, #tpu.memory_space<vmem>>
    %dma_wait3A_909 = tpu.memref_squeeze %dma_wait3A_908 : memref<1x16x1024xf32, #tpu.memory_space<vmem>> -> memref<16x1024xf32, #tpu.memory_space<vmem>>
    %dma_wait3A_910 = arith.constant 0 : i32
    %dma_wait3A_911 = tpu.memref_slice %arg6[%dma_wait3A_904, %dma_wait3A_910] : memref<16x16xi32, #tpu.memory_space<vmem>> -> memref<1x16xi32, #tpu.memory_space<vmem>>
    %dma_wait3A_912 = tpu.memref_squeeze %dma_wait3A_911 : memref<1x16xi32, #tpu.memory_space<vmem>> -> memref<16xi32, #tpu.memory_space<vmem>>
    %dma_wait3A_913 = arith.constant 0 : i32
    %dma_wait3A_914 = arith.constant 0 : i32
    %dma_wait3A_915 = tpu.memref_slice %arg3[%dma_wait3A_913, %dma_wait3A_914] : memref<100000x1024xf32, #tpu.memory_space<hbm>> -> memref<100000x1024xf32, #tpu.memory_space<hbm>>
    tpu.wait_indirect_dma semaphore(%arg11 : memref<!tpu.dma_semaphore, #tpu.memory_space<semaphore_mem>>) src(%dma_wait3A_915 : memref<100000x1024xf32, #tpu.memory_space<hbm>>) dst(%dma_wait3A_909 : memref<16x1024xf32, #tpu.memory_space<vmem>>)
    %parallel_loop3A_916 = arith.constant 0 : i32
    %parallel_loop3A_917 = arith.constant 1024 : i32
    %parallel_loop3A_918 = arith.constant 1 : i32
    scf.for %parallel_loop3A_1124 = %parallel_loop3A_916 to %parallel_loop3A_917 step %parallel_loop3A_918  : i32 {
      %parallel_loop3A_1125 = arith.constant 6 : i32
      %parallel_loop3A_1126 = arith.shrui %parallel_loop3A_1124, %parallel_loop3A_1125 : i32
      %parallel_loop3A_1127 = arith.constant 63 : i32
      %parallel_loop3A_1128 = arith.andi %parallel_loop3A_1124, %parallel_loop3A_1127 : i32
      %parallel_loop3A_1129 = arith.constant 16 : i32
      %parallel_loop3A_1130 = arith.muli %parallel_loop3A_1128, %parallel_loop3A_1129 : i32
      %parallel_loop3A_1131 = arith.constant 1 : i32
      %parallel_loop3A_1132 = arith.index_cast %parallel_loop3A_1131 : i32 to index
      %parallel_loop3A_1133 = arith.index_cast %parallel_loop3A_1126 : i32 to index
      %parallel_loop3A_1134 = arith.index_cast %parallel_loop3A_1130 : i32 to index
      %parallel_loop3A_1135 = tpu.vector_load %arg7[%parallel_loop3A_1132, %parallel_loop3A_1133, %parallel_loop3A_1134] {strides = array<i32>} : memref<2x16x1024xf32, #tpu.memory_space<vmem>>, vector<1x1x16xf32>,
      %parallel_loop3A_1136 = vector.shape_cast %parallel_loop3A_1135 : vector<1x1x16xf32> to vector<16xf32>
      %parallel_loop3A_1137 = arith.constant 2 : i32
      %parallel_loop3A_1138 = arith.index_cast %parallel_loop3A_1137 : i32 to index
      %parallel_loop3A_1139 = arith.index_cast %parallel_loop3A_1126 : i32 to index
      %parallel_loop3A_1140 = arith.index_cast %parallel_loop3A_1130 : i32 to index
      %parallel_loop3A_1141 = tpu.vector_load %arg8[%parallel_loop3A_1138, %parallel_loop3A_1139, %parallel_loop3A_1140] {strides = array<i32>} : memref<5x16x1024xf32, #tpu.memory_space<vmem>>, vector<1x1x16xf32>,
      %parallel_loop3A_1142 = vector.shape_cast %parallel_loop3A_1141 : vector<1x1x16xf32> to vector<16xf32>
      %parallel_loop3A_1143 = vector.shape_cast %parallel_loop3A_1136 : vector<16xf32> to vector<1x1x16xf32>
      tpu.vector_store %arg8[%parallel_loop3A_1138, %parallel_loop3A_1139, %parallel_loop3A_1140], %parallel_loop3A_1143 {add = true, strides = array<i32>} : memref<5x16x1024xf32, #tpu.memory_space<vmem>>, vector<1x1x16xf32>,
    } {sc.loop_unroll_factor = 8 : i64, sc.parallel_access}
    %mul3A_919 = arith.constant 64 : i32
    %mul3A_920 = arith.muli %add3A, %mul3A_919 : i32
    %add3A_921 = arith.constant 48 : i32
    %add3A_922 = arith.addi %mul3A_920, %add3A_921 : i32
    %dma_start3A_923 = arith.constant 2 : i32
    %dma_start3A_924 = arith.constant 0 : i32
    %dma_start3A_925 = arith.constant 0 : i32
    %dma_start3A_926 = arith.constant 0 : i32
    %dma_start3A_927 = tpu.memref_slice %arg8[%dma_start3A_923, %dma_start3A_925, %dma_start3A_926] : memref<5x16x1024xf32, #tpu.memory_space<vmem>> -> memref<1x16x1024xf32, #tpu.memory_space<vmem>>
    %dma_start3A_928 = tpu.memref_squeeze %dma_start3A_927 : memref<1x16x1024xf32, #tpu.memory_space<vmem>> -> memref<16x1024xf32, #tpu.memory_space<vmem>>
    %dma_start3A_929 = arith.constant 0 : i32
    %dma_start3A_930 = tpu.memref_slice %arg5[%dma_start3A_924, %add3A_922, %dma_start3A_929] : memref<4x2048x1024xf32, #tpu.memory_space<hbm>> -> memref<1x16x1024xf32, #tpu.memory_space<hbm>>
    %dma_start3A_931 = tpu.memref_squeeze %dma_start3A_930 : memref<1x16x1024xf32, #tpu.memory_space<hbm>> -> memref<16x1024xf32, #tpu.memory_space<hbm>>
    %dma_start3A_932 = arith.constant 0 : i32
    %dma_start3A_933 = tpu.memref_slice %arg5[%dma_start3A_924, %add3A_922, %dma_start3A_932] : memref<4x2048x1024xf32, #tpu.memory_space<hbm>> -> memref<1x16x1024xf32, #tpu.memory_space<hbm>>
    %dma_start3A_934 = tpu.memref_squeeze %dma_start3A_933 : memref<1x16x1024xf32, #tpu.memory_space<hbm>> -> memref<16x1024xf32, #tpu.memory_space<hbm>>
    %dma_start3A_935 = arith.constant 0 : i32
    %dma_start3A_936 = arith.constant 0 : i32
    %dma_start3A_937 = tpu.memref_slice %arg8[%dma_start3A_923, %dma_start3A_935, %dma_start3A_936] : memref<5x16x1024xf32, #tpu.memory_space<vmem>> -> memref<1x16x1024xf32, #tpu.memory_space<vmem>>
    %dma_start3A_938 = tpu.memref_squeeze %dma_start3A_937 : memref<1x16x1024xf32, #tpu.memory_space<vmem>> -> memref<16x1024xf32, #tpu.memory_space<vmem>>
    tpu.enqueue_dma source(%dma_start3A_938 : memref<16x1024xf32, #tpu.memory_space<vmem>>) target(%dma_start3A_934 : memref<16x1024xf32, #tpu.memory_space<hbm>>) target_semaphore(%arg16 : memref<!tpu.dma_semaphore, #tpu.memory_space<semaphore_mem>>)
    %dma_wait3A_939 = arith.constant 13 : i32
    %dma_wait3A_940 = arith.constant 3 : i32
    %dma_wait3A_941 = arith.constant 0 : i32
    %dma_wait3A_942 = arith.constant 0 : i32
    %dma_wait3A_943 = tpu.memref_slice %arg8[%dma_wait3A_940, %dma_wait3A_941, %dma_wait3A_942] : memref<5x16x1024xf32, #tpu.memory_space<vmem>> -> memref<1x16x1024xf32, #tpu.memory_space<vmem>>
    %dma_wait3A_944 = tpu.memref_squeeze %dma_wait3A_943 : memref<1x16x1024xf32, #tpu.memory_space<vmem>> -> memref<16x1024xf32, #tpu.memory_space<vmem>>
    %dma_wait3A_945 = arith.constant 0 : i32
    %dma_wait3A_946 = tpu.memref_slice %arg6[%dma_wait3A_939, %dma_wait3A_945] : memref<16x16xi32, #tpu.memory_space<vmem>> -> memref<1x16xi32, #tpu.memory_space<vmem>>
    %dma_wait3A_947 = tpu.memref_squeeze %dma_wait3A_946 : memref<1x16xi32, #tpu.memory_space<vmem>> -> memref<16xi32, #tpu.memory_space<vmem>>
    %dma_wait3A_948 = arith.constant 0 : i32
    %dma_wait3A_949 = arith.constant 0 : i32
    %dma_wait3A_950 = tpu.memref_slice %arg3[%dma_wait3A_948, %dma_wait3A_949] : memref<100000x1024xf32, #tpu.memory_space<hbm>> -> memref<100000x1024xf32, #tpu.memory_space<hbm>>
    tpu.wait_indirect_dma semaphore(%arg12 : memref<!tpu.dma_semaphore, #tpu.memory_space<semaphore_mem>>) src(%dma_wait3A_950 : memref<100000x1024xf32, #tpu.memory_space<hbm>>) dst(%dma_wait3A_944 : memref<16x1024xf32, #tpu.memory_space<vmem>>)
    %parallel_loop3A_951 = arith.constant 0 : i32
    %parallel_loop3A_952 = arith.constant 1024 : i32
    %parallel_loop3A_953 = arith.constant 1 : i32
    scf.for %parallel_loop3A_1124 = %parallel_loop3A_951 to %parallel_loop3A_952 step %parallel_loop3A_953  : i32 {
      %parallel_loop3A_1125 = arith.constant 6 : i32
      %parallel_loop3A_1126 = arith.shrui %parallel_loop3A_1124, %parallel_loop3A_1125 : i32
      %parallel_loop3A_1127 = arith.constant 63 : i32
      %parallel_loop3A_1128 = arith.andi %parallel_loop3A_1124, %parallel_loop3A_1127 : i32
      %parallel_loop3A_1129 = arith.constant 16 : i32
      %parallel_loop3A_1130 = arith.muli %parallel_loop3A_1128, %parallel_loop3A_1129 : i32
      %parallel_loop3A_1131 = arith.constant 1 : i32
      %parallel_loop3A_1132 = arith.index_cast %parallel_loop3A_1131 : i32 to index
      %parallel_loop3A_1133 = arith.index_cast %parallel_loop3A_1126 : i32 to index
      %parallel_loop3A_1134 = arith.index_cast %parallel_loop3A_1130 : i32 to index
      %parallel_loop3A_1135 = tpu.vector_load %arg7[%parallel_loop3A_1132, %parallel_loop3A_1133, %parallel_loop3A_1134] {strides = array<i32>} : memref<2x16x1024xf32, #tpu.memory_space<vmem>>, vector<1x1x16xf32>,
      %parallel_loop3A_1136 = vector.shape_cast %parallel_loop3A_1135 : vector<1x1x16xf32> to vector<16xf32>
      %parallel_loop3A_1137 = arith.constant 3 : i32
      %parallel_loop3A_1138 = arith.index_cast %parallel_loop3A_1137 : i32 to index
      %parallel_loop3A_1139 = arith.index_cast %parallel_loop3A_1126 : i32 to index
      %parallel_loop3A_1140 = arith.index_cast %parallel_loop3A_1130 : i32 to index
      %parallel_loop3A_1141 = tpu.vector_load %arg8[%parallel_loop3A_1138, %parallel_loop3A_1139, %parallel_loop3A_1140] {strides = array<i32>} : memref<5x16x1024xf32, #tpu.memory_space<vmem>>, vector<1x1x16xf32>,
      %parallel_loop3A_1142 = vector.shape_cast %parallel_loop3A_1141 : vector<1x1x16xf32> to vector<16xf32>
      %parallel_loop3A_1143 = vector.shape_cast %parallel_loop3A_1136 : vector<16xf32> to vector<1x1x16xf32>
      tpu.vector_store %arg8[%parallel_loop3A_1138, %parallel_loop3A_1139, %parallel_loop3A_1140], %parallel_loop3A_1143 {add = true, strides = array<i32>} : memref<5x16x1024xf32, #tpu.memory_space<vmem>>, vector<1x1x16xf32>,
    } {sc.loop_unroll_factor = 8 : i64, sc.parallel_access}
    %mul3A_954 = arith.constant 64 : i32
    %mul3A_955 = arith.muli %add3A, %mul3A_954 : i32
    %add3A_956 = arith.constant 48 : i32
    %add3A_957 = arith.addi %mul3A_955, %add3A_956 : i32
    %dma_start3A_958 = arith.constant 3 : i32
    %dma_start3A_959 = arith.constant 1 : i32
    %dma_start3A_960 = arith.constant 0 : i32
    %dma_start3A_961 = arith.constant 0 : i32
    %dma_start3A_962 = tpu.memref_slice %arg8[%dma_start3A_958, %dma_start3A_960, %dma_start3A_961] : memref<5x16x1024xf32, #tpu.memory_space<vmem>> -> memref<1x16x1024xf32, #tpu.memory_space<vmem>>
    %dma_start3A_963 = tpu.memref_squeeze %dma_start3A_962 : memref<1x16x1024xf32, #tpu.memory_space<vmem>> -> memref<16x1024xf32, #tpu.memory_space<vmem>>
    %dma_start3A_964 = arith.constant 0 : i32
    %dma_start3A_965 = tpu.memref_slice %arg5[%dma_start3A_959, %add3A_957, %dma_start3A_964] : memref<4x2048x1024xf32, #tpu.memory_space<hbm>> -> memref<1x16x1024xf32, #tpu.memory_space<hbm>>
    %dma_start3A_966 = tpu.memref_squeeze %dma_start3A_965 : memref<1x16x1024xf32, #tpu.memory_space<hbm>> -> memref<16x1024xf32, #tpu.memory_space<hbm>>
    %dma_start3A_967 = arith.constant 0 : i32
    %dma_start3A_968 = tpu.memref_slice %arg5[%dma_start3A_959, %add3A_957, %dma_start3A_967] : memref<4x2048x1024xf32, #tpu.memory_space<hbm>> -> memref<1x16x1024xf32, #tpu.memory_space<hbm>>
    %dma_start3A_969 = tpu.memref_squeeze %dma_start3A_968 : memref<1x16x1024xf32, #tpu.memory_space<hbm>> -> memref<16x1024xf32, #tpu.memory_space<hbm>>
    %dma_start3A_970 = arith.constant 0 : i32
    %dma_start3A_971 = arith.constant 0 : i32
    %dma_start3A_972 = tpu.memref_slice %arg8[%dma_start3A_958, %dma_start3A_970, %dma_start3A_971] : memref<5x16x1024xf32, #tpu.memory_space<vmem>> -> memref<1x16x1024xf32, #tpu.memory_space<vmem>>
    %dma_start3A_973 = tpu.memref_squeeze %dma_start3A_972 : memref<1x16x1024xf32, #tpu.memory_space<vmem>> -> memref<16x1024xf32, #tpu.memory_space<vmem>>
    tpu.enqueue_dma source(%dma_start3A_973 : memref<16x1024xf32, #tpu.memory_space<vmem>>) target(%dma_start3A_969 : memref<16x1024xf32, #tpu.memory_space<hbm>>) target_semaphore(%arg17 : memref<!tpu.dma_semaphore, #tpu.memory_space<semaphore_mem>>)
    %dma_wait3A_974 = arith.constant 14 : i32
    %dma_wait3A_975 = arith.constant 4 : i32
    %dma_wait3A_976 = arith.constant 0 : i32
    %dma_wait3A_977 = arith.constant 0 : i32
    %dma_wait3A_978 = tpu.memref_slice %arg8[%dma_wait3A_975, %dma_wait3A_976, %dma_wait3A_977] : memref<5x16x1024xf32, #tpu.memory_space<vmem>> -> memref<1x16x1024xf32, #tpu.memory_space<vmem>>
    %dma_wait3A_979 = tpu.memref_squeeze %dma_wait3A_978 : memref<1x16x1024xf32, #tpu.memory_space<vmem>> -> memref<16x1024xf32, #tpu.memory_space<vmem>>
    %dma_wait3A_980 = arith.constant 0 : i32
    %dma_wait3A_981 = tpu.memref_slice %arg6[%dma_wait3A_974, %dma_wait3A_980] : memref<16x16xi32, #tpu.memory_space<vmem>> -> memref<1x16xi32, #tpu.memory_space<vmem>>
    %dma_wait3A_982 = tpu.memref_squeeze %dma_wait3A_981 : memref<1x16xi32, #tpu.memory_space<vmem>> -> memref<16xi32, #tpu.memory_space<vmem>>
    %dma_wait3A_983 = arith.constant 0 : i32
    %dma_wait3A_984 = arith.constant 0 : i32
    %dma_wait3A_985 = tpu.memref_slice %arg3[%dma_wait3A_983, %dma_wait3A_984] : memref<100000x1024xf32, #tpu.memory_space<hbm>> -> memref<100000x1024xf32, #tpu.memory_space<hbm>>
    tpu.wait_indirect_dma semaphore(%arg13 : memref<!tpu.dma_semaphore, #tpu.memory_space<semaphore_mem>>) src(%dma_wait3A_985 : memref<100000x1024xf32, #tpu.memory_space<hbm>>) dst(%dma_wait3A_979 : memref<16x1024xf32, #tpu.memory_space<vmem>>)
    %parallel_loop3A_986 = arith.constant 0 : i32
    %parallel_loop3A_987 = arith.constant 1024 : i32
    %parallel_loop3A_988 = arith.constant 1 : i32
    scf.for %parallel_loop3A_1124 = %parallel_loop3A_986 to %parallel_loop3A_987 step %parallel_loop3A_988  : i32 {
      %parallel_loop3A_1125 = arith.constant 6 : i32
      %parallel_loop3A_1126 = arith.shrui %parallel_loop3A_1124, %parallel_loop3A_1125 : i32
      %parallel_loop3A_1127 = arith.constant 63 : i32
      %parallel_loop3A_1128 = arith.andi %parallel_loop3A_1124, %parallel_loop3A_1127 : i32
      %parallel_loop3A_1129 = arith.constant 16 : i32
      %parallel_loop3A_1130 = arith.muli %parallel_loop3A_1128, %parallel_loop3A_1129 : i32
      %parallel_loop3A_1131 = arith.constant 1 : i32
      %parallel_loop3A_1132 = arith.index_cast %parallel_loop3A_1131 : i32 to index
      %parallel_loop3A_1133 = arith.index_cast %parallel_loop3A_1126 : i32 to index
      %parallel_loop3A_1134 = arith.index_cast %parallel_loop3A_1130 : i32 to index
      %parallel_loop3A_1135 = tpu.vector_load %arg7[%parallel_loop3A_1132, %parallel_loop3A_1133, %parallel_loop3A_1134] {strides = array<i32>} : memref<2x16x1024xf32, #tpu.memory_space<vmem>>, vector<1x1x16xf32>,
      %parallel_loop3A_1136 = vector.shape_cast %parallel_loop3A_1135 : vector<1x1x16xf32> to vector<16xf32>
      %parallel_loop3A_1137 = arith.constant 4 : i32
      %parallel_loop3A_1138 = arith.index_cast %parallel_loop3A_1137 : i32 to index
      %parallel_loop3A_1139 = arith.index_cast %parallel_loop3A_1126 : i32 to index
      %parallel_loop3A_1140 = arith.index_cast %parallel_loop3A_1130 : i32 to index
      %parallel_loop3A_1141 = tpu.vector_load %arg8[%parallel_loop3A_1138, %parallel_loop3A_1139, %parallel_loop3A_1140] {strides = array<i32>} : memref<5x16x1024xf32, #tpu.memory_space<vmem>>, vector<1x1x16xf32>,
      %parallel_loop3A_1142 = vector.shape_cast %parallel_loop3A_1141 : vector<1x1x16xf32> to vector<16xf32>
      %parallel_loop3A_1143 = vector.shape_cast %parallel_loop3A_1136 : vector<16xf32> to vector<1x1x16xf32>
      tpu.vector_store %arg8[%parallel_loop3A_1138, %parallel_loop3A_1139, %parallel_loop3A_1140], %parallel_loop3A_1143 {add = true, strides = array<i32>} : memref<5x16x1024xf32, #tpu.memory_space<vmem>>, vector<1x1x16xf32>,
    } {sc.loop_unroll_factor = 8 : i64, sc.parallel_access}
    %mul3A_989 = arith.constant 64 : i32
    %mul3A_990 = arith.muli %add3A, %mul3A_989 : i32
    %add3A_991 = arith.constant 48 : i32
    %add3A_992 = arith.addi %mul3A_990, %add3A_991 : i32
    %dma_start3A_993 = arith.constant 4 : i32
    %dma_start3A_994 = arith.constant 2 : i32
    %dma_start3A_995 = arith.constant 0 : i32
    %dma_start3A_996 = arith.constant 0 : i32
    %dma_start3A_997 = tpu.memref_slice %arg8[%dma_start3A_993, %dma_start3A_995, %dma_start3A_996] : memref<5x16x1024xf32, #tpu.memory_space<vmem>> -> memref<1x16x1024xf32, #tpu.memory_space<vmem>>
    %dma_start3A_998 = tpu.memref_squeeze %dma_start3A_997 : memref<1x16x1024xf32, #tpu.memory_space<vmem>> -> memref<16x1024xf32, #tpu.memory_space<vmem>>
    %dma_start3A_999 = arith.constant 0 : i32
    %dma_start3A_1000 = tpu.memref_slice %arg5[%dma_start3A_994, %add3A_992, %dma_start3A_999] : memref<4x2048x1024xf32, #tpu.memory_space<hbm>> -> memref<1x16x1024xf32, #tpu.memory_space<hbm>>
    %dma_start3A_1001 = tpu.memref_squeeze %dma_start3A_1000 : memref<1x16x1024xf32, #tpu.memory_space<hbm>> -> memref<16x1024xf32, #tpu.memory_space<hbm>>
    %dma_start3A_1002 = arith.constant 0 : i32
    %dma_start3A_1003 = tpu.memref_slice %arg5[%dma_start3A_994, %add3A_992, %dma_start3A_1002] : memref<4x2048x1024xf32, #tpu.memory_space<hbm>> -> memref<1x16x1024xf32, #tpu.memory_space<hbm>>
    %dma_start3A_1004 = tpu.memref_squeeze %dma_start3A_1003 : memref<1x16x1024xf32, #tpu.memory_space<hbm>> -> memref<16x1024xf32, #tpu.memory_space<hbm>>
    %dma_start3A_1005 = arith.constant 0 : i32
    %dma_start3A_1006 = arith.constant 0 : i32
    %dma_start3A_1007 = tpu.memref_slice %arg8[%dma_start3A_993, %dma_start3A_1005, %dma_start3A_1006] : memref<5x16x1024xf32, #tpu.memory_space<vmem>> -> memref<1x16x1024xf32, #tpu.memory_space<vmem>>
    %dma_start3A_1008 = tpu.memref_squeeze %dma_start3A_1007 : memref<1x16x1024xf32, #tpu.memory_space<vmem>> -> memref<16x1024xf32, #tpu.memory_space<vmem>>
    tpu.enqueue_dma source(%dma_start3A_1008 : memref<16x1024xf32, #tpu.memory_space<vmem>>) target(%dma_start3A_1004 : memref<16x1024xf32, #tpu.memory_space<hbm>>) target_semaphore(%arg18 : memref<!tpu.dma_semaphore, #tpu.memory_space<semaphore_mem>>)
    %dma_wait3A_1009 = arith.constant 15 : i32
    %dma_wait3A_1010 = arith.constant 0 : i32
    %dma_wait3A_1011 = arith.constant 0 : i32
    %dma_wait3A_1012 = arith.constant 0 : i32
    %dma_wait3A_1013 = tpu.memref_slice %arg8[%dma_wait3A_1010, %dma_wait3A_1011, %dma_wait3A_1012] : memref<5x16x1024xf32, #tpu.memory_space<vmem>> -> memref<1x16x1024xf32, #tpu.memory_space<vmem>>
    %dma_wait3A_1014 = tpu.memref_squeeze %dma_wait3A_1013 : memref<1x16x1024xf32, #tpu.memory_space<vmem>> -> memref<16x1024xf32, #tpu.memory_space<vmem>>
    %dma_wait3A_1015 = arith.constant 0 : i32
    %dma_wait3A_1016 = tpu.memref_slice %arg6[%dma_wait3A_1009, %dma_wait3A_1015] : memref<16x16xi32, #tpu.memory_space<vmem>> -> memref<1x16xi32, #tpu.memory_space<vmem>>
    %dma_wait3A_1017 = tpu.memref_squeeze %dma_wait3A_1016 : memref<1x16xi32, #tpu.memory_space<vmem>> -> memref<16xi32, #tpu.memory_space<vmem>>
    %dma_wait3A_1018 = arith.constant 0 : i32
    %dma_wait3A_1019 = arith.constant 0 : i32
    %dma_wait3A_1020 = tpu.memref_slice %arg3[%dma_wait3A_1018, %dma_wait3A_1019] : memref<100000x1024xf32, #tpu.memory_space<hbm>> -> memref<100000x1024xf32, #tpu.memory_space<hbm>>
    tpu.wait_indirect_dma semaphore(%arg9 : memref<!tpu.dma_semaphore, #tpu.memory_space<semaphore_mem>>) src(%dma_wait3A_1020 : memref<100000x1024xf32, #tpu.memory_space<hbm>>) dst(%dma_wait3A_1014 : memref<16x1024xf32, #tpu.memory_space<vmem>>)
    %parallel_loop3A_1021 = arith.constant 0 : i32
    %parallel_loop3A_1022 = arith.constant 1024 : i32
    %parallel_loop3A_1023 = arith.constant 1 : i32
    scf.for %parallel_loop3A_1124 = %parallel_loop3A_1021 to %parallel_loop3A_1022 step %parallel_loop3A_1023  : i32 {
      %parallel_loop3A_1125 = arith.constant 6 : i32
      %parallel_loop3A_1126 = arith.shrui %parallel_loop3A_1124, %parallel_loop3A_1125 : i32
      %parallel_loop3A_1127 = arith.constant 63 : i32
      %parallel_loop3A_1128 = arith.andi %parallel_loop3A_1124, %parallel_loop3A_1127 : i32
      %parallel_loop3A_1129 = arith.constant 16 : i32
      %parallel_loop3A_1130 = arith.muli %parallel_loop3A_1128, %parallel_loop3A_1129 : i32
      %parallel_loop3A_1131 = arith.constant 1 : i32
      %parallel_loop3A_1132 = arith.index_cast %parallel_loop3A_1131 : i32 to index
      %parallel_loop3A_1133 = arith.index_cast %parallel_loop3A_1126 : i32 to index
      %parallel_loop3A_1134 = arith.index_cast %parallel_loop3A_1130 : i32 to index
      %parallel_loop3A_1135 = tpu.vector_load %arg7[%parallel_loop3A_1132, %parallel_loop3A_1133, %parallel_loop3A_1134] {strides = array<i32>} : memref<2x16x1024xf32, #tpu.memory_space<vmem>>, vector<1x1x16xf32>,
      %parallel_loop3A_1136 = vector.shape_cast %parallel_loop3A_1135 : vector<1x1x16xf32> to vector<16xf32>
      %parallel_loop3A_1137 = arith.constant 0 : i32
      %parallel_loop3A_1138 = arith.index_cast %parallel_loop3A_1137 : i32 to index
      %parallel_loop3A_1139 = arith.index_cast %parallel_loop3A_1126 : i32 to index
      %parallel_loop3A_1140 = arith.index_cast %parallel_loop3A_1130 : i32 to index
      %parallel_loop3A_1141 = tpu.vector_load %arg8[%parallel_loop3A_1138, %parallel_loop3A_1139, %parallel_loop3A_1140] {strides = array<i32>} : memref<5x16x1024xf32, #tpu.memory_space<vmem>>, vector<1x1x16xf32>,
      %parallel_loop3A_1142 = vector.shape_cast %parallel_loop3A_1141 : vector<1x1x16xf32> to vector<16xf32>
      %parallel_loop3A_1143 = vector.shape_cast %parallel_loop3A_1136 : vector<16xf32> to vector<1x1x16xf32>
      tpu.vector_store %arg8[%parallel_loop3A_1138, %parallel_loop3A_1139, %parallel_loop3A_1140], %parallel_loop3A_1143 {add = true, strides = array<i32>} : memref<5x16x1024xf32, #tpu.memory_space<vmem>>, vector<1x1x16xf32>,
    } {sc.loop_unroll_factor = 8 : i64, sc.parallel_access}
    %mul3A_1024 = arith.constant 64 : i32
    %mul3A_1025 = arith.muli %add3A, %mul3A_1024 : i32
    %add3A_1026 = arith.constant 48 : i32
    %add3A_1027 = arith.addi %mul3A_1025, %add3A_1026 : i32
    %dma_start3A_1028 = arith.constant 0 : i32
    %dma_start3A_1029 = arith.constant 3 : i32
    %dma_start3A_1030 = arith.constant 0 : i32
    %dma_start3A_1031 = arith.constant 0 : i32
    %dma_start3A_1032 = tpu.memref_slice %arg8[%dma_start3A_1028, %dma_start3A_1030, %dma_start3A_1031] : memref<5x16x1024xf32, #tpu.memory_space<vmem>> -> memref<1x16x1024xf32, #tpu.memory_space<vmem>>
    %dma_start3A_1033 = tpu.memref_squeeze %dma_start3A_1032 : memref<1x16x1024xf32, #tpu.memory_space<vmem>> -> memref<16x1024xf32, #tpu.memory_space<vmem>>
    %dma_start3A_1034 = arith.constant 0 : i32
    %dma_start3A_1035 = tpu.memref_slice %arg5[%dma_start3A_1029, %add3A_1027, %dma_start3A_1034] : memref<4x2048x1024xf32, #tpu.memory_space<hbm>> -> memref<1x16x1024xf32, #tpu.memory_space<hbm>>
    %dma_start3A_1036 = tpu.memref_squeeze %dma_start3A_1035 : memref<1x16x1024xf32, #tpu.memory_space<hbm>> -> memref<16x1024xf32, #tpu.memory_space<hbm>>
    %dma_start3A_1037 = arith.constant 0 : i32
    %dma_start3A_1038 = tpu.memref_slice %arg5[%dma_start3A_1029, %add3A_1027, %dma_start3A_1037] : memref<4x2048x1024xf32, #tpu.memory_space<hbm>> -> memref<1x16x1024xf32, #tpu.memory_space<hbm>>
    %dma_start3A_1039 = tpu.memref_squeeze %dma_start3A_1038 : memref<1x16x1024xf32, #tpu.memory_space<hbm>> -> memref<16x1024xf32, #tpu.memory_space<hbm>>
    %dma_start3A_1040 = arith.constant 0 : i32
    %dma_start3A_1041 = arith.constant 0 : i32
    %dma_start3A_1042 = tpu.memref_slice %arg8[%dma_start3A_1028, %dma_start3A_1040, %dma_start3A_1041] : memref<5x16x1024xf32, #tpu.memory_space<vmem>> -> memref<1x16x1024xf32, #tpu.memory_space<vmem>>
    %dma_start3A_1043 = tpu.memref_squeeze %dma_start3A_1042 : memref<1x16x1024xf32, #tpu.memory_space<vmem>> -> memref<16x1024xf32, #tpu.memory_space<vmem>>
    tpu.enqueue_dma source(%dma_start3A_1043 : memref<16x1024xf32, #tpu.memory_space<vmem>>) target(%dma_start3A_1039 : memref<16x1024xf32, #tpu.memory_space<hbm>>) target_semaphore(%arg14 : memref<!tpu.dma_semaphore, #tpu.memory_space<semaphore_mem>>)
    %dma_wait3A_1044 = arith.constant 1 : i32
    %dma_wait3A_1045 = arith.constant 3 : i32
    %dma_wait3A_1046 = arith.constant 0 : i32
    %dma_wait3A_1047 = arith.constant 0 : i32
    %dma_wait3A_1048 = tpu.memref_slice %arg8[%dma_wait3A_1044, %dma_wait3A_1046, %dma_wait3A_1047] : memref<5x16x1024xf32, #tpu.memory_space<vmem>> -> memref<1x16x1024xf32, #tpu.memory_space<vmem>>
    %dma_wait3A_1049 = tpu.memref_squeeze %dma_wait3A_1048 : memref<1x16x1024xf32, #tpu.memory_space<vmem>> -> memref<16x1024xf32, #tpu.memory_space<vmem>>
    %dma_wait3A_1050 = arith.constant 0 : i32
    %dma_wait3A_1051 = tpu.memref_slice %arg5[%dma_wait3A_1045, %add3A_846, %dma_wait3A_1050] : memref<4x2048x1024xf32, #tpu.memory_space<hbm>> -> memref<1x16x1024xf32, #tpu.memory_space<hbm>>
    %dma_wait3A_1052 = tpu.memref_squeeze %dma_wait3A_1051 : memref<1x16x1024xf32, #tpu.memory_space<hbm>> -> memref<16x1024xf32, #tpu.memory_space<hbm>>
    %dma_wait3A_1053 = arith.constant 0 : i32
    %dma_wait3A_1054 = tpu.memref_slice %arg5[%dma_wait3A_1045, %add3A_846, %dma_wait3A_1053] : memref<4x2048x1024xf32, #tpu.memory_space<hbm>> -> memref<1x16x1024xf32, #tpu.memory_space<hbm>>
    %dma_wait3A_1055 = tpu.memref_squeeze %dma_wait3A_1054 : memref<1x16x1024xf32, #tpu.memory_space<hbm>> -> memref<16x1024xf32, #tpu.memory_space<hbm>>
    %dma_wait3A_1056 = arith.constant 0 : i32
    %dma_wait3A_1057 = arith.constant 0 : i32
    %dma_wait3A_1058 = tpu.memref_slice %arg8[%dma_wait3A_1044, %dma_wait3A_1056, %dma_wait3A_1057] : memref<5x16x1024xf32, #tpu.memory_space<vmem>> -> memref<1x16x1024xf32, #tpu.memory_space<vmem>>
    %dma_wait3A_1059 = tpu.memref_squeeze %dma_wait3A_1058 : memref<1x16x1024xf32, #tpu.memory_space<vmem>> -> memref<16x1024xf32, #tpu.memory_space<vmem>>
    tpu.wait_dma2 semaphore(%arg15 : memref<!tpu.dma_semaphore, #tpu.memory_space<semaphore_mem>>) src(%dma_wait3A_1059 : memref<16x1024xf32, #tpu.memory_space<vmem>>) dst(%dma_wait3A_1055 : memref<16x1024xf32, #tpu.memory_space<hbm>>)
    %dma_wait3A_1060 = arith.constant 2 : i32
    %dma_wait3A_1061 = arith.constant 0 : i32
    %dma_wait3A_1062 = arith.constant 0 : i32
    %dma_wait3A_1063 = arith.constant 0 : i32
    %dma_wait3A_1064 = tpu.memref_slice %arg8[%dma_wait3A_1060, %dma_wait3A_1062, %dma_wait3A_1063] : memref<5x16x1024xf32, #tpu.memory_space<vmem>> -> memref<1x16x1024xf32, #tpu.memory_space<vmem>>
    %dma_wait3A_1065 = tpu.memref_squeeze %dma_wait3A_1064 : memref<1x16x1024xf32, #tpu.memory_space<vmem>> -> memref<16x1024xf32, #tpu.memory_space<vmem>>
    %dma_wait3A_1066 = arith.constant 0 : i32
    %dma_wait3A_1067 = tpu.memref_slice %arg5[%dma_wait3A_1061, %add3A_922, %dma_wait3A_1066] : memref<4x2048x1024xf32, #tpu.memory_space<hbm>> -> memref<1x16x1024xf32, #tpu.memory_space<hbm>>
    %dma_wait3A_1068 = tpu.memref_squeeze %dma_wait3A_1067 : memref<1x16x1024xf32, #tpu.memory_space<hbm>> -> memref<16x1024xf32, #tpu.memory_space<hbm>>
    %dma_wait3A_1069 = arith.constant 0 : i32
    %dma_wait3A_1070 = tpu.memref_slice %arg5[%dma_wait3A_1061, %add3A_922, %dma_wait3A_1069] : memref<4x2048x1024xf32, #tpu.memory_space<hbm>> -> memref<1x16x1024xf32, #tpu.memory_space<hbm>>
    %dma_wait3A_1071 = tpu.memref_squeeze %dma_wait3A_1070 : memref<1x16x1024xf32, #tpu.memory_space<hbm>> -> memref<16x1024xf32, #tpu.memory_space<hbm>>
    %dma_wait3A_1072 = arith.constant 0 : i32
    %dma_wait3A_1073 = arith.constant 0 : i32
    %dma_wait3A_1074 = tpu.memref_slice %arg8[%dma_wait3A_1060, %dma_wait3A_1072, %dma_wait3A_1073] : memref<5x16x1024xf32, #tpu.memory_space<vmem>> -> memref<1x16x1024xf32, #tpu.memory_space<vmem>>
    %dma_wait3A_1075 = tpu.memref_squeeze %dma_wait3A_1074 : memref<1x16x1024xf32, #tpu.memory_space<vmem>> -> memref<16x1024xf32, #tpu.memory_space<vmem>>
    tpu.wait_dma2 semaphore(%arg16 : memref<!tpu.dma_semaphore, #tpu.memory_space<semaphore_mem>>) src(%dma_wait3A_1075 : memref<16x1024xf32, #tpu.memory_space<vmem>>) dst(%dma_wait3A_1071 : memref<16x1024xf32, #tpu.memory_space<hbm>>)
    %dma_wait3A_1076 = arith.constant 3 : i32
    %dma_wait3A_1077 = arith.constant 1 : i32
    %dma_wait3A_1078 = arith.constant 0 : i32
    %dma_wait3A_1079 = arith.constant 0 : i32
    %dma_wait3A_1080 = tpu.memref_slice %arg8[%dma_wait3A_1076, %dma_wait3A_1078, %dma_wait3A_1079] : memref<5x16x1024xf32, #tpu.memory_space<vmem>> -> memref<1x16x1024xf32, #tpu.memory_space<vmem>>
    %dma_wait3A_1081 = tpu.memref_squeeze %dma_wait3A_1080 : memref<1x16x1024xf32, #tpu.memory_space<vmem>> -> memref<16x1024xf32, #tpu.memory_space<vmem>>
    %dma_wait3A_1082 = arith.constant 0 : i32
    %dma_wait3A_1083 = tpu.memref_slice %arg5[%dma_wait3A_1077, %add3A_957, %dma_wait3A_1082] : memref<4x2048x1024xf32, #tpu.memory_space<hbm>> -> memref<1x16x1024xf32, #tpu.memory_space<hbm>>
    %dma_wait3A_1084 = tpu.memref_squeeze %dma_wait3A_1083 : memref<1x16x1024xf32, #tpu.memory_space<hbm>> -> memref<16x1024xf32, #tpu.memory_space<hbm>>
    %dma_wait3A_1085 = arith.constant 0 : i32
    %dma_wait3A_1086 = tpu.memref_slice %arg5[%dma_wait3A_1077, %add3A_957, %dma_wait3A_1085] : memref<4x2048x1024xf32, #tpu.memory_space<hbm>> -> memref<1x16x1024xf32, #tpu.memory_space<hbm>>
    %dma_wait3A_1087 = tpu.memref_squeeze %dma_wait3A_1086 : memref<1x16x1024xf32, #tpu.memory_space<hbm>> -> memref<16x1024xf32, #tpu.memory_space<hbm>>
    %dma_wait3A_1088 = arith.constant 0 : i32
    %dma_wait3A_1089 = arith.constant 0 : i32
    %dma_wait3A_1090 = tpu.memref_slice %arg8[%dma_wait3A_1076, %dma_wait3A_1088, %dma_wait3A_1089] : memref<5x16x1024xf32, #tpu.memory_space<vmem>> -> memref<1x16x1024xf32, #tpu.memory_space<vmem>>
    %dma_wait3A_1091 = tpu.memref_squeeze %dma_wait3A_1090 : memref<1x16x1024xf32, #tpu.memory_space<vmem>> -> memref<16x1024xf32, #tpu.memory_space<vmem>>
    tpu.wait_dma2 semaphore(%arg17 : memref<!tpu.dma_semaphore, #tpu.memory_space<semaphore_mem>>) src(%dma_wait3A_1091 : memref<16x1024xf32, #tpu.memory_space<vmem>>) dst(%dma_wait3A_1087 : memref<16x1024xf32, #tpu.memory_space<hbm>>)
    %dma_wait3A_1092 = arith.constant 4 : i32
    %dma_wait3A_1093 = arith.constant 2 : i32
    %dma_wait3A_1094 = arith.constant 0 : i32
    %dma_wait3A_1095 = arith.constant 0 : i32
    %dma_wait3A_1096 = tpu.memref_slice %arg8[%dma_wait3A_1092, %dma_wait3A_1094, %dma_wait3A_1095] : memref<5x16x1024xf32, #tpu.memory_space<vmem>> -> memref<1x16x1024xf32, #tpu.memory_space<vmem>>
    %dma_wait3A_1097 = tpu.memref_squeeze %dma_wait3A_1096 : memref<1x16x1024xf32, #tpu.memory_space<vmem>> -> memref<16x1024xf32, #tpu.memory_space<vmem>>
    %dma_wait3A_1098 = arith.constant 0 : i32
    %dma_wait3A_1099 = tpu.memref_slice %arg5[%dma_wait3A_1093, %add3A_992, %dma_wait3A_1098] : memref<4x2048x1024xf32, #tpu.memory_space<hbm>> -> memref<1x16x1024xf32, #tpu.memory_space<hbm>>
    %dma_wait3A_1100 = tpu.memref_squeeze %dma_wait3A_1099 : memref<1x16x1024xf32, #tpu.memory_space<hbm>> -> memref<16x1024xf32, #tpu.memory_space<hbm>>
    %dma_wait3A_1101 = arith.constant 0 : i32
    %dma_wait3A_1102 = tpu.memref_slice %arg5[%dma_wait3A_1093, %add3A_992, %dma_wait3A_1101] : memref<4x2048x1024xf32, #tpu.memory_space<hbm>> -> memref<1x16x1024xf32, #tpu.memory_space<hbm>>
    %dma_wait3A_1103 = tpu.memref_squeeze %dma_wait3A_1102 : memref<1x16x1024xf32, #tpu.memory_space<hbm>> -> memref<16x1024xf32, #tpu.memory_space<hbm>>
    %dma_wait3A_1104 = arith.constant 0 : i32
    %dma_wait3A_1105 = arith.constant 0 : i32
    %dma_wait3A_1106 = tpu.memref_slice %arg8[%dma_wait3A_1092, %dma_wait3A_1104, %dma_wait3A_1105] : memref<5x16x1024xf32, #tpu.memory_space<vmem>> -> memref<1x16x1024xf32, #tpu.memory_space<vmem>>
    %dma_wait3A_1107 = tpu.memref_squeeze %dma_wait3A_1106 : memref<1x16x1024xf32, #tpu.memory_space<vmem>> -> memref<16x1024xf32, #tpu.memory_space<vmem>>
    tpu.wait_dma2 semaphore(%arg18 : memref<!tpu.dma_semaphore, #tpu.memory_space<semaphore_mem>>) src(%dma_wait3A_1107 : memref<16x1024xf32, #tpu.memory_space<vmem>>) dst(%dma_wait3A_1103 : memref<16x1024xf32, #tpu.memory_space<hbm>>)
    %dma_wait3A_1108 = arith.constant 0 : i32
    %dma_wait3A_1109 = arith.constant 3 : i32
    %dma_wait3A_1110 = arith.constant 0 : i32
    %dma_wait3A_1111 = arith.constant 0 : i32
    %dma_wait3A_1112 = tpu.memref_slice %arg8[%dma_wait3A_1108, %dma_wait3A_1110, %dma_wait3A_1111] : memref<5x16x1024xf32, #tpu.memory_space<vmem>> -> memref<1x16x1024xf32, #tpu.memory_space<vmem>>
    %dma_wait3A_1113 = tpu.memref_squeeze %dma_wait3A_1112 : memref<1x16x1024xf32, #tpu.memory_space<vmem>> -> memref<16x1024xf32, #tpu.memory_space<vmem>>
    %dma_wait3A_1114 = arith.constant 0 : i32
    %dma_wait3A_1115 = tpu.memref_slice %arg5[%dma_wait3A_1109, %add3A_1027, %dma_wait3A_1114] : memref<4x2048x1024xf32, #tpu.memory_space<hbm>> -> memref<1x16x1024xf32, #tpu.memory_space<hbm>>
    %dma_wait3A_1116 = tpu.memref_squeeze %dma_wait3A_1115 : memref<1x16x1024xf32, #tpu.memory_space<hbm>> -> memref<16x1024xf32, #tpu.memory_space<hbm>>
    %dma_wait3A_1117 = arith.constant 0 : i32
    %dma_wait3A_1118 = tpu.memref_slice %arg5[%dma_wait3A_1109, %add3A_1027, %dma_wait3A_1117] : memref<4x2048x1024xf32, #tpu.memory_space<hbm>> -> memref<1x16x1024xf32, #tpu.memory_space<hbm>>
    %dma_wait3A_1119 = tpu.memref_squeeze %dma_wait3A_1118 : memref<1x16x1024xf32, #tpu.memory_space<hbm>> -> memref<16x1024xf32, #tpu.memory_space<hbm>>
    %dma_wait3A_1120 = arith.constant 0 : i32
    %dma_wait3A_1121 = arith.constant 0 : i32
    %dma_wait3A_1122 = tpu.memref_slice %arg8[%dma_wait3A_1108, %dma_wait3A_1120, %dma_wait3A_1121] : memref<5x16x1024xf32, #tpu.memory_space<vmem>> -> memref<1x16x1024xf32, #tpu.memory_space<vmem>>
    %dma_wait3A_1123 = tpu.memref_squeeze %dma_wait3A_1122 : memref<1x16x1024xf32, #tpu.memory_space<vmem>> -> memref<16x1024xf32, #tpu.memory_space<vmem>>
    tpu.wait_dma2 semaphore(%arg14 : memref<!tpu.dma_semaphore, #tpu.memory_space<semaphore_mem>>) src(%dma_wait3A_1123 : memref<16x1024xf32, #tpu.memory_space<vmem>>) dst(%dma_wait3A_1119 : memref<16x1024xf32, #tpu.memory_space<hbm>>)
    return
  }
}

</mosaic_0001>

<sc_bundles>
// kernel: kernel.3.cloned.1.call-start
scs
__scs_entry_jumppad:
0x0: {  	(pc) =	sbr.rel $0x88, $3  }
0x1: {  	(tag) =	ssettag $0x0;
	lr =	simm.s32 $0x1  }
0x2: {  	[smem:$0x3F9E] =	sst lr;
	_ =	strace $0xD0000000  }
0x3: {  	_ = 	snop  }
0x4: {  	_ = 	snop  }
0x5: {  	_ = 	snop  }
0x6: {  	_ = 	snop  }
0x7: {  	_ = 	snop  }
__scs_overlays_trampoline_lowered:
0x8: {  	[smem:$0x3FAD] =	sst s0  }
0x9: {  	[smem:$0x3FAE] =	sst s1  }
0xa: {  	[smem:$0x3FAF] =	sst s2  }
0xb: {  	[smem:$0x3FB0] =	sst s3  }
0xc: {  	[smem:$0x3FB1] =	sst s4  }
0xd: {  	[smem:$0x3FB2] =	sst s5  }
0xe: {  	[smem:$0x3FB3] =	sst s6  }
0xf: {  	[smem:$0x3FB4] =	sst s7  }
0x10: {  	[smem:$0x3FB5] =	sst s8  }
0x11: {  	[smem:$0x3FB6] =	sst s9;
	s0 =	simm.s32 @!p0 $0x0  }
0x12: {  	s1 =	sld [smem:$0x3F9C];
	s0 =	simm.s32 @p0 $0x1  }
0x13: {  	[smem:$0x3FB7] =	sst s0;
	s0 =	simm.s32 @!p1 $0x0  }
0x14: {  	s2 =	sld [smem:$0x3F9B];
	s0 =	simm.s32 @p1 $0x1  }
0x15: {  	[smem:$0x3FB8] =	sst s0;
	s0 =	simm.s32 @!p2 $0x0  }
0x16: {  	s3 =	sld [smem:$0x3FDB];
	s0 =	simm.s32 @p2 $0x1  }
0x17: {  	s4 =	simm.s32 $0x1BF5;
	[smem:$0x3FBA] =	sst s0  }
0x18: {  	s0 =	sld [smem:$0x3F9D];
	_ =	swait.ge [sflag:s4], $0x0  }
0x19: {  	s7 =	sld [smem:$0x3F9E]  }
0x1a: {  	s8 =	sadd.s32 $0xFFFFE003, lr  }
0x1b: {  	s9 =	sadd.s32 $0xFFFFFEF7, lr;
	s5 =	simm.s32 $0xFFFFFFFF;
	p2 =	slt.u32 s8, $0xFFFFF086  }
0x1c: {  	p1 =	slt.u32 s9, $0xF7A;
	s5 =	simm.s32 @!p2 $0x0  }
0x1d: {  	s5 =	simm.s32 @p1 $0x1;
	p0 =	seq.s32 s7, s2  }
0x1e: {  	s7 =	smul.u32 @!p0 $0xF7A, s2;
	p2 =	seq.s32 @!p0 s5, $0x0  }
0x1f: {  	s9 =	smul.u32 $0xF7A, s1;
	s8 =	simm.s32 @!p0 $0x1BF5;
	p2 =	por !p2, p0  }
0x20: {  	[sflag:s8] =	ssyncset.s32 @!p0 $0xFFFFF086;
	s6 =	sadd.s32 @!p0 s3, s7;
	s7 =	simm.s32 @!p0 $0x108  }
0x21: {  	s3 =	sadd.s32 s3, s9;
	s6 =	sadd.s32 @!p0 $0x88, s6;
	s7 =	simm.s32 @p2 $0x1082  }
0x22: {  	[simem:s7], [sflag:s8] =	dma.local @!p0 [hbm:s6], $0xF7A  }
0x23: {  	s9 =	sor.u32 $0xD0000000, s2;
	s6 =	simm.s32 $0x108;
	_ =	swait.ge @!p0 [sflag:s8], $0x0  }
0x24: {  	s3 =	sadd.s32 $0x88, s3;
	s6 =	simm.s32 @!p1 $0x1082;
	[sflag:s4] =	ssyncset.s32 $0xFFFFF086  }
0x25: {  	[simem:s6], [sflag:s4] =	dma.local [hbm:s3], $0xF7A  }
0x26: {  	[smem:$0x3F9E] =	sst s1;
	(tag) =	ssettag s2;
	_ =	strace s9  }
0x27: {  	s1 =	sld [smem:$0x3FAE]  }
0x28: {  	s2 =	sld [smem:$0x3FAF]  }
0x29: {  	s4 =	sld [smem:$0x3FB1]  }
0x2a: {  	p0 =	seq.s32 s5, $0x0;
	s5 =	sld [smem:$0x3FB2]  }
0x2b: {  	s6 =	sld [smem:$0x3FB3]  }
0x2c: {  	s7 =	sld [smem:$0x3FB4]  }
0x2d: {  	s3 =	simm.s32 $0x108;
	s8 =	sld [smem:$0x3FB5]  }
0x2e: {  	s3 =	simm.s32 @!p0 $0x1082;
	s9 =	sld [smem:$0x3FB6]  }
0x2f: {  	lr =	sadd.s32 s0, s3;
	s0 =	sld [smem:$0x3FAD]  }
0x30: {  	s3 =	sld [smem:$0x3FB0]  }
0x31: {  	[smem:$0x3FB9] =	sst s10  }
0x32: {  	s10 =	sld [smem:$0x3FB7];
	_ =	sdelay $0x3  }
0x33: {  	p0 =	seq.s32 s10, $0x1;
	s10 =	sld [smem:$0x3FB9];
	_ =	sdelay $0x3  }
0x34: {  	[smem:$0x3FB9] =	sst s10  }
0x35: {  	s10 =	sld [smem:$0x3FB8];
	_ =	sdelay $0x3  }
0x36: {  	p1 =	seq.s32 s10, $0x1;
	s10 =	sld [smem:$0x3FB9];
	_ =	sdelay $0x3  }
0x37: {  	[smem:$0x3FB9] =	sst s10  }
0x38: {  	s10 =	sld [smem:$0x3FBA]  }
0x39: {  	_ = 	snop;
	(pc) =	sbr.ind lr, $3  }
0x3a: {  	_ = 	snop  }
0x3b: {  	_ = 	snop  }
0x3c: {  	p2 =	seq.s32 s10, $0x1;
	s10 =	sld [smem:$0x3FB9]  }
0x3d: {  	_ =	shalt  }
0x3e: {  	_ =	shalt  }
0x3f: {  	_ =	shalt  }
0x40: {  	_ =	shalt  }
0x41: {  	_ =	shalt  }
0x42: {  	_ =	shalt  }
0x43: {  	_ =	shalt  }
0x44: {  	_ =	shalt  }
0x45: {  	_ =	shalt  }
0x46: {  	_ =	shalt  }
0x47: {  	_ =	shalt  }
0x48: {  	_ =	shalt  }
0x49: {  	_ =	shalt  }
0x4a: {  	_ =	shalt  }
0x4b: {  	_ =	shalt  }
0x4c: {  	_ =	shalt  }
0x4d: {  	_ =	shalt  }
0x4e: {  	_ =	shalt  }
0x4f: {  	_ =	shalt  }
0x50: {  	_ =	shalt  }
0x51: {  	_ =	shalt  }
0x52: {  	_ =	shalt  }
0x53: {  	_ =	shalt  }
0x54: {  	_ =	shalt  }
0x55: {  	_ =	shalt  }
0x56: {  	_ =	shalt  }
0x57: {  	_ =	shalt  }
0x58: {  	_ =	shalt  }
0x59: {  	_ =	shalt  }
0x5a: {  	_ =	shalt  }
0x5b: {  	_ =	shalt  }
0x5c: {  	_ =	shalt  }
0x5d: {  	_ =	shalt  }
0x5e: {  	_ =	shalt  }
0x5f: {  	_ =	shalt  }
0x60: {  	_ =	shalt  }
0x61: {  	_ =	shalt  }
0x62: {  	_ =	shalt  }
0x63: {  	_ =	shalt  }
0x64: {  	_ =	shalt  }
0x65: {  	_ =	shalt  }
0x66: {  	_ =	shalt  }
0x67: {  	_ =	shalt  }
0x68: {  	_ =	shalt  }
0x69: {  	_ =	shalt  }
0x6a: {  	_ =	shalt  }
0x6b: {  	_ =	shalt  }
0x6c: {  	_ =	shalt  }
0x6d: {  	_ =	shalt  }
0x6e: {  	_ =	shalt  }
0x6f: {  	_ =	shalt  }
0x70: {  	_ =	shalt  }
0x71: {  	_ =	shalt  }
0x72: {  	_ =	shalt  }
0x73: {  	_ =	shalt  }
0x74: {  	_ =	shalt  }
0x75: {  	_ =	shalt  }
0x76: {  	_ =	shalt  }
0x77: {  	_ =	shalt  }
0x78: {  	_ =	shalt  }
0x79: {  	_ =	shalt  }
0x7a: {  	_ =	shalt  }
0x7b: {  	_ =	shalt  }
0x7c: {  	_ =	shalt  }
0x7d: {  	_ =	shalt  }
0x7e: {  	_ =	shalt  }
0x7f: {  	_ =	shalt  }
0x80: {  	_ =	shalt  }
0x81: {  	_ =	shalt  }
0x82: {  	_ =	shalt  }
0x83: {  	_ =	shalt  }
0x84: {  	_ =	shalt  }
0x85: {  	_ =	shalt  }
0x86: {  	_ =	shalt  }
0x87: {  	_ =	shalt  }
.Lfunc_end0:
.L_simem_size_0:
called_computation_lowered:
.L_overlay_start_0:
0x88: {  	s2 =	sld [smem:$0x3FD9]  }
0x89: {  	s3 =	sld [smem:$0x3FFE];
	_ =	sdelay $0x1  }
0x8a: {  	s1 =	srdreg.scid  }
0x8b: {  	s0 =	sand.u32 $0x1, s1  }
0x8c: {  	s17 =	sshll.u32 s0, $0xA;
	s2 =	sadd.s32 s3, s2  }
0x8d: {  	s2 =	sadd.s32 s2, s17  }
0x8e: {  	[smem:$0x3FC5] =	sst s2  }
0x8f: {  	_ = 	snop  }
0x90: {  	s2 =	sld [smem:$0x3FC8]  }
0x91: {  	s18 =	sld [smem:$0x3FC7]  }
0x92: {  	s4 =	sld [smem:$0x3FD0];
	(tm) =	ssettm $0x1  }
0x93: {  	s5 =	sld [smem:$0x3FFB];
	_ =	sdelay $0x3  }
0x94: {  	_ =	strace s5  }
0x95: {  	s5 =	sld [smem:$0x3FFC];
	_ =	sdelay $0x3  }
0x96: {  	_ =	strace s5  }
0x97: {  	s5 =	sld [smem:$0x3FFD];
	_ =	sdelay $0x3  }
0x98: {  	_ =	strace s5  }
0x99: {  	_ =	strace $0x8FFFFFFF  }
0x9a: {  	s19 =	sld [smem:$0x3FDB];
	_ =	sdelay $0x1  }
0x9b: {  	s6 =	simm.s32 $_scs_section_size  }
0x9c: {  	s7 =	simm.s32 $_size__tile_overlayer_lowered;
	s8 =	simm.s32 $_tile_overlayer_lowered  }
0x9d: {  	s22 =	simm.s32 $0x1BFF;
	s21 =	sshll.u32 s8, $0x1;
	s5 =	sadd.s32 s6, s19  }
0x9e: {  	s9 =	simm.s32 $0x0;
	s20 =	sshll.u32 s7, $0x1;
	s7 =	sadd.s32 s21, s5  }
0x9f: {  	[timem:s9], [sflag:s22] =	dma.local [hbm:s7], s20  }
0xa0: {  	_ =	swait.ge [sflag:s22], s20  }
0xa1: {  	s6 =	ssub.s32 $0x0, s20;
	[sflag:s22] =	ssyncset.done $0x0  }
0xa2: {  	[sflag:s22] =	ssyncadd.s32 s6;
	_ =	sdelay $0x1  }
0xa3: {  	s23 =	simm.s32 $0x1B8B  }
0xa4: {  	_ =	swait.ge [sflag:s23], $0x1  }
0xa5: {  	[sflag:s23] =	ssyncset.done $0x0  }
0xa6: {  	s25 =	simm.s32 $0x1B8E;
	s24 =	sld [smem:$0x3FFE];
	[sflag:s23] =	ssyncadd.s32 $0xFFFFFFFF  }
0xa7: {  	s26 =	simm.s32 $execute0_lowered;
	[smem:$0x3FD2] =	sst s25  }
0xa8: {  	s7 =	sshll.u32 s26, $0x1;
	_ =	strace $0x80000046;
	[dreg:$0x1] =	wrdreg $0xFFFFFFFF  }
0xa9: {  	s28 =	simm.s32 $_size_execute0_lowered;
	s5 =	sadd.s32 s5, s7;
	[dreg:$0x0] =	wrdreg $0x0  }
0xaa: {  	s7 =	sshll.u32 s28, $0x1;
	[dreg:$0x2] =	wrdreg s5  }
0xab: {  	[dreg:$0x3] =	wrdreg s7  }
0xac: {  	[dreg:$0x4] =	wrdreg $0xC0  }
0xad: {  	_ =	task [dreg:s9], $0x5FFFF  }
0xae: {  	[dreg:$0x1] =	wrdreg $0xFFFFFFFF  }
0xaf: {  	[dreg:$0x0] =	wrdreg $0x60  }
0xb0: {  	[dreg:$0x2] =	wrdreg s24  }
0xb1: {  	[dreg:$0x3] =	wrdreg s2  }
0xb2: {  	[dreg:$0x4] =	wrdreg s18  }
0xb3: {  	[dreg:$0x5] =	wrdreg s4  }
0xb4: {  	[dreg:$0x6] =	wrdreg $0x9  }
0xb5: {  	_ =	task.clear_ibuf [dreg:s9], $0x7FFFF;
	_ =	strace $0x90000046  }
0xb6: {  	s29 =	simm.s32 $0x9;
	_ =	strace $0x80000048  }
0xb7: {  	_ =	swait.ge [sflag:s29], $0x1  }
0xb8: {  	[sflag:s29] =	ssyncadd.s32 $0xFFFFFFFF  }
0xb9: {  	_ =	strace $0x90000048  }
0xba: {  	_ =	sfence  }
0xbb: {  	s30 =	sld [smem:$0x0];
	_ =	sdelay $0x2  }
0xbc: {  	s31 =	sshll.u32 s1, $0xD;
	s1 =	sshrl.u32 s1, $0x2  }
0xbd: {  	s3 =	sand.u32 $0x4000, s31;
	s1 =	sadd.s32 s1, s30  }
0xbe: {  	s0 =	sor.u32 s3, s0;
	s1 =	sshll.u32 s1, $0x11  }
0xbf: {  	s0 =	sor.u32 s1, s0  }
0xc0: {  	s0 =	sadd.s32 $0x8F2B, s0  }
0xc1: {  	[sflag:s0] =	ssyncadd.remote.s32 $0x1  }
0xc2: {  	_ =	sfence.sel $0xFFFF  }
0xc3: {  	[dreg:$0x0] =	wrdreg $0xFFFFFFFF;
	(pc) =	sbr.abs _section_cstart, $3  }
0xc4: {  	[dreg:$0x1] =	wrdreg $0xFFFFFFFF  }
0xc5: {  	_ =	task.clear_ibuf [dreg:s9], $0x2FFFF;
	_ =	strace $0x9FFFFFFF  }
0xc6: {  	(tm) =	ssettm $0x7FFFFFFF  }
0xc7: {  	_ =	shalt  }
tec
execute0_lowered:
.L_overlay_start_1:
0x0: {  	(tag) =	ssettag $0x1  }
0x1: {  	s0 =	rddreg [dreg:$0x0]  }
0x2: {  	s1 =	rddreg [dreg:$0x1]  }
0x3: {  	s5 =	srdreg.scid;
	s6 =	stileid.u32  }
0x4: {  	s2 =	rddreg [dreg:$0x2];
	s5 =	sand.u32 $0x1, s5;
	s6 =	sshll.u32 s6, $0x1  }
0x5: {  	s4 =	rddreg [dreg:$0x3];
	s3 =	simm.s32 $0x0;
	s6 =	sor.u32 s5, s6  }
0x6: {  	[smem:$0x7FF] =	sst s3;
	s9 =	sshll.u32 s6, $0xD  }
0x7: {  	_ =	strace $0x80000047;
	s7 =	sshll.u32 s6, $0x8;
	s6 =	sadd.s32 s2, s9  }
0x8: {  	s0 =	sadd.s32 s7, s0;
	s11 =	sadd.s32 s4, s9;
	[dreg:$0x5] =	wrdreg s6  }
0x9: {  	s31 =	sor.u32 $0x800, s9;
	s0 =	sadd.s32 $0x400, s0;
	[dreg:$0x8] =	wrdreg s11  }
0xa: {  	s10 =	sadd.s32 s2, s31;
	[dreg:$0x6] =	wrdreg s0  }
0xb: {  	s13 =	sadd.s32 $0x40000, s11;
	[dreg:$0x7] =	wrdreg s10  }
0xc: {  	s14 =	sadd.s32 $0x80000, s11;
	[dreg:$0x9] =	wrdreg s13  }
0xd: {  	s15 =	sor.u32 $0x1000, s9;
	s12 =	sadd.s32 $0xC0000, s11;
	[dreg:$0xa] =	wrdreg s14  }
0xe: {  	s16 =	sadd.s32 s2, s15;
	[dreg:$0xb] =	wrdreg s12  }
0xf: {  	s28 =	simm.s32 $0xA;
	s17 =	sadd.s32 $0x40800, s11;
	[dreg:$0xc] =	wrdreg s16  }
0x10: {  	s29 =	simm.s32 $0x0;
	s18 =	sadd.s32 $0x80800, s11;
	[dreg:$0xe] =	wrdreg s17  }
0x11: {  	s19 =	sor.u32 $0x1800, s9;
	s20 =	sadd.s32 $0xC0800, s11;
	[dreg:$0xf] =	wrdreg s18  }
0x12: {  	s8 =	sadd.s32 $0x300, s1;
	s2 =	sadd.s32 s2, s19;
	[dreg:$0x10] =	wrdreg s20  }
0x13: {  	s5 =	ssub.s32 $0x2, s5;
	s21 =	sadd.s32 s4, s15;
	[dreg:$0x11] =	wrdreg s2  }
0x14: {  	s30 =	sshrl.u32 s5, $0x1;
	s22 =	sadd.s32 $0x41000, s11;
	[dreg:$0x12] =	wrdreg s21  }
0x15: {  	s5 =	ssub.s32 s5, s30;
	s23 =	sadd.s32 $0x81000, s11;
	[dreg:$0x13] =	wrdreg s22  }
0x16: {  	s7 =	sadd.s32 $0x200, s1;
	s24 =	sadd.s32 $0xC1000, s11;
	[dreg:$0x14] =	wrdreg s23  }
0x17: {  	s6 =	sadd.s32 $0x100, s1;
	s25 =	smax.u32 s5, $0x1;
	[dreg:$0x16] =	wrdreg s24  }
0x18: {  	s26 =	sadd.s32 $0x41800, s11;
	s30 =	sadd.s32 $0x81800, s11;
	[dreg:$0x17] =	wrdreg s25  }
0x19: {  	s15 =	simm.s32 $0x2;
	s0 =	sadd.s32 s4, s31;
	[dreg:$0x18] =	wrdreg s26  }
0x1a: {  	[dreg:$0x19] =	wrdreg s30;
	s31 =	sadd.s32 $0xC1800, s11;
	s12 =	simm.s32 $0xC000  }
0x1b: {  	s13 =	simm.s32 $0xC800;
	s21 =	simm.s32 $0x10800;
	s10 =	simm.s32 $0x14800  }
0x1c: {  	s20 =	simm.s32 $0xB;
	s22 =	simm.s32 $0x1;
	s23 =	simm.s32 $0x18800  }
0x1d: {  	s16 =	simm.s32 $0x6;
	s17 =	simm.s32 $0x3;
	s18 =	simm.s32 $0x7  }
0x1e: {  	v2 =	vlaneseq.u32;
	s24 =	simm.s32 $0x8;
	s25 =	simm.s32 $0x5;
	[dreg:$0xd] =	wrdreg s0  }
0x1f: {  	vm0 =	vmmov $0xffff;
	v1 =	vshrl.u32 v2, $0x3;
	s26 =	simm.s32 $0x9;
	s0 =	sadd.s32 s4, s19;
	[dreg:$0x1a] =	wrdreg s31  }
0x20: {  	v0 =	vand.u32 $0x7, v2;
	v2 =	vor.u32 $0x8, v2;
	v1 =	vmul.u32 $0x8, v1;
	s19 =	simm.s32 $0x4;
	[dreg:$0x15] =	wrdreg s0;
	s0 =	simm.s32 $0x8800  }
.LBB2_1:
0x21: {  	s2 =	rddreg [dreg:$0x5];
	s4 =	simm.s32 $0x800  }
0x22: {  	[tilespmem:s4], [sflag:$0xB] =	stream.linear.gather [hbm4b:s2+s3], $0x4000, $0x38;
	[tilespmem:$0x1C800] =	vst v63  }
0x23: {  	s9 =	rddreg [dreg:$0x6];
	s11 =	simm.s32 $0xC  }
0x24: {  	[tilespmem:s3], [sflag:$0xC] =	stream.linear.gather [hbm4b:s9+s3], $0x800, $0x38;
	[tilespmem:$0x1C800] =	vst v63  }
0x25: {  	_ =	swait.ge [sflag:s11], $0x800  }
0x26: {  	[sflag:s11] =	ssyncset.done $0x0  }
0x27: {  	[sflag:s11] =	ssyncadd.s32 $0xFFFFF800  }
0x28: {  	v3 =	vld [tilespmem:$0x0];
	_ =	sdelay $0x4  }
0x29: {  	v4 =	vshll.u32 v3, $0x3  }
0x2a: {  	v3 =	vand.u32 $0x7, v3;
	v4 =	vand.u32 $0xFFFFFFC0, v4  }
0x2b: {  	v3 =	vor.u32 v3, v4  }
0x2c: {  	v4 =	vperm.xlane v3, v0;
	_ =	sdelay $0x1  }
0x2d: {  	v4 =	vadd.s32 v1, v4;
	_ =	sdelay $0x4  }
0x2e: {  	[tilespmem:s0], [sflag:$0x1] =	stream.indirect_vreg.gather [hbm4b:s1+s3], $0x80, v4, vm0, $0xb8;
	[tilespmem:$0x1C800] =	vst v63  }
0x2f: {  	s14 =	simm.s32 $0x9000;
	v3 =	vperm.xlane v3, v2  }
0x30: {  	[tilespmem:s14], [sflag:$0x1] =	stream.indirect_vreg.gather [hbm4b:s6+s3], $0x80, v4, vm0, $0xb8;
	[tilespmem:$0x1C800] =	vst v63  }
0x31: {  	s30 =	simm.s32 $0x9800;
	v3 =	vadd.s32 v1, v3  }
0x32: {  	[tilespmem:s30], [sflag:$0x1] =	stream.indirect_vreg.gather [hbm4b:s7+s3], $0x80, v4, vm0, $0xb8;
	[tilespmem:$0x1C800] =	vst v63  }
0x33: {  	s4 =	simm.s32 $0xA000  }
0x34: {  	[tilespmem:s4], [sflag:$0x1] =	stream.indirect_vreg.gather [hbm4b:s8+s3], $0x80, v4, vm0, $0xb8;
	[tilespmem:$0x1C800] =	vst v63  }
0x35: {  	s5 =	simm.s32 $0xA800  }
0x36: {  	[tilespmem:s5], [sflag:$0x1] =	stream.indirect_vreg.gather [hbm4b:s1+s3], $0x80, v3, vm0, $0xb8;
	[tilespmem:$0x1C800] =	vst v63  }
0x37: {  	s9 =	simm.s32 $0xB000  }
0x38: {  	[tilespmem:s9], [sflag:$0x1] =	stream.indirect_vreg.gather [hbm4b:s6+s3], $0x80, v3, vm0, $0xb8;
	[tilespmem:$0x1C800] =	vst v63  }
0x39: {  	s11 =	simm.s32 $0xB800  }
0x3a: {  	[tilespmem:s11], [sflag:$0x1] =	stream.indirect_vreg.gather [hbm4b:s7+s3], $0x80, v3, vm0, $0xb8;
	[tilespmem:$0x1C800] =	vst v63  }
0x3b: {  	_ = 	snop  }
0x3c: {  	[tilespmem:s12], [sflag:$0x1] =	stream.indirect_vreg.gather [hbm4b:s8+s3], $0x80, v3, vm0, $0xb8;
	[tilespmem:$0x1C800] =	vst v63  }
0x3d: {  	v3 =	vld [tilespmem:$0x80];
	_ =	sdelay $0x4  }
0x3e: {  	v4 =	vshll.u32 v3, $0x3  }
0x3f: {  	v3 =	vand.u32 $0x7, v3;
	v4 =	vand.u32 $0xFFFFFFC0, v4  }
0x40: {  	v3 =	vor.u32 v3, v4  }
0x41: {  	v4 =	vperm.xlane v3, v0;
	_ =	sdelay $0x1  }
0x42: {  	v4 =	vadd.s32 v1, v4;
	_ =	sdelay $0x4  }
0x43: {  	[tilespmem:s13], [sflag:$0x2] =	stream.indirect_vreg.gather [hbm4b:s1+s3], $0x80, v4, vm0, $0xb8;
	[tilespmem:$0x1C800] =	vst v63  }
0x44: {  	s14 =	simm.s32 $0xD000;
	v3 =	vperm.xlane v3, v2  }
0x45: {  	[tilespmem:s14], [sflag:$0x2] =	stream.indirect_vreg.gather [hbm4b:s6+s3], $0x80, v4, vm0, $0xb8;
	[tilespmem:$0x1C800] =	vst v63  }
0x46: {  	s30 =	simm.s32 $0xD800;
	v3 =	vadd.s32 v1, v3  }
0x47: {  	[tilespmem:s30], [sflag:$0x2] =	stream.indirect_vreg.gather [hbm4b:s7+s3], $0x80, v4, vm0, $0xb8;
	[tilespmem:$0x1C800] =	vst v63  }
0x48: {  	s4 =	simm.s32 $0xE000  }
0x49: {  	[tilespmem:s4], [sflag:$0x2] =	stream.indirect_vreg.gather [hbm4b:s8+s3], $0x80, v4, vm0, $0xb8;
	[tilespmem:$0x1C800] =	vst v63  }
0x4a: {  	s5 =	simm.s32 $0xE800  }
0x4b: {  	[tilespmem:s5], [sflag:$0x2] =	stream.indirect_vreg.gather [hbm4b:s1+s3], $0x80, v3, vm0, $0xb8;
	[tilespmem:$0x1C800] =	vst v63  }
0x4c: {  	s9 =	simm.s32 $0xF000  }
0x4d: {  	[tilespmem:s9], [sflag:$0x2] =	stream.indirect_vreg.gather [hbm4b:s6+s3], $0x80, v3, vm0, $0xb8;
	[tilespmem:$0x1C800] =	vst v63  }
0x4e: {  	s11 =	simm.s32 $0xF800  }
0x4f: {  	[tilespmem:s11], [sflag:$0x2] =	stream.indirect_vreg.gather [hbm4b:s7+s3], $0x80, v3, vm0, $0xb8;
	[tilespmem:$0x1C800] =	vst v63  }
0x50: {  	s14 =	simm.s32 $0x10000  }
0x51: {  	[tilespmem:s14], [sflag:$0x2] =	stream.indirect_vreg.gather [hbm4b:s8+s3], $0x80, v3, vm0, $0xb8;
	[tilespmem:$0x1C800] =	vst v63  }
0x52: {  	v3 =	vld [tilespmem:$0x100];
	_ =	sdelay $0x4  }
0x53: {  	v4 =	vshll.u32 v3, $0x3  }
0x54: {  	v3 =	vand.u32 $0x7, v3;
	v4 =	vand.u32 $0xFFFFFFC0, v4  }
0x55: {  	v3 =	vor.u32 v3, v4  }
0x56: {  	v4 =	vperm.xlane v3, v0;
	_ =	sdelay $0x1  }
0x57: {  	v4 =	vadd.s32 v1, v4;
	_ =	sdelay $0x4  }
0x58: {  	[tilespmem:s21], [sflag:$0x3] =	stream.indirect_vreg.gather [hbm4b:s1+s3], $0x80, v4, vm0, $0xb8;
	[tilespmem:$0x1C800] =	vst v63  }
0x59: {  	s30 =	simm.s32 $0x11000;
	v3 =	vperm.xlane v3, v2  }
0x5a: {  	[tilespmem:s30], [sflag:$0x3] =	stream.indirect_vreg.gather [hbm4b:s6+s3], $0x80, v4, vm0, $0xb8;
	[tilespmem:$0x1C800] =	vst v63  }
0x5b: {  	s4 =	simm.s32 $0x11800;
	v3 =	vadd.s32 v1, v3  }
0x5c: {  	[tilespmem:s4], [sflag:$0x3] =	stream.indirect_vreg.gather [hbm4b:s7+s3], $0x80, v4, vm0, $0xb8;
	[tilespmem:$0x1C800] =	vst v63  }
0x5d: {  	s5 =	simm.s32 $0x12000  }
0x5e: {  	[tilespmem:s5], [sflag:$0x3] =	stream.indirect_vreg.gather [hbm4b:s8+s3], $0x80, v4, vm0, $0xb8;
	[tilespmem:$0x1C800] =	vst v63  }
0x5f: {  	s9 =	simm.s32 $0x12800  }
0x60: {  	[tilespmem:s9], [sflag:$0x3] =	stream.indirect_vreg.gather [hbm4b:s1+s3], $0x80, v3, vm0, $0xb8;
	[tilespmem:$0x1C800] =	vst v63  }
0x61: {  	s11 =	simm.s32 $0x13000  }
0x62: {  	[tilespmem:s11], [sflag:$0x3] =	stream.indirect_vreg.gather [hbm4b:s6+s3], $0x80, v3, vm0, $0xb8;
	[tilespmem:$0x1C800] =	vst v63  }
0x63: {  	s14 =	simm.s32 $0x13800  }
0x64: {  	[tilespmem:s14], [sflag:$0x3] =	stream.indirect_vreg.gather [hbm4b:s7+s3], $0x80, v3, vm0, $0xb8;
	[tilespmem:$0x1C800] =	vst v63  }
0x65: {  	s30 =	simm.s32 $0x14000  }
0x66: {  	[tilespmem:s30], [sflag:$0x3] =	stream.indirect_vreg.gather [hbm4b:s8+s3], $0x80, v3, vm0, $0xb8;
	[tilespmem:$0x1C800] =	vst v63  }
0x67: {  	v3 =	vld [tilespmem:$0x180];
	_ =	sdelay $0x4  }
0x68: {  	v4 =	vshll.u32 v3, $0x3  }
0x69: {  	v3 =	vand.u32 $0x7, v3;
	v4 =	vand.u32 $0xFFFFFFC0, v4  }
0x6a: {  	v3 =	vor.u32 v3, v4  }
0x6b: {  	v4 =	vperm.xlane v3, v0;
	_ =	sdelay $0x1  }
0x6c: {  	v4 =	vadd.s32 v1, v4;
	_ =	sdelay $0x4  }
0x6d: {  	[tilespmem:s10], [sflag:$0x4] =	stream.indirect_vreg.gather [hbm4b:s1+s3], $0x80, v4, vm0, $0xb8;
	[tilespmem:$0x1C800] =	vst v63  }
0x6e: {  	s4 =	simm.s32 $0x15000;
	v3 =	vperm.xlane v3, v2  }
0x6f: {  	[tilespmem:s4], [sflag:$0x4] =	stream.indirect_vreg.gather [hbm4b:s6+s3], $0x80, v4, vm0, $0xb8;
	[tilespmem:$0x1C800] =	vst v63  }
0x70: {  	s5 =	simm.s32 $0x15800;
	v3 =	vadd.s32 v1, v3  }
0x71: {  	[tilespmem:s5], [sflag:$0x4] =	stream.indirect_vreg.gather [hbm4b:s7+s3], $0x80, v4, vm0, $0xb8;
	[tilespmem:$0x1C800] =	vst v63  }
0x72: {  	s9 =	simm.s32 $0x16000  }
0x73: {  	[tilespmem:s9], [sflag:$0x4] =	stream.indirect_vreg.gather [hbm4b:s8+s3], $0x80, v4, vm0, $0xb8;
	[tilespmem:$0x1C800] =	vst v63  }
0x74: {  	s11 =	simm.s32 $0x16800  }
0x75: {  	[tilespmem:s11], [sflag:$0x4] =	stream.indirect_vreg.gather [hbm4b:s1+s3], $0x80, v3, vm0, $0xb8;
	[tilespmem:$0x1C800] =	vst v63  }
0x76: {  	s14 =	simm.s32 $0x17000  }
0x77: {  	[tilespmem:s14], [sflag:$0x4] =	stream.indirect_vreg.gather [hbm4b:s6+s3], $0x80, v3, vm0, $0xb8;
	[tilespmem:$0x1C800] =	vst v63  }
0x78: {  	s30 =	simm.s32 $0x17800  }
0x79: {  	[tilespmem:s30], [sflag:$0x4] =	stream.indirect_vreg.gather [hbm4b:s7+s3], $0x80, v3, vm0, $0xb8;
	[tilespmem:$0x1C800] =	vst v63  }
0x7a: {  	s4 =	simm.s32 $0x18000  }
0x7b: {  	[tilespmem:s4], [sflag:$0x4] =	stream.indirect_vreg.gather [hbm4b:s8+s3], $0x80, v3, vm0, $0xb8;
	[tilespmem:$0x1C800] =	vst v63  }
0x7c: {  	_ =	swait.ge [sflag:s20], $0x4000  }
0x7d: {  	[sflag:s20] =	ssyncset.done $0x0  }
0x7e: {  	s9 =	simm.s32 $0x4800;
	s5 =	rddreg [dreg:$0x7];
	[sflag:s20] =	ssyncadd.s32 $0xFFFFC000  }
0x7f: {  	[tilespmem:s9], [sflag:$0xB] =	stream.linear.gather [hbm4b:s5+s3], $0x4000, $0x38;
	[tilespmem:$0x1C800] =	vst v63  }
0x80: {  	s11 =	sand.u32 $0x2000, s3;
	s14 =	sand.u32 $0x1C00, s3;
	_ =	swait.ge [sflag:s22], $0x4000  }
0x81: {  	s2 =	sor.u32 s14, s11;
	s30 =	sand.u32 $0x380, s3;
	[sflag:s22] =	ssyncset.done $0x0  }
0x82: {  	s31 =	sor.u32 s30, s2;
	[sflag:s22] =	ssyncadd.s32 $0xFFFFC000  }
0x83: {  	v3 =	vld [tilespmem:s31+$0x870]  }
0x84: {  	v6 =	vld [tilespmem:s31+$0x800]  }
0x85: {  	v7 =	vld [tilespmem:s31+$0x810]  }
0x86: {  	v8 =	vld [tilespmem:s31+$0x820]  }
0x87: {  	v9 =	vld [tilespmem:s31+$0x830]  }
0x88: {  	v5 =	vld [tilespmem:s31+$0x840]  }
0x89: {  	v4 =	vld [tilespmem:s31+$0x860]  }
0x8a: {  	[tilespmem:s31+$0x8870] =	vst.add.f32.msk $0xffff, v3  }
0x8b: {  	v3 =	vld [tilespmem:s31+$0x850]  }
0x8c: {  	[tilespmem:s31+$0x8800] =	vst.add.f32.msk $0xffff, v6  }
0x8d: {  	[tilespmem:s31+$0x8810] =	vst.add.f32.msk $0xffff, v7  }
0x8e: {  	s14 =	simm.s32 $0x0;
	[tilespmem:s31+$0x8820] =	vst.add.f32.msk $0xffff, v8  }
0x8f: {  	s2 =	simm.s32 $0x10;
	s4 =	simm.s32 $0x400;
	s5 =	simm.s32 $0x80;
	[tilespmem:s31+$0x8830] =	vst.add.f32.msk $0xffff, v9  }
.LBB2_2:
0x90: {  	s30 =	sand.u32 $0x2000, s5;
	s9 =	sand.u32 $0x1C00, s4;
	s14 =	sadd.s32 $0x8, s14;
	[tilespmem:s31+$0x8840] =	vst.add.f32.msk $0xffff, v5  }
0x91: {  	s9 =	sor.u32 s9, s30;
	s30 =	sand.u32 $0x380, s2;
	p0 =	slt.u32 s14, $0x3F8;
	[tilespmem:s31+$0x8850] =	vst.add.f32.msk $0xffff, v3  }
0x92: {  	[tilespmem:s31+$0x8860] =	vst.add.f32.msk $0xffff, v4;
	s31 =	sor.u32 s30, s9  }
0x93: {  	v3 =	vld [tilespmem:s31+$0x870]  }
0x94: {  	v6 =	vld [tilespmem:s31+$0x800]  }
0x95: {  	v7 =	vld [tilespmem:s31+$0x810]  }
0x96: {  	v8 =	vld [tilespmem:s31+$0x820]  }
0x97: {  	v9 =	vld [tilespmem:s31+$0x830]  }
0x98: {  	[tilespmem:s31+$0x8870] =	vst.add.f32.msk $0xffff, v3  }
0x99: {  	v5 =	vld [tilespmem:s31+$0x840]  }
0x9a: {  	v3 =	vld [tilespmem:s31+$0x850]  }
.Ltmp0:
0x9b: {  	v4 =	vld [tilespmem:s31+$0x860];
	(pc) =	sbr.rel @p0 .LBB2_2-.Ltmp0, $4  }
0x9c: {  	[tilespmem:s31+$0x8800] =	vst.add.f32.msk $0xffff, v6  }
0x9d: {  	[tilespmem:s31+$0x8810] =	vst.add.f32.msk $0xffff, v7  }
0x9e: {  	[tilespmem:s31+$0x8820] =	vst.add.f32.msk $0xffff, v8  }
0x9f: {  	s4 =	sadd.s32 $0x400, s4;
	s5 =	sadd.s32 $0x80, s5;
	s2 =	sadd.s32 $0x10, s2;
	[tilespmem:s31+$0x8830] =	vst.add.f32.msk $0xffff, v9  }
0xa0: {  	[tilespmem:s31+$0x8840] =	vst.add.f32.msk $0xffff, v5  }
0xa1: {  	[tilespmem:s31+$0x8850] =	vst.add.f32.msk $0xffff, v3  }
0xa2: {  	[tilespmem:s31+$0x8860] =	vst.add.f32.msk $0xffff, v4  }
0xa3: {  	s2 =	simm.s32 $0x0;
	s4 =	rddreg [dreg:$0x8]  }
0xa4: {  	[hbm4b:s4+s2] =	stream.linear.scatter [tilespmem:s0], [sflag:$0x6], $0x4000, $0x38;
	[tilespmem:$0x1C800] =	vst v63  }
0xa5: {  	v3 =	vld [tilespmem:$0x200];
	_ =	sdelay $0x4  }
0xa6: {  	v4 =	vshll.u32 v3, $0x3  }
0xa7: {  	v3 =	vand.u32 $0x7, v3;
	v4 =	vand.u32 $0xFFFFFFC0, v4  }
0xa8: {  	v3 =	vor.u32 v3, v4  }
0xa9: {  	v4 =	vperm.xlane v3, v0;
	_ =	sdelay $0x1  }
0xaa: {  	v4 =	vadd.s32 v1, v4;
	_ =	sdelay $0x4  }
0xab: {  	[tilespmem:s23], [sflag:$0x5] =	stream.indirect_vreg.gather [hbm4b:s1+s2], $0x80, v4, vm0, $0xb8;
	[tilespmem:$0x1C800] =	vst v63  }
0xac: {  	s11 =	simm.s32 $0x19000;
	v3 =	vperm.xlane v3, v2  }
0xad: {  	[tilespmem:s11], [sflag:$0x5] =	stream.indirect_vreg.gather [hbm4b:s6+s2], $0x80, v4, vm0, $0xb8;
	[tilespmem:$0x1C800] =	vst v63  }
0xae: {  	s14 =	simm.s32 $0x19800;
	v3 =	vadd.s32 v1, v3  }
0xaf: {  	[tilespmem:s14], [sflag:$0x5] =	stream.indirect_vreg.gather [hbm4b:s7+s2], $0x80, v4, vm0, $0xb8;
	[tilespmem:$0x1C800] =	vst v63  }
0xb0: {  	s30 =	simm.s32 $0x1A000  }
0xb1: {  	[tilespmem:s30], [sflag:$0x5] =	stream.indirect_vreg.gather [hbm4b:s8+s2], $0x80, v4, vm0, $0xb8;
	[tilespmem:$0x1C800] =	vst v63  }
0xb2: {  	s5 =	simm.s32 $0x1A800  }
0xb3: {  	[tilespmem:s5], [sflag:$0x5] =	stream.indirect_vreg.gather [hbm4b:s1+s2], $0x80, v3, vm0, $0xb8;
	[tilespmem:$0x1C800] =	vst v63  }
0xb4: {  	s9 =	simm.s32 $0x1B000  }
0xb5: {  	[tilespmem:s9], [sflag:$0x5] =	stream.indirect_vreg.gather [hbm4b:s6+s2], $0x80, v3, vm0, $0xb8;
	[tilespmem:$0x1C800] =	vst v63  }
0xb6: {  	s11 =	simm.s32 $0x1B800  }
0xb7: {  	[tilespmem:s11], [sflag:$0x5] =	stream.indirect_vreg.gather [hbm4b:s7+s2], $0x80, v3, vm0, $0xb8;
	[tilespmem:$0x1C800] =	vst v63  }
0xb8: {  	s14 =	simm.s32 $0x1C000  }
0xb9: {  	[tilespmem:s14], [sflag:$0x5] =	stream.indirect_vreg.gather [hbm4b:s8+s2], $0x80, v3, vm0, $0xb8;
	[tilespmem:$0x1C800] =	vst v63  }
0xba: {  	s30 =	sand.u32 $0x2000, s2;
	s5 =	sand.u32 $0x1C00, s2;
	_ =	swait.ge [sflag:s15], $0x4000  }
0xbb: {  	s4 =	sor.u32 s5, s30;
	s2 =	sand.u32 $0x380, s2;
	[sflag:s15] =	ssyncset.done $0x0  }
0xbc: {  	s31 =	sor.u32 s2, s4;
	[sflag:s15] =	ssyncadd.s32 $0xFFFFC000  }
0xbd: {  	v3 =	vld [tilespmem:s31+$0x870]  }
0xbe: {  	v6 =	vld [tilespmem:s31+$0x800]  }
0xbf: {  	v7 =	vld [tilespmem:s31+$0x810]  }
0xc0: {  	v8 =	vld [tilespmem:s31+$0x820]  }
0xc1: {  	v9 =	vld [tilespmem:s31+$0x830]  }
0xc2: {  	v5 =	vld [tilespmem:s31+$0x840]  }
0xc3: {  	v4 =	vld [tilespmem:s31+$0x860]  }
0xc4: {  	[tilespmem:s31+$0xC870] =	vst.add.f32.msk $0xffff, v3  }
0xc5: {  	v3 =	vld [tilespmem:s31+$0x850]  }
0xc6: {  	[tilespmem:s31+$0xC800] =	vst.add.f32.msk $0xffff, v6  }
0xc7: {  	[tilespmem:s31+$0xC810] =	vst.add.f32.msk $0xffff, v7  }
0xc8: {  	s5 =	simm.s32 $0x80;
	[tilespmem:s31+$0xC820] =	vst.add.f32.msk $0xffff, v8  }
0xc9: {  	s14 =	simm.s32 $0x0;
	s2 =	simm.s32 $0x10;
	s4 =	simm.s32 $0x400;
	[tilespmem:s31+$0xC830] =	vst.add.f32.msk $0xffff, v9  }
.LBB2_4:
0xca: {  	s9 =	sand.u32 $0x2000, s5;
	s30 =	sand.u32 $0x1C00, s4;
	s14 =	sadd.s32 $0x8, s14;
	[tilespmem:s31+$0xC840] =	vst.add.f32.msk $0xffff, v5  }
0xcb: {  	s11 =	sand.u32 $0x380, s2;
	s9 =	sor.u32 s30, s9;
	p0 =	slt.u32 s14, $0x3F8;
	[tilespmem:s31+$0xC850] =	vst.add.f32.msk $0xffff, v3  }
0xcc: {  	[tilespmem:s31+$0xC860] =	vst.add.f32.msk $0xffff, v4;
	s31 =	sor.u32 s11, s9  }
0xcd: {  	v3 =	vld [tilespmem:s31+$0x870]  }
0xce: {  	v6 =	vld [tilespmem:s31+$0x800]  }
0xcf: {  	v7 =	vld [tilespmem:s31+$0x810]  }
0xd0: {  	v8 =	vld [tilespmem:s31+$0x820]  }
0xd1: {  	v9 =	vld [tilespmem:s31+$0x830]  }
0xd2: {  	[tilespmem:s31+$0xC870] =	vst.add.f32.msk $0xffff, v3  }
0xd3: {  	v5 =	vld [tilespmem:s31+$0x840]  }
0xd4: {  	v3 =	vld [tilespmem:s31+$0x850]  }
.Ltmp1:
0xd5: {  	v4 =	vld [tilespmem:s31+$0x860];
	(pc) =	sbr.rel @p0 .LBB2_4-.Ltmp1, $4  }
0xd6: {  	[tilespmem:s31+$0xC800] =	vst.add.f32.msk $0xffff, v6  }
0xd7: {  	[tilespmem:s31+$0xC810] =	vst.add.f32.msk $0xffff, v7  }
0xd8: {  	[tilespmem:s31+$0xC820] =	vst.add.f32.msk $0xffff, v8  }
0xd9: {  	s2 =	sadd.s32 $0x10, s2;
	s4 =	sadd.s32 $0x400, s4;
	s5 =	sadd.s32 $0x80, s5;
	[tilespmem:s31+$0xC830] =	vst.add.f32.msk $0xffff, v9  }
0xda: {  	[tilespmem:s31+$0xC840] =	vst.add.f32.msk $0xffff, v5  }
0xdb: {  	[tilespmem:s31+$0xC850] =	vst.add.f32.msk $0xffff, v3  }
0xdc: {  	[tilespmem:s31+$0xC860] =	vst.add.f32.msk $0xffff, v4  }
0xdd: {  	s2 =	simm.s32 $0x0;
	s4 =	rddreg [dreg:$0x9]  }
0xde: {  	[hbm4b:s4+s2] =	stream.linear.scatter [tilespmem:s13], [sflag:$0x7], $0x4000, $0x38;
	[tilespmem:$0x1C800] =	vst v63  }
0xdf: {  	_ =	swait.ge [sflag:s16], $0x4000  }
0xe0: {  	[sflag:s16] =	ssyncset.done $0x0  }
0xe1: {  	[sflag:s16] =	ssyncadd.s32 $0xFFFFC000  }
0xe2: {  	v3 =	vld [tilespmem:$0x280];
	_ =	sdelay $0x4  }
0xe3: {  	v4 =	vshll.u32 v3, $0x3  }
0xe4: {  	v3 =	vand.u32 $0x7, v3;
	v4 =	vand.u32 $0xFFFFFFC0, v4  }
0xe5: {  	v3 =	vor.u32 v3, v4  }
0xe6: {  	v4 =	vperm.xlane v3, v0;
	_ =	sdelay $0x1  }
0xe7: {  	v4 =	vadd.s32 v1, v4;
	_ =	sdelay $0x4  }
0xe8: {  	[tilespmem:s0], [sflag:$0x1] =	stream.indirect_vreg.gather [hbm4b:s1+s2], $0x80, v4, vm0, $0xb8;
	[tilespmem:$0x1C800] =	vst v63  }
0xe9: {  	s14 =	simm.s32 $0x9000;
	v3 =	vperm.xlane v3, v2  }
0xea: {  	[tilespmem:s14], [sflag:$0x1] =	stream.indirect_vreg.gather [hbm4b:s6+s2], $0x80, v4, vm0, $0xb8;
	[tilespmem:$0x1C800] =	vst v63  }
0xeb: {  	s30 =	simm.s32 $0x9800;
	v3 =	vadd.s32 v1, v3  }
0xec: {  	[tilespmem:s30], [sflag:$0x1] =	stream.indirect_vreg.gather [hbm4b:s7+s2], $0x80, v4, vm0, $0xb8;
	[tilespmem:$0x1C800] =	vst v63  }
0xed: {  	s5 =	simm.s32 $0xA000  }
0xee: {  	[tilespmem:s5], [sflag:$0x1] =	stream.indirect_vreg.gather [hbm4b:s8+s2], $0x80, v4, vm0, $0xb8;
	[tilespmem:$0x1C800] =	vst v63  }
0xef: {  	s9 =	simm.s32 $0xA800  }
0xf0: {  	[tilespmem:s9], [sflag:$0x1] =	stream.indirect_vreg.gather [hbm4b:s1+s2], $0x80, v3, vm0, $0xb8;
	[tilespmem:$0x1C800] =	vst v63  }
0xf1: {  	s11 =	simm.s32 $0xB000  }
0xf2: {  	[tilespmem:s11], [sflag:$0x1] =	stream.indirect_vreg.gather [hbm4b:s6+s2], $0x80, v3, vm0, $0xb8;
	[tilespmem:$0x1C800] =	vst v63  }
0xf3: {  	s14 =	simm.s32 $0xB800  }
0xf4: {  	[tilespmem:s14], [sflag:$0x1] =	stream.indirect_vreg.gather [hbm4b:s7+s2], $0x80, v3, vm0, $0xb8;
	[tilespmem:$0x1C800] =	vst v63  }
0xf5: {  	_ = 	snop  }
0xf6: {  	[tilespmem:s12], [sflag:$0x1] =	stream.indirect_vreg.gather [hbm4b:s8+s2], $0x80, v3, vm0, $0xb8;
	[tilespmem:$0x1C800] =	vst v63  }
0xf7: {  	s30 =	sand.u32 $0x2000, s2;
	s5 =	sand.u32 $0x1C00, s2;
	_ =	swait.ge [sflag:s17], $0x4000  }
0xf8: {  	s4 =	sor.u32 s5, s30;
	s2 =	sand.u32 $0x380, s2;
	[sflag:s17] =	ssyncset.done $0x0  }
0xf9: {  	s2 =	sor.u32 s2, s4;
	[sflag:s17] =	ssyncadd.s32 $0xFFFFC000  }
0xfa: {  	v3 =	vld [tilespmem:s2+$0x870]  }
0xfb: {  	v6 =	vld [tilespmem:s2+$0x800]  }
0xfc: {  	v7 =	vld [tilespmem:s2+$0x810]  }
0xfd: {  	v8 =	vld [tilespmem:s2+$0x820]  }
0xfe: {  	v9 =	vld [tilespmem:s2+$0x830]  }
0xff: {  	v5 =	vld [tilespmem:s2+$0x840]  }
0x100: {  	s31 =	sadd.s32 $0x8800, s2;
	v4 =	vld [tilespmem:s2+$0x850]  }
0x101: {  	[tilespmem:s31+$0x8070] =	vst.add.f32.msk $0xffff, v3  }
0x102: {  	v3 =	vld [tilespmem:s2+$0x860]  }
0x103: {  	[tilespmem:s2+$0x10800] =	vst.add.f32.msk $0xffff, v6  }
0x104: {  	[tilespmem:s31+$0x8010] =	vst.add.f32.msk $0xffff, v7  }
0x105: {  	s5 =	simm.s32 $0x80;
	[tilespmem:s31+$0x8020] =	vst.add.f32.msk $0xffff, v8  }
0x106: {  	s14 =	simm.s32 $0x0;
	s4 =	simm.s32 $0x400;
	[tilespmem:s31+$0x8030] =	vst.add.f32.msk $0xffff, v9;
	s2 =	simm.s32 $0x10  }
.LBB2_6:
0x107: {  	s9 =	sand.u32 $0x2000, s5;
	s11 =	sand.u32 $0x1C00, s4;
	s14 =	sadd.s32 $0x8, s14;
	[tilespmem:s31+$0x8040] =	vst.add.f32.msk $0xffff, v5  }
0x108: {  	s30 =	sand.u32 $0x380, s2;
	s9 =	sor.u32 s11, s9;
	p0 =	slt.u32 s14, $0x3F8;
	[tilespmem:s31+$0x8050] =	vst.add.f32.msk $0xffff, v4  }
0x109: {  	s9 =	sor.u32 s30, s9;
	[tilespmem:s31+$0x8060] =	vst.add.f32.msk $0xffff, v3  }
0x10a: {  	v3 =	vld [tilespmem:s9+$0x870]  }
0x10b: {  	v6 =	vld [tilespmem:s9+$0x800]  }
0x10c: {  	v7 =	vld [tilespmem:s9+$0x810]  }
0x10d: {  	v8 =	vld [tilespmem:s9+$0x820]  }
0x10e: {  	s31 =	sadd.s32 $0x8800, s9;
	v9 =	vld [tilespmem:s9+$0x830]  }
0x10f: {  	[tilespmem:s31+$0x8070] =	vst.add.f32.msk $0xffff, v3  }
0x110: {  	v5 =	vld [tilespmem:s9+$0x840]  }
0x111: {  	v4 =	vld [tilespmem:s9+$0x850]  }
.Ltmp2:
0x112: {  	v3 =	vld [tilespmem:s9+$0x860];
	(pc) =	sbr.rel @p0 .LBB2_6-.Ltmp2, $4  }
0x113: {  	[tilespmem:s9+$0x10800] =	vst.add.f32.msk $0xffff, v6  }
0x114: {  	[tilespmem:s31+$0x8010] =	vst.add.f32.msk $0xffff, v7  }
0x115: {  	[tilespmem:s31+$0x8020] =	vst.add.f32.msk $0xffff, v8  }
0x116: {  	s2 =	sadd.s32 $0x10, s2;
	s4 =	sadd.s32 $0x400, s4;
	s5 =	sadd.s32 $0x80, s5;
	[tilespmem:s31+$0x8030] =	vst.add.f32.msk $0xffff, v9  }
0x117: {  	[tilespmem:s31+$0x8040] =	vst.add.f32.msk $0xffff, v5  }
0x118: {  	[tilespmem:s31+$0x8050] =	vst.add.f32.msk $0xffff, v4  }
0x119: {  	[tilespmem:s31+$0x8060] =	vst.add.f32.msk $0xffff, v3  }
0x11a: {  	s2 =	simm.s32 $0x0;
	s4 =	rddreg [dreg:$0xa]  }
0x11b: {  	[hbm4b:s4+s2] =	stream.linear.scatter [tilespmem:s21], [sflag:$0x8], $0x4000, $0x38;
	[tilespmem:$0x1C800] =	vst v63  }
0x11c: {  	_ =	swait.ge [sflag:s18], $0x4000  }
0x11d: {  	[sflag:s18] =	ssyncset.done $0x0  }
0x11e: {  	[sflag:s18] =	ssyncadd.s32 $0xFFFFC000  }
0x11f: {  	v3 =	vld [tilespmem:$0x300];
	_ =	sdelay $0x4  }
0x120: {  	v4 =	vshll.u32 v3, $0x3  }
0x121: {  	v3 =	vand.u32 $0x7, v3;
	v4 =	vand.u32 $0xFFFFFFC0, v4  }
0x122: {  	v3 =	vor.u32 v3, v4  }
0x123: {  	v4 =	vperm.xlane v3, v0;
	_ =	sdelay $0x1  }
0x124: {  	v4 =	vadd.s32 v1, v4;
	_ =	sdelay $0x4  }
0x125: {  	[tilespmem:s13], [sflag:$0x2] =	stream.indirect_vreg.gather [hbm4b:s1+s2], $0x80, v4, vm0, $0xb8;
	[tilespmem:$0x1C800] =	vst v63  }
0x126: {  	s11 =	simm.s32 $0xD000;
	v3 =	vperm.xlane v3, v2  }
0x127: {  	[tilespmem:s11], [sflag:$0x2] =	stream.indirect_vreg.gather [hbm4b:s6+s2], $0x80, v4, vm0, $0xb8;
	[tilespmem:$0x1C800] =	vst v63  }
0x128: {  	s14 =	simm.s32 $0xD800;
	v3 =	vadd.s32 v1, v3  }
0x129: {  	[tilespmem:s14], [sflag:$0x2] =	stream.indirect_vreg.gather [hbm4b:s7+s2], $0x80, v4, vm0, $0xb8;
	[tilespmem:$0x1C800] =	vst v63  }
0x12a: {  	s30 =	simm.s32 $0xE000  }
0x12b: {  	[tilespmem:s30], [sflag:$0x2] =	stream.indirect_vreg.gather [hbm4b:s8+s2], $0x80, v4, vm0, $0xb8;
	[tilespmem:$0x1C800] =	vst v63  }
0x12c: {  	s5 =	simm.s32 $0xE800  }
0x12d: {  	[tilespmem:s5], [sflag:$0x2] =	stream.indirect_vreg.gather [hbm4b:s1+s2], $0x80, v3, vm0, $0xb8;
	[tilespmem:$0x1C800] =	vst v63  }
0x12e: {  	s9 =	simm.s32 $0xF000  }
0x12f: {  	[tilespmem:s9], [sflag:$0x2] =	stream.indirect_vreg.gather [hbm4b:s6+s2], $0x80, v3, vm0, $0xb8;
	[tilespmem:$0x1C800] =	vst v63  }
0x130: {  	s11 =	simm.s32 $0xF800  }
0x131: {  	[tilespmem:s11], [sflag:$0x2] =	stream.indirect_vreg.gather [hbm4b:s7+s2], $0x80, v3, vm0, $0xb8;
	[tilespmem:$0x1C800] =	vst v63  }
0x132: {  	s14 =	simm.s32 $0x10000  }
0x133: {  	[tilespmem:s14], [sflag:$0x2] =	stream.indirect_vreg.gather [hbm4b:s8+s2], $0x80, v3, vm0, $0xb8;
	[tilespmem:$0x1C800] =	vst v63  }
0x134: {  	s30 =	sand.u32 $0x2000, s2;
	s5 =	sand.u32 $0x1C00, s2;
	_ =	swait.ge [sflag:s19], $0x4000  }
0x135: {  	s4 =	sor.u32 s5, s30;
	s2 =	sand.u32 $0x380, s2;
	[sflag:s19] =	ssyncset.done $0x0  }
0x136: {  	s2 =	sor.u32 s2, s4;
	[sflag:s19] =	ssyncadd.s32 $0xFFFFC000  }
0x137: {  	v3 =	vld [tilespmem:s2+$0x870]  }
0x138: {  	v6 =	vld [tilespmem:s2+$0x800]  }
0x139: {  	v7 =	vld [tilespmem:s2+$0x810]  }
0x13a: {  	v8 =	vld [tilespmem:s2+$0x820]  }
0x13b: {  	v9 =	vld [tilespmem:s2+$0x830]  }
0x13c: {  	v5 =	vld [tilespmem:s2+$0x840]  }
0x13d: {  	s31 =	sadd.s32 $0x8800, s2;
	v4 =	vld [tilespmem:s2+$0x850]  }
0x13e: {  	[tilespmem:s31+$0xC070] =	vst.add.f32.msk $0xffff, v3  }
0x13f: {  	v3 =	vld [tilespmem:s2+$0x860]  }
0x140: {  	[tilespmem:s2+$0x14800] =	vst.add.f32.msk $0xffff, v6  }
0x141: {  	[tilespmem:s31+$0xC010] =	vst.add.f32.msk $0xffff, v7  }
0x142: {  	s5 =	simm.s32 $0x80;
	[tilespmem:s31+$0xC020] =	vst.add.f32.msk $0xffff, v8  }
0x143: {  	s14 =	simm.s32 $0x0;
	s4 =	simm.s32 $0x400;
	[tilespmem:s31+$0xC030] =	vst.add.f32.msk $0xffff, v9;
	s2 =	simm.s32 $0x10  }
.LBB2_8:
0x144: {  	s9 =	sand.u32 $0x2000, s5;
	s11 =	sand.u32 $0x1C00, s4;
	s14 =	sadd.s32 $0x8, s14;
	[tilespmem:s31+$0xC040] =	vst.add.f32.msk $0xffff, v5  }
0x145: {  	s30 =	sand.u32 $0x380, s2;
	s9 =	sor.u32 s11, s9;
	p0 =	slt.u32 s14, $0x3F8;
	[tilespmem:s31+$0xC050] =	vst.add.f32.msk $0xffff, v4  }
0x146: {  	s9 =	sor.u32 s30, s9;
	[tilespmem:s31+$0xC060] =	vst.add.f32.msk $0xffff, v3  }
0x147: {  	v3 =	vld [tilespmem:s9+$0x870]  }
0x148: {  	v6 =	vld [tilespmem:s9+$0x800]  }
0x149: {  	v7 =	vld [tilespmem:s9+$0x810]  }
0x14a: {  	v8 =	vld [tilespmem:s9+$0x820]  }
0x14b: {  	s31 =	sadd.s32 $0x8800, s9;
	v9 =	vld [tilespmem:s9+$0x830]  }
0x14c: {  	[tilespmem:s31+$0xC070] =	vst.add.f32.msk $0xffff, v3  }
0x14d: {  	v5 =	vld [tilespmem:s9+$0x840]  }
0x14e: {  	v4 =	vld [tilespmem:s9+$0x850]  }
.Ltmp3:
0x14f: {  	v3 =	vld [tilespmem:s9+$0x860];
	(pc) =	sbr.rel @p0 .LBB2_8-.Ltmp3, $4  }
0x150: {  	[tilespmem:s9+$0x14800] =	vst.add.f32.msk $0xffff, v6  }
0x151: {  	[tilespmem:s31+$0xC010] =	vst.add.f32.msk $0xffff, v7  }
0x152: {  	[tilespmem:s31+$0xC020] =	vst.add.f32.msk $0xffff, v8  }
0x153: {  	s2 =	sadd.s32 $0x10, s2;
	s4 =	sadd.s32 $0x400, s4;
	s5 =	sadd.s32 $0x80, s5;
	[tilespmem:s31+$0xC030] =	vst.add.f32.msk $0xffff, v9  }
0x154: {  	[tilespmem:s31+$0xC040] =	vst.add.f32.msk $0xffff, v5  }
0x155: {  	[tilespmem:s31+$0xC050] =	vst.add.f32.msk $0xffff, v4  }
0x156: {  	[tilespmem:s31+$0xC060] =	vst.add.f32.msk $0xffff, v3  }
0x157: {  	s2 =	simm.s32 $0x0;
	s4 =	rddreg [dreg:$0xb]  }
0x158: {  	[hbm4b:s4+s2] =	stream.linear.scatter [tilespmem:s10], [sflag:$0x9], $0x4000, $0x38;
	[tilespmem:$0x1C800] =	vst v63  }
0x159: {  	_ =	swait.ge [sflag:s24], $0x4000  }
0x15a: {  	[sflag:s24] =	ssyncset.done $0x0  }
0x15b: {  	[sflag:s24] =	ssyncadd.s32 $0xFFFFC000  }
0x15c: {  	v3 =	vld [tilespmem:$0x380];
	_ =	sdelay $0x4  }
0x15d: {  	v4 =	vshll.u32 v3, $0x3  }
0x15e: {  	v3 =	vand.u32 $0x7, v3;
	v4 =	vand.u32 $0xFFFFFFC0, v4  }
0x15f: {  	v3 =	vor.u32 v3, v4  }
0x160: {  	v4 =	vperm.xlane v3, v0;
	_ =	sdelay $0x1  }
0x161: {  	v4 =	vadd.s32 v1, v4;
	_ =	sdelay $0x4  }
0x162: {  	[tilespmem:s21], [sflag:$0x3] =	stream.indirect_vreg.gather [hbm4b:s1+s2], $0x80, v4, vm0, $0xb8;
	[tilespmem:$0x1C800] =	vst v63  }
0x163: {  	s5 =	simm.s32 $0x11000;
	v3 =	vperm.xlane v3, v2  }
0x164: {  	[tilespmem:s5], [sflag:$0x3] =	stream.indirect_vreg.gather [hbm4b:s6+s2], $0x80, v4, vm0, $0xb8;
	[tilespmem:$0x1C800] =	vst v63  }
0x165: {  	s9 =	simm.s32 $0x11800;
	v3 =	vadd.s32 v1, v3  }
0x166: {  	[tilespmem:s9], [sflag:$0x3] =	stream.indirect_vreg.gather [hbm4b:s7+s2], $0x80, v4, vm0, $0xb8;
	[tilespmem:$0x1C800] =	vst v63  }
0x167: {  	s11 =	simm.s32 $0x12000  }
0x168: {  	[tilespmem:s11], [sflag:$0x3] =	stream.indirect_vreg.gather [hbm4b:s8+s2], $0x80, v4, vm0, $0xb8;
	[tilespmem:$0x1C800] =	vst v63  }
0x169: {  	s14 =	simm.s32 $0x12800  }
0x16a: {  	[tilespmem:s14], [sflag:$0x3] =	stream.indirect_vreg.gather [hbm4b:s1+s2], $0x80, v3, vm0, $0xb8;
	[tilespmem:$0x1C800] =	vst v63  }
0x16b: {  	s30 =	simm.s32 $0x13000  }
0x16c: {  	[tilespmem:s30], [sflag:$0x3] =	stream.indirect_vreg.gather [hbm4b:s6+s2], $0x80, v3, vm0, $0xb8;
	[tilespmem:$0x1C800] =	vst v63  }
0x16d: {  	s5 =	simm.s32 $0x13800  }
0x16e: {  	[tilespmem:s5], [sflag:$0x3] =	stream.indirect_vreg.gather [hbm4b:s7+s2], $0x80, v3, vm0, $0xb8;
	[tilespmem:$0x1C800] =	vst v63  }
0x16f: {  	s9 =	simm.s32 $0x14000  }
0x170: {  	[tilespmem:s9], [sflag:$0x3] =	stream.indirect_vreg.gather [hbm4b:s8+s2], $0x80, v3, vm0, $0xb8;
	[tilespmem:$0x1C800] =	vst v63  }
0x171: {  	_ =	swait.ge [sflag:s20], $0x4000  }
0x172: {  	[sflag:s20] =	ssyncset.done $0x0  }
0x173: {  	s5 =	simm.s32 $0x800;
	s11 =	rddreg [dreg:$0xc];
	[sflag:s20] =	ssyncadd.s32 $0xFFFFC000  }
0x174: {  	[tilespmem:s5], [sflag:$0xB] =	stream.linear.gather [hbm4b:s11+s2], $0x4000, $0x38;
	[tilespmem:$0x1C800] =	vst v63  }
0x175: {  	s14 =	sand.u32 $0x2000, s2;
	s30 =	sand.u32 $0x1C00, s2;
	_ =	swait.ge [sflag:s25], $0x4000  }
0x176: {  	s4 =	sor.u32 s30, s14;
	s2 =	sand.u32 $0x380, s2;
	[sflag:s25] =	ssyncset.done $0x0  }
0x177: {  	s31 =	sor.u32 s2, s4;
	[sflag:s25] =	ssyncadd.s32 $0xFFFFC000  }
0x178: {  	v3 =	vld [tilespmem:s31+$0x4870]  }
0x179: {  	v6 =	vld [tilespmem:s31+$0x4800]  }
0x17a: {  	v7 =	vld [tilespmem:s31+$0x4810]  }
0x17b: {  	v8 =	vld [tilespmem:s31+$0x4820]  }
0x17c: {  	v9 =	vld [tilespmem:s31+$0x4830]  }
0x17d: {  	v5 =	vld [tilespmem:s31+$0x4840]  }
0x17e: {  	v4 =	vld [tilespmem:s31+$0x4860]  }
0x17f: {  	[tilespmem:s31+$0x18870] =	vst.add.f32.msk $0xffff, v3  }
0x180: {  	v3 =	vld [tilespmem:s31+$0x4850]  }
0x181: {  	[tilespmem:s31+$0x18800] =	vst.add.f32.msk $0xffff, v6  }
0x182: {  	[tilespmem:s31+$0x18810] =	vst.add.f32.msk $0xffff, v7  }
0x183: {  	s14 =	simm.s32 $0x0;
	[tilespmem:s31+$0x18820] =	vst.add.f32.msk $0xffff, v8  }
0x184: {  	s5 =	simm.s32 $0x80;
	s2 =	simm.s32 $0x10;
	s4 =	simm.s32 $0x400;
	[tilespmem:s31+$0x18830] =	vst.add.f32.msk $0xffff, v9  }
.LBB2_10:
0x185: {  	s9 =	sand.u32 $0x2000, s5;
	s11 =	sand.u32 $0x1C00, s4;
	s14 =	sadd.s32 $0x8, s14;
	[tilespmem:s31+$0x18840] =	vst.add.f32.msk $0xffff, v5  }
0x186: {  	s30 =	sand.u32 $0x380, s2;
	s9 =	sor.u32 s11, s9;
	p0 =	slt.u32 s14, $0x3F8;
	[tilespmem:s31+$0x18850] =	vst.add.f32.msk $0xffff, v3  }
0x187: {  	[tilespmem:s31+$0x18860] =	vst.add.f32.msk $0xffff, v4;
	s31 =	sor.u32 s30, s9  }
0x188: {  	v3 =	vld [tilespmem:s31+$0x4870]  }
0x189: {  	v6 =	vld [tilespmem:s31+$0x4800]  }
0x18a: {  	v7 =	vld [tilespmem:s31+$0x4810]  }
0x18b: {  	v8 =	vld [tilespmem:s31+$0x4820]  }
0x18c: {  	v9 =	vld [tilespmem:s31+$0x4830]  }
0x18d: {  	[tilespmem:s31+$0x18870] =	vst.add.f32.msk $0xffff, v3  }
0x18e: {  	v5 =	vld [tilespmem:s31+$0x4840]  }
0x18f: {  	v3 =	vld [tilespmem:s31+$0x4850]  }
.Ltmp4:
0x190: {  	v4 =	vld [tilespmem:s31+$0x4860];
	(pc) =	sbr.rel @p0 .LBB2_10-.Ltmp4, $4  }
0x191: {  	[tilespmem:s31+$0x18800] =	vst.add.f32.msk $0xffff, v6  }
0x192: {  	[tilespmem:s31+$0x18810] =	vst.add.f32.msk $0xffff, v7  }
0x193: {  	[tilespmem:s31+$0x18820] =	vst.add.f32.msk $0xffff, v8  }
0x194: {  	s2 =	sadd.s32 $0x10, s2;
	s4 =	sadd.s32 $0x400, s4;
	s5 =	sadd.s32 $0x80, s5;
	[tilespmem:s31+$0x18830] =	vst.add.f32.msk $0xffff, v9  }
0x195: {  	[tilespmem:s31+$0x18840] =	vst.add.f32.msk $0xffff, v5  }
0x196: {  	[tilespmem:s31+$0x18850] =	vst.add.f32.msk $0xffff, v3  }
0x197: {  	[tilespmem:s31+$0x18860] =	vst.add.f32.msk $0xffff, v4  }
0x198: {  	s2 =	simm.s32 $0x0;
	s4 =	rddreg [dreg:$0xd]  }
0x199: {  	[hbm4b:s4+s2] =	stream.linear.scatter [tilespmem:s23], [sflag:$0xA], $0x4000, $0x38;
	[tilespmem:$0x1C800] =	vst v63  }
0x19a: {  	_ =	swait.ge [sflag:s26], $0x4000  }
0x19b: {  	[sflag:s26] =	ssyncset.done $0x0  }
0x19c: {  	[sflag:s26] =	ssyncadd.s32 $0xFFFFC000  }
0x19d: {  	v3 =	vld [tilespmem:$0x400];
	_ =	sdelay $0x4  }
0x19e: {  	v4 =	vshll.u32 v3, $0x3  }
0x19f: {  	v3 =	vand.u32 $0x7, v3;
	v4 =	vand.u32 $0xFFFFFFC0, v4  }
0x1a0: {  	v3 =	vor.u32 v3, v4  }
0x1a1: {  	v4 =	vperm.xlane v3, v0;
	_ =	sdelay $0x1  }
0x1a2: {  	v4 =	vadd.s32 v1, v4;
	_ =	sdelay $0x4  }
0x1a3: {  	[tilespmem:s10], [sflag:$0x4] =	stream.indirect_vreg.gather [hbm4b:s1+s2], $0x80, v4, vm0, $0xb8;
	[tilespmem:$0x1C800] =	vst v63  }
0x1a4: {  	s11 =	simm.s32 $0x15000;
	v3 =	vperm.xlane v3, v2  }
0x1a5: {  	[tilespmem:s11], [sflag:$0x4] =	stream.indirect_vreg.gather [hbm4b:s6+s2], $0x80, v4, vm0, $0xb8;
	[tilespmem:$0x1C800] =	vst v63  }
0x1a6: {  	s14 =	simm.s32 $0x15800;
	v3 =	vadd.s32 v1, v3  }
0x1a7: {  	[tilespmem:s14], [sflag:$0x4] =	stream.indirect_vreg.gather [hbm4b:s7+s2], $0x80, v4, vm0, $0xb8;
	[tilespmem:$0x1C800] =	vst v63  }
0x1a8: {  	s30 =	simm.s32 $0x16000  }
0x1a9: {  	[tilespmem:s30], [sflag:$0x4] =	stream.indirect_vreg.gather [hbm4b:s8+s2], $0x80, v4, vm0, $0xb8;
	[tilespmem:$0x1C800] =	vst v63  }
0x1aa: {  	s5 =	simm.s32 $0x16800  }
0x1ab: {  	[tilespmem:s5], [sflag:$0x4] =	stream.indirect_vreg.gather [hbm4b:s1+s2], $0x80, v3, vm0, $0xb8;
	[tilespmem:$0x1C800] =	vst v63  }
0x1ac: {  	s9 =	simm.s32 $0x17000  }
0x1ad: {  	[tilespmem:s9], [sflag:$0x4] =	stream.indirect_vreg.gather [hbm4b:s6+s2], $0x80, v3, vm0, $0xb8;
	[tilespmem:$0x1C800] =	vst v63  }
0x1ae: {  	s11 =	simm.s32 $0x17800  }
0x1af: {  	[tilespmem:s11], [sflag:$0x4] =	stream.indirect_vreg.gather [hbm4b:s7+s2], $0x80, v3, vm0, $0xb8;
	[tilespmem:$0x1C800] =	vst v63  }
0x1b0: {  	s14 =	simm.s32 $0x18000  }
0x1b1: {  	[tilespmem:s14], [sflag:$0x4] =	stream.indirect_vreg.gather [hbm4b:s8+s2], $0x80, v3, vm0, $0xb8;
	[tilespmem:$0x1C800] =	vst v63  }
0x1b2: {  	s30 =	sand.u32 $0x2000, s2;
	s5 =	sand.u32 $0x1C00, s2;
	_ =	swait.ge [sflag:s22], $0x4000  }
0x1b3: {  	s4 =	sor.u32 s5, s30;
	s2 =	sand.u32 $0x380, s2;
	[sflag:s22] =	ssyncset.done $0x0  }
0x1b4: {  	s31 =	sor.u32 s2, s4;
	[sflag:s22] =	ssyncadd.s32 $0xFFFFC000  }
0x1b5: {  	v3 =	vld [tilespmem:s31+$0x4870]  }
0x1b6: {  	v6 =	vld [tilespmem:s31+$0x4800]  }
0x1b7: {  	v7 =	vld [tilespmem:s31+$0x4810]  }
0x1b8: {  	v8 =	vld [tilespmem:s31+$0x4820]  }
0x1b9: {  	v9 =	vld [tilespmem:s31+$0x4830]  }
0x1ba: {  	v5 =	vld [tilespmem:s31+$0x4840]  }
0x1bb: {  	v4 =	vld [tilespmem:s31+$0x4860]  }
0x1bc: {  	[tilespmem:s31+$0x8870] =	vst.add.f32.msk $0xffff, v3  }
0x1bd: {  	v3 =	vld [tilespmem:s31+$0x4850]  }
0x1be: {  	[tilespmem:s31+$0x8800] =	vst.add.f32.msk $0xffff, v6  }
0x1bf: {  	[tilespmem:s31+$0x8810] =	vst.add.f32.msk $0xffff, v7  }
0x1c0: {  	s5 =	simm.s32 $0x80;
	[tilespmem:s31+$0x8820] =	vst.add.f32.msk $0xffff, v8  }
0x1c1: {  	s14 =	simm.s32 $0x0;
	s2 =	simm.s32 $0x10;
	s4 =	simm.s32 $0x400;
	[tilespmem:s31+$0x8830] =	vst.add.f32.msk $0xffff, v9  }
.LBB2_12:
0x1c2: {  	s9 =	sand.u32 $0x2000, s5;
	s11 =	sand.u32 $0x1C00, s4;
	s14 =	sadd.s32 $0x8, s14;
	[tilespmem:s31+$0x8840] =	vst.add.f32.msk $0xffff, v5  }
0x1c3: {  	s30 =	sand.u32 $0x380, s2;
	s9 =	sor.u32 s11, s9;
	p0 =	slt.u32 s14, $0x3F8;
	[tilespmem:s31+$0x8850] =	vst.add.f32.msk $0xffff, v3  }
0x1c4: {  	[tilespmem:s31+$0x8860] =	vst.add.f32.msk $0xffff, v4;
	s31 =	sor.u32 s30, s9  }
0x1c5: {  	v3 =	vld [tilespmem:s31+$0x4870]  }
0x1c6: {  	v6 =	vld [tilespmem:s31+$0x4800]  }
0x1c7: {  	v7 =	vld [tilespmem:s31+$0x4810]  }
0x1c8: {  	v8 =	vld [tilespmem:s31+$0x4820]  }
0x1c9: {  	v9 =	vld [tilespmem:s31+$0x4830]  }
0x1ca: {  	[tilespmem:s31+$0x8870] =	vst.add.f32.msk $0xffff, v3  }
0x1cb: {  	v5 =	vld [tilespmem:s31+$0x4840]  }
0x1cc: {  	v3 =	vld [tilespmem:s31+$0x4850]  }
.Ltmp5:
0x1cd: {  	v4 =	vld [tilespmem:s31+$0x4860];
	(pc) =	sbr.rel @p0 .LBB2_12-.Ltmp5, $4  }
0x1ce: {  	[tilespmem:s31+$0x8800] =	vst.add.f32.msk $0xffff, v6  }
0x1cf: {  	[tilespmem:s31+$0x8810] =	vst.add.f32.msk $0xffff, v7  }
0x1d0: {  	[tilespmem:s31+$0x8820] =	vst.add.f32.msk $0xffff, v8  }
0x1d1: {  	s2 =	sadd.s32 $0x10, s2;
	s4 =	sadd.s32 $0x400, s4;
	s5 =	sadd.s32 $0x80, s5;
	[tilespmem:s31+$0x8830] =	vst.add.f32.msk $0xffff, v9  }
0x1d2: {  	[tilespmem:s31+$0x8840] =	vst.add.f32.msk $0xffff, v5  }
0x1d3: {  	[tilespmem:s31+$0x8850] =	vst.add.f32.msk $0xffff, v3  }
0x1d4: {  	[tilespmem:s31+$0x8860] =	vst.add.f32.msk $0xffff, v4  }
0x1d5: {  	s2 =	simm.s32 $0x0;
	s4 =	rddreg [dreg:$0xe]  }
0x1d6: {  	[hbm4b:s4+s2] =	stream.linear.scatter [tilespmem:s0], [sflag:$0x6], $0x4000, $0x38;
	[tilespmem:$0x1C800] =	vst v63  }
0x1d7: {  	_ =	swait.ge [sflag:s28], $0x4000  }
0x1d8: {  	[sflag:s28] =	ssyncset.done $0x0  }
0x1d9: {  	[sflag:s28] =	ssyncadd.s32 $0xFFFFC000  }
0x1da: {  	v3 =	vld [tilespmem:$0x480];
	_ =	sdelay $0x4  }
0x1db: {  	v4 =	vshll.u32 v3, $0x3  }
0x1dc: {  	v3 =	vand.u32 $0x7, v3;
	v4 =	vand.u32 $0xFFFFFFC0, v4  }
0x1dd: {  	v3 =	vor.u32 v3, v4  }
0x1de: {  	v4 =	vperm.xlane v3, v0;
	_ =	sdelay $0x1  }
0x1df: {  	v4 =	vadd.s32 v1, v4;
	_ =	sdelay $0x4  }
0x1e0: {  	[tilespmem:s23], [sflag:$0x5] =	stream.indirect_vreg.gather [hbm4b:s1+s2], $0x80, v4, vm0, $0xb8;
	[tilespmem:$0x1C800] =	vst v63  }
0x1e1: {  	s11 =	simm.s32 $0x19000;
	v3 =	vperm.xlane v3, v2  }
0x1e2: {  	[tilespmem:s11], [sflag:$0x5] =	stream.indirect_vreg.gather [hbm4b:s6+s2], $0x80, v4, vm0, $0xb8;
	[tilespmem:$0x1C800] =	vst v63  }
0x1e3: {  	s14 =	simm.s32 $0x19800;
	v3 =	vadd.s32 v1, v3  }
0x1e4: {  	[tilespmem:s14], [sflag:$0x5] =	stream.indirect_vreg.gather [hbm4b:s7+s2], $0x80, v4, vm0, $0xb8;
	[tilespmem:$0x1C800] =	vst v63  }
0x1e5: {  	s30 =	simm.s32 $0x1A000  }
0x1e6: {  	[tilespmem:s30], [sflag:$0x5] =	stream.indirect_vreg.gather [hbm4b:s8+s2], $0x80, v4, vm0, $0xb8;
	[tilespmem:$0x1C800] =	vst v63  }
0x1e7: {  	s5 =	simm.s32 $0x1A800  }
0x1e8: {  	[tilespmem:s5], [sflag:$0x5] =	stream.indirect_vreg.gather [hbm4b:s1+s2], $0x80, v3, vm0, $0xb8;
	[tilespmem:$0x1C800] =	vst v63  }
0x1e9: {  	s9 =	simm.s32 $0x1B000  }
0x1ea: {  	[tilespmem:s9], [sflag:$0x5] =	stream.indirect_vreg.gather [hbm4b:s6+s2], $0x80, v3, vm0, $0xb8;
	[tilespmem:$0x1C800] =	vst v63  }
0x1eb: {  	s11 =	simm.s32 $0x1B800  }
0x1ec: {  	[tilespmem:s11], [sflag:$0x5] =	stream.indirect_vreg.gather [hbm4b:s7+s2], $0x80, v3, vm0, $0xb8;
	[tilespmem:$0x1C800] =	vst v63  }
0x1ed: {  	s14 =	simm.s32 $0x1C000  }
0x1ee: {  	[tilespmem:s14], [sflag:$0x5] =	stream.indirect_vreg.gather [hbm4b:s8+s2], $0x80, v3, vm0, $0xb8;
	[tilespmem:$0x1C800] =	vst v63  }
0x1ef: {  	s30 =	sand.u32 $0x2000, s2;
	s5 =	sand.u32 $0x1C00, s2;
	_ =	swait.ge [sflag:s15], $0x4000  }
0x1f0: {  	s4 =	sor.u32 s5, s30;
	s2 =	sand.u32 $0x380, s2;
	[sflag:s15] =	ssyncset.done $0x0  }
0x1f1: {  	s31 =	sor.u32 s2, s4;
	[sflag:s15] =	ssyncadd.s32 $0xFFFFC000  }
0x1f2: {  	v3 =	vld [tilespmem:s31+$0x4870]  }
0x1f3: {  	v6 =	vld [tilespmem:s31+$0x4800]  }
0x1f4: {  	v7 =	vld [tilespmem:s31+$0x4810]  }
0x1f5: {  	v8 =	vld [tilespmem:s31+$0x4820]  }
0x1f6: {  	v9 =	vld [tilespmem:s31+$0x4830]  }
0x1f7: {  	v5 =	vld [tilespmem:s31+$0x4840]  }
0x1f8: {  	v4 =	vld [tilespmem:s31+$0x4860]  }
0x1f9: {  	[tilespmem:s31+$0xC870] =	vst.add.f32.msk $0xffff, v3  }
0x1fa: {  	v3 =	vld [tilespmem:s31+$0x4850]  }
0x1fb: {  	[tilespmem:s31+$0xC800] =	vst.add.f32.msk $0xffff, v6  }
0x1fc: {  	[tilespmem:s31+$0xC810] =	vst.add.f32.msk $0xffff, v7  }
0x1fd: {  	s5 =	simm.s32 $0x80;
	[tilespmem:s31+$0xC820] =	vst.add.f32.msk $0xffff, v8  }
0x1fe: {  	s14 =	simm.s32 $0x0;
	s2 =	simm.s32 $0x10;
	s4 =	simm.s32 $0x400;
	[tilespmem:s31+$0xC830] =	vst.add.f32.msk $0xffff, v9  }
.LBB2_14:
0x1ff: {  	s9 =	sand.u32 $0x2000, s5;
	s11 =	sand.u32 $0x1C00, s4;
	s14 =	sadd.s32 $0x8, s14;
	[tilespmem:s31+$0xC840] =	vst.add.f32.msk $0xffff, v5  }
0x200: {  	s9 =	sor.u32 s11, s9;
	s11 =	sand.u32 $0x380, s2;
	p0 =	slt.u32 s14, $0x3F8;
	[tilespmem:s31+$0xC850] =	vst.add.f32.msk $0xffff, v3  }
0x201: {  	[tilespmem:s31+$0xC860] =	vst.add.f32.msk $0xffff, v4;
	s31 =	sor.u32 s11, s9  }
0x202: {  	v3 =	vld [tilespmem:s31+$0x4870]  }
0x203: {  	v6 =	vld [tilespmem:s31+$0x4800]  }
0x204: {  	v7 =	vld [tilespmem:s31+$0x4810]  }
0x205: {  	v8 =	vld [tilespmem:s31+$0x4820]  }
0x206: {  	v9 =	vld [tilespmem:s31+$0x4830]  }
0x207: {  	[tilespmem:s31+$0xC870] =	vst.add.f32.msk $0xffff, v3  }
0x208: {  	v5 =	vld [tilespmem:s31+$0x4840]  }
0x209: {  	v3 =	vld [tilespmem:s31+$0x4850]  }
.Ltmp6:
0x20a: {  	v4 =	vld [tilespmem:s31+$0x4860];
	(pc) =	sbr.rel @p0 .LBB2_14-.Ltmp6, $4  }
0x20b: {  	[tilespmem:s31+$0xC800] =	vst.add.f32.msk $0xffff, v6  }
0x20c: {  	[tilespmem:s31+$0xC810] =	vst.add.f32.msk $0xffff, v7  }
0x20d: {  	[tilespmem:s31+$0xC820] =	vst.add.f32.msk $0xffff, v8  }
0x20e: {  	s4 =	sadd.s32 $0x400, s4;
	s5 =	sadd.s32 $0x80, s5;
	s2 =	sadd.s32 $0x10, s2;
	[tilespmem:s31+$0xC830] =	vst.add.f32.msk $0xffff, v9  }
0x20f: {  	[tilespmem:s31+$0xC840] =	vst.add.f32.msk $0xffff, v5  }
0x210: {  	[tilespmem:s31+$0xC850] =	vst.add.f32.msk $0xffff, v3  }
0x211: {  	[tilespmem:s31+$0xC860] =	vst.add.f32.msk $0xffff, v4  }
0x212: {  	s2 =	simm.s32 $0x0;
	s4 =	rddreg [dreg:$0xf]  }
0x213: {  	[hbm4b:s4+s2] =	stream.linear.scatter [tilespmem:s13], [sflag:$0x7], $0x4000, $0x38;
	[tilespmem:$0x1C800] =	vst v63  }
0x214: {  	_ =	swait.ge [sflag:s16], $0x4000  }
0x215: {  	[sflag:s16] =	ssyncset.done $0x0  }
0x216: {  	[sflag:s16] =	ssyncadd.s32 $0xFFFFC000  }
0x217: {  	v3 =	vld [tilespmem:$0x500];
	_ =	sdelay $0x4  }
0x218: {  	v4 =	vshll.u32 v3, $0x3  }
0x219: {  	v3 =	vand.u32 $0x7, v3;
	v4 =	vand.u32 $0xFFFFFFC0, v4  }
0x21a: {  	v3 =	vor.u32 v3, v4  }
0x21b: {  	v4 =	vperm.xlane v3, v0;
	_ =	sdelay $0x1  }
0x21c: {  	v4 =	vadd.s32 v1, v4;
	_ =	sdelay $0x4  }
0x21d: {  	[tilespmem:s0], [sflag:$0x1] =	stream.indirect_vreg.gather [hbm4b:s1+s2], $0x80, v4, vm0, $0xb8;
	[tilespmem:$0x1C800] =	vst v63  }
0x21e: {  	s14 =	simm.s32 $0x9000;
	v3 =	vperm.xlane v3, v2  }
0x21f: {  	[tilespmem:s14], [sflag:$0x1] =	stream.indirect_vreg.gather [hbm4b:s6+s2], $0x80, v4, vm0, $0xb8;
	[tilespmem:$0x1C800] =	vst v63  }
0x220: {  	s30 =	simm.s32 $0x9800;
	v3 =	vadd.s32 v1, v3  }
0x221: {  	[tilespmem:s30], [sflag:$0x1] =	stream.indirect_vreg.gather [hbm4b:s7+s2], $0x80, v4, vm0, $0xb8;
	[tilespmem:$0x1C800] =	vst v63  }
0x222: {  	s5 =	simm.s32 $0xA000  }
0x223: {  	[tilespmem:s5], [sflag:$0x1] =	stream.indirect_vreg.gather [hbm4b:s8+s2], $0x80, v4, vm0, $0xb8;
	[tilespmem:$0x1C800] =	vst v63  }
0x224: {  	s9 =	simm.s32 $0xA800  }
0x225: {  	[tilespmem:s9], [sflag:$0x1] =	stream.indirect_vreg.gather [hbm4b:s1+s2], $0x80, v3, vm0, $0xb8;
	[tilespmem:$0x1C800] =	vst v63  }
0x226: {  	s11 =	simm.s32 $0xB000  }
0x227: {  	[tilespmem:s11], [sflag:$0x1] =	stream.indirect_vreg.gather [hbm4b:s6+s2], $0x80, v3, vm0, $0xb8;
	[tilespmem:$0x1C800] =	vst v63  }
0x228: {  	s14 =	simm.s32 $0xB800  }
0x229: {  	[tilespmem:s14], [sflag:$0x1] =	stream.indirect_vreg.gather [hbm4b:s7+s2], $0x80, v3, vm0, $0xb8;
	[tilespmem:$0x1C800] =	vst v63  }
0x22a: {  	_ = 	snop  }
0x22b: {  	[tilespmem:s12], [sflag:$0x1] =	stream.indirect_vreg.gather [hbm4b:s8+s2], $0x80, v3, vm0, $0xb8;
	[tilespmem:$0x1C800] =	vst v63  }
0x22c: {  	s30 =	sand.u32 $0x2000, s2;
	s5 =	sand.u32 $0x1C00, s2;
	_ =	swait.ge [sflag:s17], $0x4000  }
0x22d: {  	s4 =	sor.u32 s5, s30;
	s2 =	sand.u32 $0x380, s2;
	[sflag:s17] =	ssyncset.done $0x0  }
0x22e: {  	s2 =	sor.u32 s2, s4;
	[sflag:s17] =	ssyncadd.s32 $0xFFFFC000  }
0x22f: {  	v3 =	vld [tilespmem:s2+$0x4870]  }
0x230: {  	v6 =	vld [tilespmem:s2+$0x4800]  }
0x231: {  	v7 =	vld [tilespmem:s2+$0x4810]  }
0x232: {  	v8 =	vld [tilespmem:s2+$0x4820]  }
0x233: {  	v9 =	vld [tilespmem:s2+$0x4830]  }
0x234: {  	v5 =	vld [tilespmem:s2+$0x4840]  }
0x235: {  	s31 =	sadd.s32 $0x8800, s2;
	v4 =	vld [tilespmem:s2+$0x4850]  }
0x236: {  	[tilespmem:s31+$0x8070] =	vst.add.f32.msk $0xffff, v3  }
0x237: {  	v3 =	vld [tilespmem:s2+$0x4860]  }
0x238: {  	[tilespmem:s2+$0x10800] =	vst.add.f32.msk $0xffff, v6  }
0x239: {  	[tilespmem:s31+$0x8010] =	vst.add.f32.msk $0xffff, v7  }
0x23a: {  	s5 =	simm.s32 $0x80;
	[tilespmem:s31+$0x8020] =	vst.add.f32.msk $0xffff, v8  }
0x23b: {  	s14 =	simm.s32 $0x0;
	s4 =	simm.s32 $0x400;
	[tilespmem:s31+$0x8030] =	vst.add.f32.msk $0xffff, v9;
	s2 =	simm.s32 $0x10  }
.LBB2_16:
0x23c: {  	s9 =	sand.u32 $0x2000, s5;
	s11 =	sand.u32 $0x1C00, s4;
	s14 =	sadd.s32 $0x8, s14;
	[tilespmem:s31+$0x8040] =	vst.add.f32.msk $0xffff, v5  }
0x23d: {  	s30 =	sand.u32 $0x380, s2;
	s9 =	sor.u32 s11, s9;
	p0 =	slt.u32 s14, $0x3F8;
	[tilespmem:s31+$0x8050] =	vst.add.f32.msk $0xffff, v4  }
0x23e: {  	s9 =	sor.u32 s30, s9;
	[tilespmem:s31+$0x8060] =	vst.add.f32.msk $0xffff, v3  }
0x23f: {  	v3 =	vld [tilespmem:s9+$0x4870]  }
0x240: {  	v6 =	vld [tilespmem:s9+$0x4800]  }
0x241: {  	v7 =	vld [tilespmem:s9+$0x4810]  }
0x242: {  	v8 =	vld [tilespmem:s9+$0x4820]  }
0x243: {  	s31 =	sadd.s32 $0x8800, s9;
	v9 =	vld [tilespmem:s9+$0x4830]  }
0x244: {  	[tilespmem:s31+$0x8070] =	vst.add.f32.msk $0xffff, v3  }
0x245: {  	v5 =	vld [tilespmem:s9+$0x4840]  }
0x246: {  	v4 =	vld [tilespmem:s9+$0x4850]  }
.Ltmp7:
0x247: {  	v3 =	vld [tilespmem:s9+$0x4860];
	(pc) =	sbr.rel @p0 .LBB2_16-.Ltmp7, $4  }
0x248: {  	[tilespmem:s9+$0x10800] =	vst.add.f32.msk $0xffff, v6  }
0x249: {  	[tilespmem:s31+$0x8010] =	vst.add.f32.msk $0xffff, v7  }
0x24a: {  	[tilespmem:s31+$0x8020] =	vst.add.f32.msk $0xffff, v8  }
0x24b: {  	s2 =	sadd.s32 $0x10, s2;
	s4 =	sadd.s32 $0x400, s4;
	s5 =	sadd.s32 $0x80, s5;
	[tilespmem:s31+$0x8030] =	vst.add.f32.msk $0xffff, v9  }
0x24c: {  	[tilespmem:s31+$0x8040] =	vst.add.f32.msk $0xffff, v5  }
0x24d: {  	[tilespmem:s31+$0x8050] =	vst.add.f32.msk $0xffff, v4  }
0x24e: {  	[tilespmem:s31+$0x8060] =	vst.add.f32.msk $0xffff, v3  }
0x24f: {  	s2 =	simm.s32 $0x0;
	s4 =	rddreg [dreg:$0x10]  }
0x250: {  	[hbm4b:s4+s2] =	stream.linear.scatter [tilespmem:s21], [sflag:$0x8], $0x4000, $0x38;
	[tilespmem:$0x1C800] =	vst v63  }
0x251: {  	_ =	swait.ge [sflag:s18], $0x4000  }
0x252: {  	[sflag:s18] =	ssyncset.done $0x0  }
0x253: {  	[sflag:s18] =	ssyncadd.s32 $0xFFFFC000  }
0x254: {  	v3 =	vld [tilespmem:$0x580];
	_ =	sdelay $0x4  }
0x255: {  	v4 =	vshll.u32 v3, $0x3  }
0x256: {  	v3 =	vand.u32 $0x7, v3;
	v4 =	vand.u32 $0xFFFFFFC0, v4  }
0x257: {  	v3 =	vor.u32 v3, v4  }
0x258: {  	v4 =	vperm.xlane v3, v0;
	_ =	sdelay $0x1  }
0x259: {  	v4 =	vadd.s32 v1, v4;
	_ =	sdelay $0x4  }
0x25a: {  	[tilespmem:s13], [sflag:$0x2] =	stream.indirect_vreg.gather [hbm4b:s1+s2], $0x80, v4, vm0, $0xb8;
	[tilespmem:$0x1C800] =	vst v63  }
0x25b: {  	s5 =	simm.s32 $0xD000;
	v3 =	vperm.xlane v3, v2  }
0x25c: {  	[tilespmem:s5], [sflag:$0x2] =	stream.indirect_vreg.gather [hbm4b:s6+s2], $0x80, v4, vm0, $0xb8;
	[tilespmem:$0x1C800] =	vst v63  }
0x25d: {  	s9 =	simm.s32 $0xD800;
	v3 =	vadd.s32 v1, v3  }
0x25e: {  	[tilespmem:s9], [sflag:$0x2] =	stream.indirect_vreg.gather [hbm4b:s7+s2], $0x80, v4, vm0, $0xb8;
	[tilespmem:$0x1C800] =	vst v63  }
0x25f: {  	s11 =	simm.s32 $0xE000  }
0x260: {  	[tilespmem:s11], [sflag:$0x2] =	stream.indirect_vreg.gather [hbm4b:s8+s2], $0x80, v4, vm0, $0xb8;
	[tilespmem:$0x1C800] =	vst v63  }
0x261: {  	s14 =	simm.s32 $0xE800  }
0x262: {  	[tilespmem:s14], [sflag:$0x2] =	stream.indirect_vreg.gather [hbm4b:s1+s2], $0x80, v3, vm0, $0xb8;
	[tilespmem:$0x1C800] =	vst v63  }
0x263: {  	s30 =	simm.s32 $0xF000  }
0x264: {  	[tilespmem:s30], [sflag:$0x2] =	stream.indirect_vreg.gather [hbm4b:s6+s2], $0x80, v3, vm0, $0xb8;
	[tilespmem:$0x1C800] =	vst v63  }
0x265: {  	s5 =	simm.s32 $0xF800  }
0x266: {  	[tilespmem:s5], [sflag:$0x2] =	stream.indirect_vreg.gather [hbm4b:s7+s2], $0x80, v3, vm0, $0xb8;
	[tilespmem:$0x1C800] =	vst v63  }
0x267: {  	s9 =	simm.s32 $0x10000  }
0x268: {  	[tilespmem:s9], [sflag:$0x2] =	stream.indirect_vreg.gather [hbm4b:s8+s2], $0x80, v3, vm0, $0xb8;
	[tilespmem:$0x1C800] =	vst v63  }
0x269: {  	_ =	swait.ge [sflag:s20], $0x4000  }
0x26a: {  	[sflag:s20] =	ssyncset.done $0x0  }
0x26b: {  	s5 =	simm.s32 $0x4800;
	s11 =	rddreg [dreg:$0x11];
	[sflag:s20] =	ssyncadd.s32 $0xFFFFC000  }
0x26c: {  	[tilespmem:s5], [sflag:$0xB] =	stream.linear.gather [hbm4b:s11+s2], $0x4000, $0x38;
	[tilespmem:$0x1C800] =	vst v63  }
0x26d: {  	s14 =	sand.u32 $0x2000, s2;
	s30 =	sand.u32 $0x1C00, s2;
	_ =	swait.ge [sflag:s19], $0x4000  }
0x26e: {  	s4 =	sor.u32 s30, s14;
	s2 =	sand.u32 $0x380, s2;
	[sflag:s19] =	ssyncset.done $0x0  }
0x26f: {  	s2 =	sor.u32 s2, s4;
	[sflag:s19] =	ssyncadd.s32 $0xFFFFC000  }
0x270: {  	v3 =	vld [tilespmem:s2+$0x870]  }
0x271: {  	v6 =	vld [tilespmem:s2+$0x800]  }
0x272: {  	v7 =	vld [tilespmem:s2+$0x810]  }
0x273: {  	v8 =	vld [tilespmem:s2+$0x820]  }
0x274: {  	v9 =	vld [tilespmem:s2+$0x830]  }
0x275: {  	v5 =	vld [tilespmem:s2+$0x840]  }
0x276: {  	s31 =	sadd.s32 $0x8800, s2;
	v4 =	vld [tilespmem:s2+$0x850]  }
0x277: {  	[tilespmem:s31+$0xC070] =	vst.add.f32.msk $0xffff, v3  }
0x278: {  	v3 =	vld [tilespmem:s2+$0x860]  }
0x279: {  	[tilespmem:s2+$0x14800] =	vst.add.f32.msk $0xffff, v6  }
0x27a: {  	[tilespmem:s31+$0xC010] =	vst.add.f32.msk $0xffff, v7  }
0x27b: {  	s14 =	simm.s32 $0x0;
	[tilespmem:s31+$0xC020] =	vst.add.f32.msk $0xffff, v8  }
0x27c: {  	s5 =	simm.s32 $0x80;
	s4 =	simm.s32 $0x400;
	[tilespmem:s31+$0xC030] =	vst.add.f32.msk $0xffff, v9;
	s2 =	simm.s32 $0x10  }
.LBB2_18:
0x27d: {  	s9 =	sand.u32 $0x2000, s5;
	s11 =	sand.u32 $0x1C00, s4;
	s14 =	sadd.s32 $0x8, s14;
	[tilespmem:s31+$0xC040] =	vst.add.f32.msk $0xffff, v5  }
0x27e: {  	s30 =	sand.u32 $0x380, s2;
	s9 =	sor.u32 s11, s9;
	p0 =	slt.u32 s14, $0x3F8;
	[tilespmem:s31+$0xC050] =	vst.add.f32.msk $0xffff, v4  }
0x27f: {  	s9 =	sor.u32 s30, s9;
	[tilespmem:s31+$0xC060] =	vst.add.f32.msk $0xffff, v3  }
0x280: {  	v3 =	vld [tilespmem:s9+$0x870]  }
0x281: {  	v6 =	vld [tilespmem:s9+$0x800]  }
0x282: {  	v7 =	vld [tilespmem:s9+$0x810]  }
0x283: {  	v8 =	vld [tilespmem:s9+$0x820]  }
0x284: {  	s31 =	sadd.s32 $0x8800, s9;
	v9 =	vld [tilespmem:s9+$0x830]  }
0x285: {  	[tilespmem:s31+$0xC070] =	vst.add.f32.msk $0xffff, v3  }
0x286: {  	v5 =	vld [tilespmem:s9+$0x840]  }
0x287: {  	v4 =	vld [tilespmem:s9+$0x850]  }
.Ltmp8:
0x288: {  	v3 =	vld [tilespmem:s9+$0x860];
	(pc) =	sbr.rel @p0 .LBB2_18-.Ltmp8, $4  }
0x289: {  	[tilespmem:s9+$0x14800] =	vst.add.f32.msk $0xffff, v6  }
0x28a: {  	[tilespmem:s31+$0xC010] =	vst.add.f32.msk $0xffff, v7  }
0x28b: {  	[tilespmem:s31+$0xC020] =	vst.add.f32.msk $0xffff, v8  }
0x28c: {  	s2 =	sadd.s32 $0x10, s2;
	s4 =	sadd.s32 $0x400, s4;
	s5 =	sadd.s32 $0x80, s5;
	[tilespmem:s31+$0xC030] =	vst.add.f32.msk $0xffff, v9  }
0x28d: {  	[tilespmem:s31+$0xC040] =	vst.add.f32.msk $0xffff, v5  }
0x28e: {  	[tilespmem:s31+$0xC050] =	vst.add.f32.msk $0xffff, v4  }
0x28f: {  	[tilespmem:s31+$0xC060] =	vst.add.f32.msk $0xffff, v3  }
0x290: {  	s2 =	simm.s32 $0x0;
	s4 =	rddreg [dreg:$0x12]  }
0x291: {  	[hbm4b:s4+s2] =	stream.linear.scatter [tilespmem:s10], [sflag:$0x9], $0x4000, $0x38;
	[tilespmem:$0x1C800] =	vst v63  }
0x292: {  	_ =	swait.ge [sflag:s24], $0x4000  }
0x293: {  	[sflag:s24] =	ssyncset.done $0x0  }
0x294: {  	[sflag:s24] =	ssyncadd.s32 $0xFFFFC000  }
0x295: {  	v3 =	vld [tilespmem:$0x600];
	_ =	sdelay $0x4  }
0x296: {  	v4 =	vshll.u32 v3, $0x3  }
0x297: {  	v3 =	vand.u32 $0x7, v3;
	v4 =	vand.u32 $0xFFFFFFC0, v4  }
0x298: {  	v3 =	vor.u32 v3, v4  }
0x299: {  	v4 =	vperm.xlane v3, v0;
	_ =	sdelay $0x1  }
0x29a: {  	v4 =	vadd.s32 v1, v4;
	_ =	sdelay $0x4  }
0x29b: {  	[tilespmem:s21], [sflag:$0x3] =	stream.indirect_vreg.gather [hbm4b:s1+s2], $0x80, v4, vm0, $0xb8;
	[tilespmem:$0x1C800] =	vst v63  }
0x29c: {  	s11 =	simm.s32 $0x11000;
	v3 =	vperm.xlane v3, v2  }
0x29d: {  	[tilespmem:s11], [sflag:$0x3] =	stream.indirect_vreg.gather [hbm4b:s6+s2], $0x80, v4, vm0, $0xb8;
	[tilespmem:$0x1C800] =	vst v63  }
0x29e: {  	s14 =	simm.s32 $0x11800;
	v3 =	vadd.s32 v1, v3  }
0x29f: {  	[tilespmem:s14], [sflag:$0x3] =	stream.indirect_vreg.gather [hbm4b:s7+s2], $0x80, v4, vm0, $0xb8;
	[tilespmem:$0x1C800] =	vst v63  }
0x2a0: {  	s30 =	simm.s32 $0x12000  }
0x2a1: {  	[tilespmem:s30], [sflag:$0x3] =	stream.indirect_vreg.gather [hbm4b:s8+s2], $0x80, v4, vm0, $0xb8;
	[tilespmem:$0x1C800] =	vst v63  }
0x2a2: {  	s5 =	simm.s32 $0x12800  }
0x2a3: {  	[tilespmem:s5], [sflag:$0x3] =	stream.indirect_vreg.gather [hbm4b:s1+s2], $0x80, v3, vm0, $0xb8;
	[tilespmem:$0x1C800] =	vst v63  }
0x2a4: {  	s9 =	simm.s32 $0x13000  }
0x2a5: {  	[tilespmem:s9], [sflag:$0x3] =	stream.indirect_vreg.gather [hbm4b:s6+s2], $0x80, v3, vm0, $0xb8;
	[tilespmem:$0x1C800] =	vst v63  }
0x2a6: {  	s11 =	simm.s32 $0x13800  }
0x2a7: {  	[tilespmem:s11], [sflag:$0x3] =	stream.indirect_vreg.gather [hbm4b:s7+s2], $0x80, v3, vm0, $0xb8;
	[tilespmem:$0x1C800] =	vst v63  }
0x2a8: {  	s14 =	simm.s32 $0x14000  }
0x2a9: {  	[tilespmem:s14], [sflag:$0x3] =	stream.indirect_vreg.gather [hbm4b:s8+s2], $0x80, v3, vm0, $0xb8;
	[tilespmem:$0x1C800] =	vst v63  }
0x2aa: {  	s30 =	sand.u32 $0x2000, s2;
	s5 =	sand.u32 $0x1C00, s2;
	_ =	swait.ge [sflag:s25], $0x4000  }
0x2ab: {  	s4 =	sor.u32 s5, s30;
	s2 =	sand.u32 $0x380, s2;
	[sflag:s25] =	ssyncset.done $0x0  }
0x2ac: {  	s31 =	sor.u32 s2, s4;
	[sflag:s25] =	ssyncadd.s32 $0xFFFFC000  }
0x2ad: {  	v3 =	vld [tilespmem:s31+$0x870]  }
0x2ae: {  	v6 =	vld [tilespmem:s31+$0x800]  }
0x2af: {  	v7 =	vld [tilespmem:s31+$0x810]  }
0x2b0: {  	v8 =	vld [tilespmem:s31+$0x820]  }
0x2b1: {  	v9 =	vld [tilespmem:s31+$0x830]  }
0x2b2: {  	v5 =	vld [tilespmem:s31+$0x840]  }
0x2b3: {  	v4 =	vld [tilespmem:s31+$0x860]  }
0x2b4: {  	[tilespmem:s31+$0x18870] =	vst.add.f32.msk $0xffff, v3  }
0x2b5: {  	v3 =	vld [tilespmem:s31+$0x850]  }
0x2b6: {  	[tilespmem:s31+$0x18800] =	vst.add.f32.msk $0xffff, v6  }
0x2b7: {  	[tilespmem:s31+$0x18810] =	vst.add.f32.msk $0xffff, v7  }
0x2b8: {  	s5 =	simm.s32 $0x80;
	[tilespmem:s31+$0x18820] =	vst.add.f32.msk $0xffff, v8  }
0x2b9: {  	s14 =	simm.s32 $0x0;
	s2 =	simm.s32 $0x10;
	s4 =	simm.s32 $0x400;
	[tilespmem:s31+$0x18830] =	vst.add.f32.msk $0xffff, v9  }
.LBB2_20:
0x2ba: {  	s9 =	sand.u32 $0x2000, s5;
	s11 =	sand.u32 $0x1C00, s4;
	s14 =	sadd.s32 $0x8, s14;
	[tilespmem:s31+$0x18840] =	vst.add.f32.msk $0xffff, v5  }
0x2bb: {  	s30 =	sand.u32 $0x380, s2;
	s9 =	sor.u32 s11, s9;
	p0 =	slt.u32 s14, $0x3F8;
	[tilespmem:s31+$0x18850] =	vst.add.f32.msk $0xffff, v3  }
0x2bc: {  	[tilespmem:s31+$0x18860] =	vst.add.f32.msk $0xffff, v4;
	s31 =	sor.u32 s30, s9  }
0x2bd: {  	v3 =	vld [tilespmem:s31+$0x870]  }
0x2be: {  	v6 =	vld [tilespmem:s31+$0x800]  }
0x2bf: {  	v7 =	vld [tilespmem:s31+$0x810]  }
0x2c0: {  	v8 =	vld [tilespmem:s31+$0x820]  }
0x2c1: {  	v9 =	vld [tilespmem:s31+$0x830]  }
0x2c2: {  	[tilespmem:s31+$0x18870] =	vst.add.f32.msk $0xffff, v3  }
0x2c3: {  	v5 =	vld [tilespmem:s31+$0x840]  }
0x2c4: {  	v3 =	vld [tilespmem:s31+$0x850]  }
.Ltmp9:
0x2c5: {  	v4 =	vld [tilespmem:s31+$0x860];
	(pc) =	sbr.rel @p0 .LBB2_20-.Ltmp9, $4  }
0x2c6: {  	[tilespmem:s31+$0x18800] =	vst.add.f32.msk $0xffff, v6  }
0x2c7: {  	[tilespmem:s31+$0x18810] =	vst.add.f32.msk $0xffff, v7  }
0x2c8: {  	[tilespmem:s31+$0x18820] =	vst.add.f32.msk $0xffff, v8  }
0x2c9: {  	s2 =	sadd.s32 $0x10, s2;
	s4 =	sadd.s32 $0x400, s4;
	s5 =	sadd.s32 $0x80, s5;
	[tilespmem:s31+$0x18830] =	vst.add.f32.msk $0xffff, v9  }
0x2ca: {  	[tilespmem:s31+$0x18840] =	vst.add.f32.msk $0xffff, v5  }
0x2cb: {  	[tilespmem:s31+$0x18850] =	vst.add.f32.msk $0xffff, v3  }
0x2cc: {  	[tilespmem:s31+$0x18860] =	vst.add.f32.msk $0xffff, v4  }
0x2cd: {  	s2 =	simm.s32 $0x0;
	s4 =	rddreg [dreg:$0x13]  }
0x2ce: {  	[hbm4b:s4+s2] =	stream.linear.scatter [tilespmem:s23], [sflag:$0xA], $0x4000, $0x38;
	[tilespmem:$0x1C800] =	vst v63  }
0x2cf: {  	_ =	swait.ge [sflag:s26], $0x4000  }
0x2d0: {  	[sflag:s26] =	ssyncset.done $0x0  }
0x2d1: {  	[sflag:s26] =	ssyncadd.s32 $0xFFFFC000  }
0x2d2: {  	v3 =	vld [tilespmem:$0x680];
	_ =	sdelay $0x4  }
0x2d3: {  	v4 =	vshll.u32 v3, $0x3  }
0x2d4: {  	v3 =	vand.u32 $0x7, v3;
	v4 =	vand.u32 $0xFFFFFFC0, v4  }
0x2d5: {  	v3 =	vor.u32 v3, v4  }
0x2d6: {  	v4 =	vperm.xlane v3, v0;
	_ =	sdelay $0x1  }
0x2d7: {  	v4 =	vadd.s32 v1, v4;
	_ =	sdelay $0x4  }
0x2d8: {  	[tilespmem:s10], [sflag:$0x4] =	stream.indirect_vreg.gather [hbm4b:s1+s2], $0x80, v4, vm0, $0xb8;
	[tilespmem:$0x1C800] =	vst v63  }
0x2d9: {  	s11 =	simm.s32 $0x15000;
	v3 =	vperm.xlane v3, v2  }
0x2da: {  	[tilespmem:s11], [sflag:$0x4] =	stream.indirect_vreg.gather [hbm4b:s6+s2], $0x80, v4, vm0, $0xb8;
	[tilespmem:$0x1C800] =	vst v63  }
0x2db: {  	s14 =	simm.s32 $0x15800;
	v3 =	vadd.s32 v1, v3  }
0x2dc: {  	[tilespmem:s14], [sflag:$0x4] =	stream.indirect_vreg.gather [hbm4b:s7+s2], $0x80, v4, vm0, $0xb8;
	[tilespmem:$0x1C800] =	vst v63  }
0x2dd: {  	s30 =	simm.s32 $0x16000  }
0x2de: {  	[tilespmem:s30], [sflag:$0x4] =	stream.indirect_vreg.gather [hbm4b:s8+s2], $0x80, v4, vm0, $0xb8;
	[tilespmem:$0x1C800] =	vst v63  }
0x2df: {  	s5 =	simm.s32 $0x16800  }
0x2e0: {  	[tilespmem:s5], [sflag:$0x4] =	stream.indirect_vreg.gather [hbm4b:s1+s2], $0x80, v3, vm0, $0xb8;
	[tilespmem:$0x1C800] =	vst v63  }
0x2e1: {  	s9 =	simm.s32 $0x17000  }
0x2e2: {  	[tilespmem:s9], [sflag:$0x4] =	stream.indirect_vreg.gather [hbm4b:s6+s2], $0x80, v3, vm0, $0xb8;
	[tilespmem:$0x1C800] =	vst v63  }
0x2e3: {  	s11 =	simm.s32 $0x17800  }
0x2e4: {  	[tilespmem:s11], [sflag:$0x4] =	stream.indirect_vreg.gather [hbm4b:s7+s2], $0x80, v3, vm0, $0xb8;
	[tilespmem:$0x1C800] =	vst v63  }
0x2e5: {  	s14 =	simm.s32 $0x18000  }
0x2e6: {  	[tilespmem:s14], [sflag:$0x4] =	stream.indirect_vreg.gather [hbm4b:s8+s2], $0x80, v3, vm0, $0xb8;
	[tilespmem:$0x1C800] =	vst v63  }
0x2e7: {  	s30 =	sand.u32 $0x2000, s2;
	s5 =	sand.u32 $0x1C00, s2;
	_ =	swait.ge [sflag:s22], $0x4000  }
0x2e8: {  	s4 =	sor.u32 s5, s30;
	s2 =	sand.u32 $0x380, s2;
	[sflag:s22] =	ssyncset.done $0x0  }
0x2e9: {  	s31 =	sor.u32 s2, s4;
	[sflag:s22] =	ssyncadd.s32 $0xFFFFC000  }
0x2ea: {  	v3 =	vld [tilespmem:s31+$0x870]  }
0x2eb: {  	v6 =	vld [tilespmem:s31+$0x800]  }
0x2ec: {  	v7 =	vld [tilespmem:s31+$0x810]  }
0x2ed: {  	v8 =	vld [tilespmem:s31+$0x820]  }
0x2ee: {  	v9 =	vld [tilespmem:s31+$0x830]  }
0x2ef: {  	v5 =	vld [tilespmem:s31+$0x840]  }
0x2f0: {  	v4 =	vld [tilespmem:s31+$0x860]  }
0x2f1: {  	[tilespmem:s31+$0x8870] =	vst.add.f32.msk $0xffff, v3  }
0x2f2: {  	v3 =	vld [tilespmem:s31+$0x850]  }
0x2f3: {  	[tilespmem:s31+$0x8800] =	vst.add.f32.msk $0xffff, v6  }
0x2f4: {  	[tilespmem:s31+$0x8810] =	vst.add.f32.msk $0xffff, v7  }
0x2f5: {  	s5 =	simm.s32 $0x80;
	[tilespmem:s31+$0x8820] =	vst.add.f32.msk $0xffff, v8  }
0x2f6: {  	s14 =	simm.s32 $0x0;
	s2 =	simm.s32 $0x10;
	s4 =	simm.s32 $0x400;
	[tilespmem:s31+$0x8830] =	vst.add.f32.msk $0xffff, v9  }
.LBB2_22:
0x2f7: {  	s9 =	sand.u32 $0x2000, s5;
	s11 =	sand.u32 $0x1C00, s4;
	s14 =	sadd.s32 $0x8, s14;
	[tilespmem:s31+$0x8840] =	vst.add.f32.msk $0xffff, v5  }
0x2f8: {  	s9 =	sor.u32 s11, s9;
	s11 =	sand.u32 $0x380, s2;
	p0 =	slt.u32 s14, $0x3F8;
	[tilespmem:s31+$0x8850] =	vst.add.f32.msk $0xffff, v3  }
0x2f9: {  	[tilespmem:s31+$0x8860] =	vst.add.f32.msk $0xffff, v4;
	s31 =	sor.u32 s11, s9  }
0x2fa: {  	v3 =	vld [tilespmem:s31+$0x870]  }
0x2fb: {  	v6 =	vld [tilespmem:s31+$0x800]  }
0x2fc: {  	v7 =	vld [tilespmem:s31+$0x810]  }
0x2fd: {  	v8 =	vld [tilespmem:s31+$0x820]  }
0x2fe: {  	v9 =	vld [tilespmem:s31+$0x830]  }
0x2ff: {  	[tilespmem:s31+$0x8870] =	vst.add.f32.msk $0xffff, v3  }
0x300: {  	v5 =	vld [tilespmem:s31+$0x840]  }
0x301: {  	v3 =	vld [tilespmem:s31+$0x850]  }
.Ltmp10:
0x302: {  	v4 =	vld [tilespmem:s31+$0x860];
	(pc) =	sbr.rel @p0 .LBB2_22-.Ltmp10, $4  }
0x303: {  	[tilespmem:s31+$0x8800] =	vst.add.f32.msk $0xffff, v6  }
0x304: {  	[tilespmem:s31+$0x8810] =	vst.add.f32.msk $0xffff, v7  }
0x305: {  	[tilespmem:s31+$0x8820] =	vst.add.f32.msk $0xffff, v8  }
0x306: {  	s4 =	sadd.s32 $0x400, s4;
	s5 =	sadd.s32 $0x80, s5;
	s2 =	sadd.s32 $0x10, s2;
	[tilespmem:s31+$0x8830] =	vst.add.f32.msk $0xffff, v9  }
0x307: {  	[tilespmem:s31+$0x8840] =	vst.add.f32.msk $0xffff, v5  }
0x308: {  	[tilespmem:s31+$0x8850] =	vst.add.f32.msk $0xffff, v3  }
0x309: {  	[tilespmem:s31+$0x8860] =	vst.add.f32.msk $0xffff, v4  }
0x30a: {  	s2 =	simm.s32 $0x0;
	s4 =	rddreg [dreg:$0x14]  }
0x30b: {  	[hbm4b:s4+s2] =	stream.linear.scatter [tilespmem:s0], [sflag:$0x6], $0x4000, $0x38;
	[tilespmem:$0x1C800] =	vst v63  }
0x30c: {  	_ =	swait.ge [sflag:s28], $0x4000  }
0x30d: {  	[sflag:s28] =	ssyncset.done $0x0  }
0x30e: {  	[sflag:s28] =	ssyncadd.s32 $0xFFFFC000  }
0x30f: {  	v3 =	vld [tilespmem:$0x700];
	_ =	sdelay $0x4  }
0x310: {  	v4 =	vshll.u32 v3, $0x3  }
0x311: {  	v3 =	vand.u32 $0x7, v3;
	v4 =	vand.u32 $0xFFFFFFC0, v4  }
0x312: {  	v3 =	vor.u32 v3, v4  }
0x313: {  	v4 =	vperm.xlane v3, v0;
	_ =	sdelay $0x1  }
0x314: {  	v4 =	vadd.s32 v1, v4;
	_ =	sdelay $0x4  }
0x315: {  	[tilespmem:s23], [sflag:$0x5] =	stream.indirect_vreg.gather [hbm4b:s1+s2], $0x80, v4, vm0, $0xb8;
	[tilespmem:$0x1C800] =	vst v63  }
0x316: {  	s11 =	simm.s32 $0x19000;
	v3 =	vperm.xlane v3, v2  }
0x317: {  	[tilespmem:s11], [sflag:$0x5] =	stream.indirect_vreg.gather [hbm4b:s6+s2], $0x80, v4, vm0, $0xb8;
	[tilespmem:$0x1C800] =	vst v63  }
0x318: {  	s14 =	simm.s32 $0x19800;
	v3 =	vadd.s32 v1, v3  }
0x319: {  	[tilespmem:s14], [sflag:$0x5] =	stream.indirect_vreg.gather [hbm4b:s7+s2], $0x80, v4, vm0, $0xb8;
	[tilespmem:$0x1C800] =	vst v63  }
0x31a: {  	s30 =	simm.s32 $0x1A000  }
0x31b: {  	[tilespmem:s30], [sflag:$0x5] =	stream.indirect_vreg.gather [hbm4b:s8+s2], $0x80, v4, vm0, $0xb8;
	[tilespmem:$0x1C800] =	vst v63  }
0x31c: {  	s5 =	simm.s32 $0x1A800  }
0x31d: {  	[tilespmem:s5], [sflag:$0x5] =	stream.indirect_vreg.gather [hbm4b:s1+s2], $0x80, v3, vm0, $0xb8;
	[tilespmem:$0x1C800] =	vst v63  }
0x31e: {  	s9 =	simm.s32 $0x1B000  }
0x31f: {  	[tilespmem:s9], [sflag:$0x5] =	stream.indirect_vreg.gather [hbm4b:s6+s2], $0x80, v3, vm0, $0xb8;
	[tilespmem:$0x1C800] =	vst v63  }
0x320: {  	s11 =	simm.s32 $0x1B800  }
0x321: {  	[tilespmem:s11], [sflag:$0x5] =	stream.indirect_vreg.gather [hbm4b:s7+s2], $0x80, v3, vm0, $0xb8;
	[tilespmem:$0x1C800] =	vst v63  }
0x322: {  	s14 =	simm.s32 $0x1C000  }
0x323: {  	[tilespmem:s14], [sflag:$0x5] =	stream.indirect_vreg.gather [hbm4b:s8+s2], $0x80, v3, vm0, $0xb8;
	[tilespmem:$0x1C800] =	vst v63  }
0x324: {  	s30 =	sand.u32 $0x2000, s2;
	s5 =	sand.u32 $0x1C00, s2;
	_ =	swait.ge [sflag:s15], $0x4000  }
0x325: {  	s4 =	sor.u32 s5, s30;
	s2 =	sand.u32 $0x380, s2;
	[sflag:s15] =	ssyncset.done $0x0  }
0x326: {  	s31 =	sor.u32 s2, s4;
	[sflag:s15] =	ssyncadd.s32 $0xFFFFC000  }
0x327: {  	v3 =	vld [tilespmem:s31+$0x870]  }
0x328: {  	v6 =	vld [tilespmem:s31+$0x800]  }
0x329: {  	v7 =	vld [tilespmem:s31+$0x810]  }
0x32a: {  	v8 =	vld [tilespmem:s31+$0x820]  }
0x32b: {  	v9 =	vld [tilespmem:s31+$0x830]  }
0x32c: {  	v5 =	vld [tilespmem:s31+$0x840]  }
0x32d: {  	v4 =	vld [tilespmem:s31+$0x860]  }
0x32e: {  	[tilespmem:s31+$0xC870] =	vst.add.f32.msk $0xffff, v3  }
0x32f: {  	v3 =	vld [tilespmem:s31+$0x850]  }
0x330: {  	[tilespmem:s31+$0xC800] =	vst.add.f32.msk $0xffff, v6  }
0x331: {  	[tilespmem:s31+$0xC810] =	vst.add.f32.msk $0xffff, v7  }
0x332: {  	s5 =	simm.s32 $0x80;
	[tilespmem:s31+$0xC820] =	vst.add.f32.msk $0xffff, v8  }
0x333: {  	s14 =	simm.s32 $0x0;
	s2 =	simm.s32 $0x10;
	s4 =	simm.s32 $0x400;
	[tilespmem:s31+$0xC830] =	vst.add.f32.msk $0xffff, v9  }
.LBB2_24:
0x334: {  	s9 =	sand.u32 $0x2000, s5;
	s11 =	sand.u32 $0x1C00, s4;
	s14 =	sadd.s32 $0x8, s14;
	[tilespmem:s31+$0xC840] =	vst.add.f32.msk $0xffff, v5  }
0x335: {  	s30 =	sand.u32 $0x380, s2;
	s9 =	sor.u32 s11, s9;
	p0 =	slt.u32 s14, $0x3F8;
	[tilespmem:s31+$0xC850] =	vst.add.f32.msk $0xffff, v3  }
0x336: {  	[tilespmem:s31+$0xC860] =	vst.add.f32.msk $0xffff, v4;
	s31 =	sor.u32 s30, s9  }
0x337: {  	v3 =	vld [tilespmem:s31+$0x870]  }
0x338: {  	v6 =	vld [tilespmem:s31+$0x800]  }
0x339: {  	v7 =	vld [tilespmem:s31+$0x810]  }
0x33a: {  	v8 =	vld [tilespmem:s31+$0x820]  }
0x33b: {  	v9 =	vld [tilespmem:s31+$0x830]  }
0x33c: {  	[tilespmem:s31+$0xC870] =	vst.add.f32.msk $0xffff, v3  }
0x33d: {  	v5 =	vld [tilespmem:s31+$0x840]  }
0x33e: {  	v3 =	vld [tilespmem:s31+$0x850]  }
.Ltmp11:
0x33f: {  	v4 =	vld [tilespmem:s31+$0x860];
	(pc) =	sbr.rel @p0 .LBB2_24-.Ltmp11, $4  }
0x340: {  	[tilespmem:s31+$0xC800] =	vst.add.f32.msk $0xffff, v6  }
0x341: {  	[tilespmem:s31+$0xC810] =	vst.add.f32.msk $0xffff, v7  }
0x342: {  	[tilespmem:s31+$0xC820] =	vst.add.f32.msk $0xffff, v8  }
0x343: {  	s2 =	sadd.s32 $0x10, s2;
	s4 =	sadd.s32 $0x400, s4;
	s5 =	sadd.s32 $0x80, s5;
	[tilespmem:s31+$0xC830] =	vst.add.f32.msk $0xffff, v9  }
0x344: {  	[tilespmem:s31+$0xC840] =	vst.add.f32.msk $0xffff, v5  }
0x345: {  	[tilespmem:s31+$0xC850] =	vst.add.f32.msk $0xffff, v3  }
0x346: {  	[tilespmem:s31+$0xC860] =	vst.add.f32.msk $0xffff, v4  }
0x347: {  	s2 =	simm.s32 $0x0;
	s4 =	rddreg [dreg:$0x16]  }
0x348: {  	[hbm4b:s4+s2] =	stream.linear.scatter [tilespmem:s13], [sflag:$0x7], $0x4000, $0x38;
	[tilespmem:$0x1C800] =	vst v63  }
0x349: {  	_ =	swait.ge [sflag:s16], $0x4000  }
0x34a: {  	[sflag:s16] =	ssyncset.done $0x0  }
0x34b: {  	[sflag:s16] =	ssyncadd.s32 $0xFFFFC000  }
0x34c: {  	v3 =	vld [tilespmem:$0x780];
	_ =	sdelay $0x4  }
0x34d: {  	v4 =	vshll.u32 v3, $0x3  }
0x34e: {  	v3 =	vand.u32 $0x7, v3;
	v4 =	vand.u32 $0xFFFFFFC0, v4  }
0x34f: {  	v3 =	vor.u32 v3, v4  }
0x350: {  	v4 =	vperm.xlane v3, v0;
	_ =	sdelay $0x1  }
0x351: {  	v4 =	vadd.s32 v1, v4;
	_ =	sdelay $0x4  }
0x352: {  	[tilespmem:s0], [sflag:$0x1] =	stream.indirect_vreg.gather [hbm4b:s1+s2], $0x80, v4, vm0, $0xb8;
	[tilespmem:$0x1C800] =	vst v63  }
0x353: {  	s14 =	simm.s32 $0x9000;
	v3 =	vperm.xlane v3, v2  }
0x354: {  	[tilespmem:s14], [sflag:$0x1] =	stream.indirect_vreg.gather [hbm4b:s6+s2], $0x80, v4, vm0, $0xb8;
	[tilespmem:$0x1C800] =	vst v63  }
0x355: {  	s30 =	simm.s32 $0x9800;
	v3 =	vadd.s32 v1, v3  }
0x356: {  	[tilespmem:s30], [sflag:$0x1] =	stream.indirect_vreg.gather [hbm4b:s7+s2], $0x80, v4, vm0, $0xb8;
	[tilespmem:$0x1C800] =	vst v63  }
0x357: {  	s5 =	simm.s32 $0xA000  }
0x358: {  	[tilespmem:s5], [sflag:$0x1] =	stream.indirect_vreg.gather [hbm4b:s8+s2], $0x80, v4, vm0, $0xb8;
	[tilespmem:$0x1C800] =	vst v63  }
0x359: {  	s9 =	simm.s32 $0xA800  }
0x35a: {  	[tilespmem:s9], [sflag:$0x1] =	stream.indirect_vreg.gather [hbm4b:s1+s2], $0x80, v3, vm0, $0xb8;
	[tilespmem:$0x1C800] =	vst v63  }
0x35b: {  	s11 =	simm.s32 $0xB000  }
0x35c: {  	[tilespmem:s11], [sflag:$0x1] =	stream.indirect_vreg.gather [hbm4b:s6+s2], $0x80, v3, vm0, $0xb8;
	[tilespmem:$0x1C800] =	vst v63  }
0x35d: {  	s14 =	simm.s32 $0xB800  }
0x35e: {  	[tilespmem:s14], [sflag:$0x1] =	stream.indirect_vreg.gather [hbm4b:s7+s2], $0x80, v3, vm0, $0xb8;
	[tilespmem:$0x1C800] =	vst v63  }
0x35f: {  	_ = 	snop  }
0x360: {  	[tilespmem:s12], [sflag:$0x1] =	stream.indirect_vreg.gather [hbm4b:s8+s2], $0x80, v3, vm0, $0xb8;
	[tilespmem:$0x1C800] =	vst v63  }
0x361: {  	_ =	swait.ge [sflag:s20], $0x4000  }
0x362: {  	[sflag:s20] =	ssyncset.done $0x0  }
0x363: {  	[sflag:s20] =	ssyncadd.s32 $0xFFFFC000  }
0x364: {  	s30 =	sand.u32 $0x2000, s2;
	s5 =	sand.u32 $0x1C00, s2;
	_ =	swait.ge [sflag:s17], $0x4000  }
0x365: {  	s4 =	sor.u32 s5, s30;
	s2 =	sand.u32 $0x380, s2;
	[sflag:s17] =	ssyncset.done $0x0  }
0x366: {  	s2 =	sor.u32 s2, s4;
	[sflag:s17] =	ssyncadd.s32 $0xFFFFC000  }
0x367: {  	v3 =	vld [tilespmem:s2+$0x4870]  }
0x368: {  	v6 =	vld [tilespmem:s2+$0x4800]  }
0x369: {  	v7 =	vld [tilespmem:s2+$0x4810]  }
0x36a: {  	v8 =	vld [tilespmem:s2+$0x4820]  }
0x36b: {  	v9 =	vld [tilespmem:s2+$0x4830]  }
0x36c: {  	v5 =	vld [tilespmem:s2+$0x4840]  }
0x36d: {  	s31 =	sadd.s32 $0x8800, s2;
	v4 =	vld [tilespmem:s2+$0x4850]  }
0x36e: {  	[tilespmem:s31+$0x8070] =	vst.add.f32.msk $0xffff, v3  }
0x36f: {  	v3 =	vld [tilespmem:s2+$0x4860]  }
0x370: {  	[tilespmem:s2+$0x10800] =	vst.add.f32.msk $0xffff, v6  }
0x371: {  	[tilespmem:s31+$0x8010] =	vst.add.f32.msk $0xffff, v7  }
0x372: {  	s5 =	simm.s32 $0x80;
	[tilespmem:s31+$0x8020] =	vst.add.f32.msk $0xffff, v8  }
0x373: {  	s14 =	simm.s32 $0x0;
	s4 =	simm.s32 $0x400;
	[tilespmem:s31+$0x8030] =	vst.add.f32.msk $0xffff, v9;
	s2 =	simm.s32 $0x10  }
.LBB2_26:
0x374: {  	s9 =	sand.u32 $0x2000, s5;
	s11 =	sand.u32 $0x1C00, s4;
	s14 =	sadd.s32 $0x8, s14;
	[tilespmem:s31+$0x8040] =	vst.add.f32.msk $0xffff, v5  }
0x375: {  	s30 =	sand.u32 $0x380, s2;
	s9 =	sor.u32 s11, s9;
	p0 =	slt.u32 s14, $0x3F8;
	[tilespmem:s31+$0x8050] =	vst.add.f32.msk $0xffff, v4  }
0x376: {  	s9 =	sor.u32 s30, s9;
	[tilespmem:s31+$0x8060] =	vst.add.f32.msk $0xffff, v3  }
0x377: {  	v3 =	vld [tilespmem:s9+$0x4870]  }
0x378: {  	v6 =	vld [tilespmem:s9+$0x4800]  }
0x379: {  	v7 =	vld [tilespmem:s9+$0x4810]  }
0x37a: {  	v8 =	vld [tilespmem:s9+$0x4820]  }
0x37b: {  	s31 =	sadd.s32 $0x8800, s9;
	v9 =	vld [tilespmem:s9+$0x4830]  }
0x37c: {  	[tilespmem:s31+$0x8070] =	vst.add.f32.msk $0xffff, v3  }
0x37d: {  	v5 =	vld [tilespmem:s9+$0x4840]  }
0x37e: {  	v4 =	vld [tilespmem:s9+$0x4850]  }
.Ltmp12:
0x37f: {  	v3 =	vld [tilespmem:s9+$0x4860];
	(pc) =	sbr.rel @p0 .LBB2_26-.Ltmp12, $4  }
0x380: {  	[tilespmem:s9+$0x10800] =	vst.add.f32.msk $0xffff, v6  }
0x381: {  	[tilespmem:s31+$0x8010] =	vst.add.f32.msk $0xffff, v7  }
0x382: {  	[tilespmem:s31+$0x8020] =	vst.add.f32.msk $0xffff, v8  }
0x383: {  	s2 =	sadd.s32 $0x10, s2;
	s4 =	sadd.s32 $0x400, s4;
	s5 =	sadd.s32 $0x80, s5;
	[tilespmem:s31+$0x8030] =	vst.add.f32.msk $0xffff, v9  }
0x384: {  	[tilespmem:s31+$0x8040] =	vst.add.f32.msk $0xffff, v5  }
0x385: {  	[tilespmem:s31+$0x8050] =	vst.add.f32.msk $0xffff, v4  }
0x386: {  	[tilespmem:s31+$0x8060] =	vst.add.f32.msk $0xffff, v3  }
0x387: {  	s2 =	simm.s32 $0x0;
	s4 =	rddreg [dreg:$0x15]  }
0x388: {  	[hbm4b:s4+s2] =	stream.linear.scatter [tilespmem:s21], [sflag:$0x8], $0x4000, $0x38;
	[tilespmem:$0x1C800] =	vst v63  }
0x389: {  	s30 =	sand.u32 $0x2000, s2;
	s5 =	sand.u32 $0x1C00, s2;
	_ =	swait.ge [sflag:s19], $0x4000  }
0x38a: {  	s2 =	sand.u32 $0x380, s2;
	s4 =	sor.u32 s5, s30;
	[sflag:s19] =	ssyncset.done $0x0  }
0x38b: {  	s2 =	sor.u32 s2, s4;
	[sflag:s19] =	ssyncadd.s32 $0xFFFFC000  }
0x38c: {  	v3 =	vld [tilespmem:s2+$0x4870]  }
0x38d: {  	v6 =	vld [tilespmem:s2+$0x4800]  }
0x38e: {  	v7 =	vld [tilespmem:s2+$0x4810]  }
0x38f: {  	v8 =	vld [tilespmem:s2+$0x4820]  }
0x390: {  	v9 =	vld [tilespmem:s2+$0x4830]  }
0x391: {  	v5 =	vld [tilespmem:s2+$0x4840]  }
0x392: {  	s31 =	sadd.s32 $0x8800, s2;
	v4 =	vld [tilespmem:s2+$0x4850]  }
0x393: {  	[tilespmem:s31+$0xC070] =	vst.add.f32.msk $0xffff, v3  }
0x394: {  	v3 =	vld [tilespmem:s2+$0x4860]  }
0x395: {  	[tilespmem:s2+$0x14800] =	vst.add.f32.msk $0xffff, v6  }
0x396: {  	[tilespmem:s31+$0xC010] =	vst.add.f32.msk $0xffff, v7  }
0x397: {  	s14 =	simm.s32 $0x0;
	[tilespmem:s31+$0xC020] =	vst.add.f32.msk $0xffff, v8  }
0x398: {  	s5 =	simm.s32 $0x80;
	s4 =	simm.s32 $0x400;
	[tilespmem:s31+$0xC030] =	vst.add.f32.msk $0xffff, v9;
	s2 =	simm.s32 $0x10  }
.LBB2_28:
0x399: {  	s9 =	sand.u32 $0x2000, s5;
	s11 =	sand.u32 $0x1C00, s4;
	s14 =	sadd.s32 $0x8, s14;
	[tilespmem:s31+$0xC040] =	vst.add.f32.msk $0xffff, v5  }
0x39a: {  	s30 =	sand.u32 $0x380, s2;
	s9 =	sor.u32 s11, s9;
	p0 =	slt.u32 s14, $0x3F8;
	[tilespmem:s31+$0xC050] =	vst.add.f32.msk $0xffff, v4  }
0x39b: {  	s9 =	sor.u32 s30, s9;
	[tilespmem:s31+$0xC060] =	vst.add.f32.msk $0xffff, v3  }
0x39c: {  	v3 =	vld [tilespmem:s9+$0x4870]  }
0x39d: {  	v6 =	vld [tilespmem:s9+$0x4800]  }
0x39e: {  	v7 =	vld [tilespmem:s9+$0x4810]  }
0x39f: {  	v8 =	vld [tilespmem:s9+$0x4820]  }
0x3a0: {  	s31 =	sadd.s32 $0x8800, s9;
	v9 =	vld [tilespmem:s9+$0x4830]  }
0x3a1: {  	[tilespmem:s31+$0xC070] =	vst.add.f32.msk $0xffff, v3  }
0x3a2: {  	v5 =	vld [tilespmem:s9+$0x4840]  }
0x3a3: {  	v4 =	vld [tilespmem:s9+$0x4850]  }
.Ltmp13:
0x3a4: {  	v3 =	vld [tilespmem:s9+$0x4860];
	(pc) =	sbr.rel @p0 .LBB2_28-.Ltmp13, $4  }
0x3a5: {  	[tilespmem:s9+$0x14800] =	vst.add.f32.msk $0xffff, v6  }
0x3a6: {  	[tilespmem:s31+$0xC010] =	vst.add.f32.msk $0xffff, v7  }
0x3a7: {  	[tilespmem:s31+$0xC020] =	vst.add.f32.msk $0xffff, v8  }
0x3a8: {  	s2 =	sadd.s32 $0x10, s2;
	s4 =	sadd.s32 $0x400, s4;
	s5 =	sadd.s32 $0x80, s5;
	[tilespmem:s31+$0xC030] =	vst.add.f32.msk $0xffff, v9  }
0x3a9: {  	[tilespmem:s31+$0xC040] =	vst.add.f32.msk $0xffff, v5  }
0x3aa: {  	[tilespmem:s31+$0xC050] =	vst.add.f32.msk $0xffff, v4  }
0x3ab: {  	[tilespmem:s31+$0xC060] =	vst.add.f32.msk $0xffff, v3  }
0x3ac: {  	s2 =	simm.s32 $0x0;
	s4 =	rddreg [dreg:$0x18]  }
0x3ad: {  	[hbm4b:s4+s2] =	stream.linear.scatter [tilespmem:s10], [sflag:$0x9], $0x4000, $0x38;
	[tilespmem:$0x1C800] =	vst v63  }
0x3ae: {  	s30 =	sand.u32 $0x2000, s2;
	s5 =	sand.u32 $0x1C00, s2;
	_ =	swait.ge [sflag:s25], $0x4000  }
0x3af: {  	s2 =	sand.u32 $0x380, s2;
	s4 =	sor.u32 s5, s30;
	[sflag:s25] =	ssyncset.done $0x0  }
0x3b0: {  	s31 =	sor.u32 s2, s4;
	[sflag:s25] =	ssyncadd.s32 $0xFFFFC000  }
0x3b1: {  	v3 =	vld [tilespmem:s31+$0x4870]  }
0x3b2: {  	v6 =	vld [tilespmem:s31+$0x4800]  }
0x3b3: {  	v7 =	vld [tilespmem:s31+$0x4810]  }
0x3b4: {  	v8 =	vld [tilespmem:s31+$0x4820]  }
0x3b5: {  	v9 =	vld [tilespmem:s31+$0x4830]  }
0x3b6: {  	v5 =	vld [tilespmem:s31+$0x4840]  }
0x3b7: {  	v4 =	vld [tilespmem:s31+$0x4860]  }
0x3b8: {  	[tilespmem:s31+$0x18870] =	vst.add.f32.msk $0xffff, v3  }
0x3b9: {  	v3 =	vld [tilespmem:s31+$0x4850]  }
0x3ba: {  	[tilespmem:s31+$0x18800] =	vst.add.f32.msk $0xffff, v6  }
0x3bb: {  	[tilespmem:s31+$0x18810] =	vst.add.f32.msk $0xffff, v7  }
0x3bc: {  	s14 =	simm.s32 $0x0;
	[tilespmem:s31+$0x18820] =	vst.add.f32.msk $0xffff, v8  }
0x3bd: {  	s5 =	simm.s32 $0x80;
	s2 =	simm.s32 $0x10;
	s4 =	simm.s32 $0x400;
	[tilespmem:s31+$0x18830] =	vst.add.f32.msk $0xffff, v9  }
.LBB2_30:
0x3be: {  	s9 =	sand.u32 $0x2000, s5;
	s11 =	sand.u32 $0x1C00, s4;
	s14 =	sadd.s32 $0x8, s14;
	[tilespmem:s31+$0x18840] =	vst.add.f32.msk $0xffff, v5  }
0x3bf: {  	s30 =	sand.u32 $0x380, s2;
	s9 =	sor.u32 s11, s9;
	p0 =	slt.u32 s14, $0x3F8;
	[tilespmem:s31+$0x18850] =	vst.add.f32.msk $0xffff, v3  }
0x3c0: {  	[tilespmem:s31+$0x18860] =	vst.add.f32.msk $0xffff, v4;
	s31 =	sor.u32 s30, s9  }
0x3c1: {  	v3 =	vld [tilespmem:s31+$0x4870]  }
0x3c2: {  	v6 =	vld [tilespmem:s31+$0x4800]  }
0x3c3: {  	v7 =	vld [tilespmem:s31+$0x4810]  }
0x3c4: {  	v8 =	vld [tilespmem:s31+$0x4820]  }
0x3c5: {  	v9 =	vld [tilespmem:s31+$0x4830]  }
0x3c6: {  	[tilespmem:s31+$0x18870] =	vst.add.f32.msk $0xffff, v3  }
0x3c7: {  	v5 =	vld [tilespmem:s31+$0x4840]  }
0x3c8: {  	v3 =	vld [tilespmem:s31+$0x4850]  }
.Ltmp14:
0x3c9: {  	v4 =	vld [tilespmem:s31+$0x4860];
	(pc) =	sbr.rel @p0 .LBB2_30-.Ltmp14, $4  }
0x3ca: {  	[tilespmem:s31+$0x18800] =	vst.add.f32.msk $0xffff, v6  }
0x3cb: {  	[tilespmem:s31+$0x18810] =	vst.add.f32.msk $0xffff, v7  }
0x3cc: {  	[tilespmem:s31+$0x18820] =	vst.add.f32.msk $0xffff, v8  }
0x3cd: {  	s2 =	sadd.s32 $0x10, s2;
	s4 =	sadd.s32 $0x400, s4;
	s5 =	sadd.s32 $0x80, s5;
	[tilespmem:s31+$0x18830] =	vst.add.f32.msk $0xffff, v9  }
0x3ce: {  	[tilespmem:s31+$0x18840] =	vst.add.f32.msk $0xffff, v5  }
0x3cf: {  	[tilespmem:s31+$0x18850] =	vst.add.f32.msk $0xffff, v3  }
0x3d0: {  	[tilespmem:s31+$0x18860] =	vst.add.f32.msk $0xffff, v4  }
0x3d1: {  	s2 =	simm.s32 $0x0;
	s4 =	rddreg [dreg:$0x19]  }
0x3d2: {  	[hbm4b:s4+s2] =	stream.linear.scatter [tilespmem:s23], [sflag:$0xA], $0x4000, $0x38;
	[tilespmem:$0x1C800] =	vst v63  }
0x3d3: {  	s30 =	sand.u32 $0x2000, s2;
	s5 =	sand.u32 $0x1C00, s2;
	_ =	swait.ge [sflag:s22], $0x4000  }
0x3d4: {  	s2 =	sand.u32 $0x380, s2;
	s4 =	sor.u32 s5, s30;
	[sflag:s22] =	ssyncset.done $0x0  }
0x3d5: {  	s31 =	sor.u32 s2, s4;
	[sflag:s22] =	ssyncadd.s32 $0xFFFFC000  }
0x3d6: {  	v3 =	vld [tilespmem:s31+$0x4870]  }
0x3d7: {  	v6 =	vld [tilespmem:s31+$0x4800]  }
0x3d8: {  	v7 =	vld [tilespmem:s31+$0x4810]  }
0x3d9: {  	v8 =	vld [tilespmem:s31+$0x4820]  }
0x3da: {  	v9 =	vld [tilespmem:s31+$0x4830]  }
0x3db: {  	v5 =	vld [tilespmem:s31+$0x4840]  }
0x3dc: {  	v4 =	vld [tilespmem:s31+$0x4860]  }
0x3dd: {  	[tilespmem:s31+$0x8870] =	vst.add.f32.msk $0xffff, v3  }
0x3de: {  	v3 =	vld [tilespmem:s31+$0x4850]  }
0x3df: {  	[tilespmem:s31+$0x8800] =	vst.add.f32.msk $0xffff, v6  }
0x3e0: {  	[tilespmem:s31+$0x8810] =	vst.add.f32.msk $0xffff, v7  }
0x3e1: {  	s14 =	simm.s32 $0x0;
	[tilespmem:s31+$0x8820] =	vst.add.f32.msk $0xffff, v8  }
0x3e2: {  	s5 =	simm.s32 $0x80;
	s2 =	simm.s32 $0x10;
	s4 =	simm.s32 $0x400;
	[tilespmem:s31+$0x8830] =	vst.add.f32.msk $0xffff, v9  }
.LBB2_32:
0x3e3: {  	s9 =	sand.u32 $0x2000, s5;
	s11 =	sand.u32 $0x1C00, s4;
	s14 =	sadd.s32 $0x8, s14;
	[tilespmem:s31+$0x8840] =	vst.add.f32.msk $0xffff, v5  }
0x3e4: {  	s30 =	sand.u32 $0x380, s2;
	s9 =	sor.u32 s11, s9;
	p0 =	slt.u32 s14, $0x3F8;
	[tilespmem:s31+$0x8850] =	vst.add.f32.msk $0xffff, v3  }
0x3e5: {  	[tilespmem:s31+$0x8860] =	vst.add.f32.msk $0xffff, v4;
	s31 =	sor.u32 s30, s9  }
0x3e6: {  	v3 =	vld [tilespmem:s31+$0x4870]  }
0x3e7: {  	v6 =	vld [tilespmem:s31+$0x4800]  }
0x3e8: {  	v7 =	vld [tilespmem:s31+$0x4810]  }
0x3e9: {  	v8 =	vld [tilespmem:s31+$0x4820]  }
0x3ea: {  	v9 =	vld [tilespmem:s31+$0x4830]  }
0x3eb: {  	[tilespmem:s31+$0x8870] =	vst.add.f32.msk $0xffff, v3  }
0x3ec: {  	v5 =	vld [tilespmem:s31+$0x4840]  }
0x3ed: {  	v3 =	vld [tilespmem:s31+$0x4850]  }
.Ltmp15:
0x3ee: {  	v4 =	vld [tilespmem:s31+$0x4860];
	(pc) =	sbr.rel @p0 .LBB2_32-.Ltmp15, $4  }
0x3ef: {  	[tilespmem:s31+$0x8800] =	vst.add.f32.msk $0xffff, v6  }
0x3f0: {  	[tilespmem:s31+$0x8810] =	vst.add.f32.msk $0xffff, v7  }
0x3f1: {  	[tilespmem:s31+$0x8820] =	vst.add.f32.msk $0xffff, v8  }
0x3f2: {  	s2 =	sadd.s32 $0x10, s2;
	s4 =	sadd.s32 $0x400, s4;
	s5 =	sadd.s32 $0x80, s5;
	[tilespmem:s31+$0x8830] =	vst.add.f32.msk $0xffff, v9  }
0x3f3: {  	[tilespmem:s31+$0x8840] =	vst.add.f32.msk $0xffff, v5  }
0x3f4: {  	[tilespmem:s31+$0x8850] =	vst.add.f32.msk $0xffff, v3  }
0x3f5: {  	[tilespmem:s31+$0x8860] =	vst.add.f32.msk $0xffff, v4  }
0x3f6: {  	s2 =	rddreg [dreg:$0x1a]  }
0x3f7: {  	[hbm4b:s2+s3] =	stream.linear.scatter [tilespmem:s0], [sflag:$0x6], $0x4000, $0x38;
	[tilespmem:$0x1C800] =	vst v63  }
0x3f8: {  	_ =	swait.ge [sflag:s18], $0x4000  }
0x3f9: {  	[sflag:s18] =	ssyncset.done $0x0  }
0x3fa: {  	[sflag:s18] =	ssyncadd.s32 $0xFFFFC000  }
0x3fb: {  	_ =	swait.ge [sflag:s24], $0x4000  }
0x3fc: {  	[sflag:s24] =	ssyncset.done $0x0  }
0x3fd: {  	[sflag:s24] =	ssyncadd.s32 $0xFFFFC000  }
0x3fe: {  	_ =	swait.ge [sflag:s26], $0x4000  }
0x3ff: {  	[sflag:s26] =	ssyncset.done $0x0  }
0x400: {  	[sflag:s26] =	ssyncadd.s32 $0xFFFFC000  }
0x401: {  	_ =	swait.ge [sflag:s28], $0x4000  }
0x402: {  	[sflag:s28] =	ssyncset.done $0x0  }
0x403: {  	[sflag:s28] =	ssyncadd.s32 $0xFFFFC000  }
0x404: {  	_ =	swait.ge [sflag:s16], $0x4000  }
0x405: {  	s29 =	sadd.s32 $0x1, s29;
	s31 =	rddreg [dreg:$0x17]  }
0x406: {  	p0 =	sne.s32 s29, s31  }
.Ltmp16:
0x407: {  	_ = 	snop;
	(pc) =	sbr.rel @p0 .LBB2_1-.Ltmp16, $3  }
0x408: {  	_ =	sdelay $0x1  }
0x409: {  	[sflag:s16] =	ssyncset.done $0x0  }
0x40a: {  	[sflag:s16] =	ssyncadd.s32 $0xFFFFC000  }
0x40b: {  	_ =	sfence.sel $0x180000  }
0x40c: {  	[bflag:$0x0] =	sbarrier.arrive $0xFFFF  }
0x40d: {  	_ =	strace $0x90000047  }
0x40e: {  	s0 =	stileid.u32;
	[bflag:$0x2] =	sbarrier.arrive $0xFFFF  }
0x40f: {  	p0 =	sne.s32 s0, $0x0;
	s0 =	rddreg [dreg:$0x4]  }
0x410: {  	s0 =	sadd.s32 @!p0 $0x100000, s0  }
0x411: {  	[sflag:s0] =	ssyncadd.tile.s32 @!p0 $0x1;
	_ =	shalt  }
.Lfunc_end2:
_tile_overlayer_lowered:
.L_overlay_start_2:
0x412: {  	(tag) =	ssettag $0x2  }
0x413: {  	s0 =	rddreg [dreg:$0x0];
	s2 =	stileid.u32  }
0x414: {  	s1 =	rddreg [dreg:$0x1];
	p0 =	sne.s32 s2, $0x0  }
0x415: {  	s3 =	rddreg [dreg:$0x2];
	[bflag:$0x3] =	sbarrier.arrive $0xFFFF;
	s2 =	simm.s32 @!p0 $0x1C0C  }
0x416: {  	[timem:s3], [sflag:s2] =	dma.local @!p0 [hbm:s0], s1  }
0x417: {  	s0 =	simm.s32 @!p0 $0xC  }
0x418: {  	_ =	swait.ge @!p0 [sflag:s0], s1  }
0x419: {  	s1 =	ssub.s32 @!p0 $0x0, s1;
	[sflag:s0] =	ssyncset.done @!p0 $0x0  }
0x41a: {  	[sflag:s0] =	ssyncadd.s32 @!p0 s1  }
0x41b: {  	[bflag:$0x3] =	sbarrier.arrive $0xFFFF  }
0x41c: {  	_ =	shalt  }

</sc_bundles>
